<compile_context>
chip_gen: v7x
topology: tpu7x:2x2x1
jax: 0.10.2.dev20260603
libtpu: 0.0.44.dev20260713+nightly
codegen_flags: <defaults>
</compile_context>

<pallas_src>
import functools
import math

import jax
import jax.numpy as jnp
from jax import lax
from jax.experimental import pallas as pl
from jax.experimental.pallas import tpu as pltpu
from jax.experimental.pallas import tpu_sc as plsc

F32 = jnp.float32

N = 10000
E = 160000
D_IN = 128
D_ATTR = 4
FC_IN = 16
FC_HIDDEN = 64

NUM_TILES = 32
CHUNK = 64
CHUNKS_PER_TILE = 80
IDX_WIN = 40
NUM_WINDOWS = CHUNKS_PER_TILE // IDX_WIN
EDGES_PER_TILE = CHUNK * CHUNKS_PER_TILE
E_PAD = NUM_TILES * EDGES_PER_TILE
N_PAD = 10112
ROWS_PER_TILE = N_PAD // 16

INV_SQRT_FANIN = 1.0 / math.sqrt(float(D_IN * D_ATTR))
EDGE_W_SCALE = 1.0 / (math.sqrt(float(FC_HIDDEN)) * 2.0)
INV_SQRT_FCIN = 1.0 / math.sqrt(float(FC_IN))


def _nodes_body(x_ref, na_ref, wcat_ref, nsc_ref, nf_ref):
    x = x_ref[...]
    na = na_ref[...]
    acc = jnp.dot(x, wcat_ref[0], preferred_element_type=F32) * na[:, 0:1]
    for j in range(1, D_ATTR):
        acc += jnp.dot(x, wcat_ref[j], preferred_element_type=F32) * na[:, j : j + 1]
    acc *= INV_SQRT_FANIN
    nsc_ref[...] = acc[:, :D_IN]
    nf_ref[...] = acc[:, D_IN:]


def _nodes_call(x, node_attr, wcat):
    blk = 1000
    grid = N // blk
    return pl.pallas_call(
        _nodes_body,
        grid=(grid,),
        in_specs=[
            pl.BlockSpec((blk, D_IN), lambda i: (i, 0)),
            pl.BlockSpec((blk, D_ATTR), lambda i: (i, 0)),
            pl.BlockSpec((D_ATTR, D_IN, 2 * D_IN), lambda i: (0, 0, 0)),
        ],
        out_specs=[
            pl.BlockSpec((blk, D_IN), lambda i: (i, 0)),
            pl.BlockSpec((blk, D_IN), lambda i: (i, 0)),
        ],
        out_shape=[
            jax.ShapeDtypeStruct((N, D_IN), F32),
            jax.ShapeDtypeStruct((N, D_IN), F32),
        ],
    )(x, node_attr, wcat)


def _edges_body(es_ref, sh_ref, w1_ref, fc2_ref, w_ref):
    h = jax.nn.silu(jnp.dot(es_ref[...], w1_ref[...], preferred_element_type=F32)
                    * INV_SQRT_FCIN)
    sh = sh_ref[...]
    acc = jnp.dot(h, fc2_ref[0], preferred_element_type=F32) * sh[:, 0:1]
    for v in range(1, D_ATTR):
        acc += jnp.dot(h, fc2_ref[v], preferred_element_type=F32) * sh[:, v : v + 1]
    w_ref[...] = acc * EDGE_W_SCALE


def _edges_call(es_pad, sh_pad, fc_w1, fc2_t):
    blk = 512
    grid = E_PAD // blk
    return pl.pallas_call(
        _edges_body,
        grid=(grid,),
        in_specs=[
            pl.BlockSpec((blk, FC_IN), lambda i: (i, 0)),
            pl.BlockSpec((blk, D_ATTR), lambda i: (i, 0)),
            pl.BlockSpec((FC_IN, FC_HIDDEN), lambda i: (0, 0)),
            pl.BlockSpec((D_ATTR, FC_HIDDEN, D_IN), lambda i: (0, 0, 0)),
        ],
        out_specs=pl.BlockSpec((blk, D_IN), lambda i: (i, 0)),
        out_shape=jax.ShapeDtypeStruct((E_PAD, D_IN), F32),
    )(es_pad, sh_pad, fc_w1, fc2_t)


def _sc_cnt_call(dst_r, z128):
    mesh = plsc.VectorSubcoreMesh(core_axis_name="c", subcore_axis_name="s")

    @functools.partial(
        pl.kernel,
        mesh=mesh,
        out_type=jax.ShapeDtypeStruct((2, N_PAD, D_IN), F32),
        scratch_types=[
            pltpu.VMEM((IDX_WIN, CHUNK), jnp.int32),
            pltpu.VMEM((CHUNK, D_IN), F32),
            pltpu.VMEM_SHARED((N_PAD, D_IN), F32),
        ],
    )
    def cnt_kernel(dst_hbm, z128_hbm, cnt_out, dst_v, ones_v, agg_sh):
        c = lax.axis_index("c")
        s = lax.axis_index("s")
        wid = s * 2 + c
        row0 = s * ROWS_PER_TILE

        ones16 = jnp.ones((16,), F32)

        @pl.loop(0, CHUNK)
        def _(r):
            for cc in range(0, D_IN, 16):
                ones_v[r, pl.ds(cc, 16)] = ones16

        pltpu.sync_copy(z128_hbm.at[pl.ds(row0, ROWS_PER_TILE)],
                        agg_sh.at[pl.ds(row0, ROWS_PER_TILE)])
        plsc.subcore_barrier()

        for wi in range(NUM_WINDOWS):
            pltpu.sync_copy(dst_hbm.at[wid].at[wi], dst_v)

            @pl.loop(0, IDX_WIN)
            def _(j):
                pltpu.sync_copy(ones_v, agg_sh.at[dst_v.at[j]], add=True)

        plsc.subcore_barrier()
        pltpu.sync_copy(agg_sh.at[pl.ds(row0, ROWS_PER_TILE)],
                        cnt_out.at[c].at[pl.ds(row0, ROWS_PER_TILE)])

    return cnt_kernel(dst_r, z128)


def _sc_call(nf, w_edge, src_r, dst_r, z128):
    mesh = plsc.VectorSubcoreMesh(core_axis_name="c", subcore_axis_name="s")

    @functools.partial(
        pl.kernel,
        mesh=mesh,
        out_type=jax.ShapeDtypeStruct((2, N_PAD, D_IN), F32),
        scratch_types=[
            pltpu.VMEM((IDX_WIN, CHUNK), jnp.int32),
            pltpu.VMEM((IDX_WIN, CHUNK), jnp.int32),
            pltpu.VMEM((CHUNK, D_IN), F32),
            pltpu.VMEM((CHUNK, D_IN), F32),
            pltpu.VMEM((CHUNK, D_IN), F32),
            pltpu.VMEM((CHUNK, D_IN), F32),
            pltpu.SemaphoreType.DMA,
            pltpu.SemaphoreType.DMA,
            pltpu.SemaphoreType.DMA,
            pltpu.SemaphoreType.DMA,
            pltpu.VMEM_SHARED((N_PAD, D_IN), F32),
        ],
    )
    def sc_kernel(nf_hbm, w_hbm, src_hbm, dst_hbm, z128_hbm,
                  agg_out,
                  src_v, dst_v, w_v0, w_v1, rows_v0, rows_v1,
                  wsem0, wsem1, gsem0, gsem1, agg_sh):
        c = lax.axis_index("c")
        s = lax.axis_index("s")
        wid = s * 2 + c
        w_bufs = (w_v0, w_v1)
        r_bufs = (rows_v0, rows_v1)
        w_sems = (wsem0, wsem1)
        g_sems = (gsem0, gsem1)

        row0 = s * ROWS_PER_TILE

        pltpu.sync_copy(z128_hbm.at[pl.ds(row0, ROWS_PER_TILE)],
                        agg_sh.at[pl.ds(row0, ROWS_PER_TILE)])
        plsc.subcore_barrier()

        def fetch(win_base, jj, b):
            pltpu.async_copy(w_hbm.at[pl.ds(win_base + jj * CHUNK, CHUNK)],
                             w_bufs[b], w_sems[b])
            pltpu.async_copy(nf_hbm.at[src_v.at[jj]], r_bufs[b], g_sems[b])

        def consume(win_base, jj, b):
            pltpu.make_async_copy(w_hbm.at[pl.ds(win_base, CHUNK)],
                                  w_bufs[b], w_sems[b]).wait()
            pltpu.make_async_copy(nf_hbm.at[src_v.at[jj]],
                                  r_bufs[b], g_sems[b]).wait()
            rv, wv = r_bufs[b], w_bufs[b]

            @pl.loop(0, CHUNK)
            def _(r):
                for cc in range(0, D_IN, 16):
                    rv[r, pl.ds(cc, 16)] = (
                        rv[r, pl.ds(cc, 16)] * wv[r, pl.ds(cc, 16)]
                    )

            pltpu.sync_copy(rv, agg_sh.at[dst_v.at[jj]], add=True)

        for wi in range(NUM_WINDOWS):
            win_base = (wid * CHUNKS_PER_TILE + wi * IDX_WIN) * CHUNK
            pltpu.sync_copy(src_hbm.at[wid].at[wi], src_v)
            pltpu.sync_copy(dst_hbm.at[wid].at[wi], dst_v)

            for b in range(2):
                fetch(win_base, b, b)

            @pl.loop(0, IDX_WIN - 2, step=2)
            def _(j):
                for b in range(2):
                    consume(win_base, j + b, b)
                    fetch(win_base, j + b + 2, b)

            for b in range(2):
                consume(win_base, IDX_WIN - 2 + b, b)

        plsc.subcore_barrier()
        pltpu.sync_copy(agg_sh.at[pl.ds(row0, ROWS_PER_TILE)],
                        agg_out.at[c].at[pl.ds(row0, ROWS_PER_TILE)])

    return sc_kernel(nf, w_edge, src_r, dst_r, z128)


def _combine_body(aggp_ref, cntp_ref, nsc_ref, na_ref, w2_ref, wa_ref, out_ref):
    agg = aggp_ref[0] + aggp_ref[1]
    cnt = (cntp_ref[0] + cntp_ref[1])[:, 0:1]
    nf2 = agg / jnp.maximum(cnt, 1.0)
    na = na_ref[...]
    wa = wa_ref[...]
    conv = jnp.dot(nf2, w2_ref[0], preferred_element_type=F32) * na[:, 0:1]
    alpha = jnp.sum(nf2 * wa[0:1, :], axis=1, keepdims=True) * na[:, 0:1]
    for j in range(1, D_ATTR):
        conv += jnp.dot(nf2, w2_ref[j], preferred_element_type=F32) * na[:, j : j + 1]
        alpha += jnp.sum(nf2 * wa[j : j + 1, :], axis=1, keepdims=True) * na[:, j : j + 1]
    out_ref[...] = nsc_ref[...] + (alpha * INV_SQRT_FANIN) * (conv * INV_SQRT_FANIN)


def _combine_call(aggp, cntp, nsc, node_attr, w2_t, wa2):
    blk = 1000
    grid = N // blk
    return pl.pallas_call(
        _combine_body,
        grid=(grid,),
        in_specs=[
            pl.BlockSpec((2, blk, D_IN), lambda i: (0, i, 0)),
            pl.BlockSpec((2, blk, D_IN), lambda i: (0, i, 0)),
            pl.BlockSpec((blk, D_IN), lambda i: (i, 0)),
            pl.BlockSpec((blk, D_ATTR), lambda i: (i, 0)),
            pl.BlockSpec((D_ATTR, D_IN, D_IN), lambda i: (0, 0, 0)),
            pl.BlockSpec((D_ATTR, D_IN), lambda i: (0, 0)),
        ],
        out_specs=pl.BlockSpec((blk, D_IN), lambda i: (i, 0)),
        out_shape=jax.ShapeDtypeStruct((N, D_IN), F32),
    )(aggp, cntp, nsc, node_attr, w2_t, wa2)


def kernel(x, node_attr, edge_index, edge_attr_sh, edge_scalars,
           W_sc, W_lin1, fc_w1, fc_w2, W_lin2, W_alpha):
    wcat = jnp.concatenate(
        [W_sc.transpose(1, 0, 2), W_lin1.transpose(1, 0, 2)], axis=-1)
    fc2_t = fc_w2.reshape(FC_HIDDEN, D_IN, D_ATTR).transpose(2, 0, 1)
    w2_t = W_lin2.transpose(1, 0, 2)
    wa2 = W_alpha[:, :, 0].transpose(1, 0)

    es_pad = jnp.pad(edge_scalars, ((0, E_PAD - E), (0, 0)))
    sh_pad = jnp.pad(edge_attr_sh, ((0, E_PAD - E), (0, 0)))
    src_r = jnp.pad(edge_index[0], (0, E_PAD - E)).reshape(
        NUM_TILES, NUM_WINDOWS, IDX_WIN, CHUNK)
    dst_r = jnp.pad(edge_index[1], (0, E_PAD - E),
                    constant_values=N).reshape(NUM_TILES, NUM_WINDOWS, IDX_WIN, CHUNK)
    z128 = jnp.zeros((N_PAD, D_IN), F32)

    cntp = _sc_cnt_call(dst_r, z128)
    nsc, nf = _nodes_call(x, node_attr, wcat)
    w_edge = _edges_call(es_pad, sh_pad, fc_w1, fc2_t)
    aggp = _sc_call(nf, w_edge, src_r, dst_r, z128)
    return _combine_call(aggp, cntp, nsc, node_attr, w2_t, wa2)

# --- scband reference (transcript-rebuilt; emitter-appended) ---
"""Pipeline reference for scband-graph-convolution-with-node-attrs-6098853560480 (READ-ONLY COPY).

The authoritative reference and input builder live on the scoring server;
editing this copy changes nothing except your own understanding.
"""

import jax, jax.numpy as jnp
import numpy as np

N = 10000
E = 160000
D_IN = 128
D_ATTR = 4
D_EDGE = 4
FC_IN = 16
FC_HIDDEN = 64
W_NUMEL = D_IN * D_EDGE  # uvu instruction weight numel = mul1 * mul2 = 512


def setup_inputs(seed: int = 0) -> dict:
    key = jax.random.key(seed)
    ks = jax.random.split(key, 12)
    x = jax.random.normal(ks[0], (N, D_IN), dtype=jnp.float32)
    node_attr = jax.random.normal(ks[1], (N, D_ATTR), dtype=jnp.float32)
    edge_index = jax.random.randint(ks[2], (2, E), 0, N, dtype=jnp.int32)
    edge_attr_sh = jax.random.normal(ks[3], (E, D_EDGE), dtype=jnp.float32)
    edge_scalars = jax.random.normal(ks[4], (E, FC_IN), dtype=jnp.float32)
    # learned parameters (all-scalar irreps -> FCTPs are bilinear maps)
    W_sc = jax.random.normal(ks[5], (D_IN, D_ATTR, D_IN), dtype=jnp.float32)
    W_lin1 = jax.random.normal(ks[6], (D_IN, D_ATTR, D_IN), dtype=jnp.float32)
    fc_w1 = jax.random.normal(ks[7], (FC_IN, FC_HIDDEN), dtype=jnp.float32)
    fc_w2 = jax.random.normal(ks[8], (FC_HIDDEN, W_NUMEL), dtype=jnp.float32)
    W_lin2 = jax.random.normal(ks[9], (D_IN, D_ATTR, D_IN), dtype=jnp.float32)
    # original zero-inits alpha; use small random weights so the conv path is nontrivial
    W_alpha = 0.05 * jax.random.normal(ks[10], (D_IN, D_ATTR, 1), dtype=jnp.float32)
    return {"x": x, "node_attr": node_attr, "edge_index": edge_index,
            "edge_attr_sh": edge_attr_sh, "edge_scalars": edge_scalars,
            "W_sc": W_sc, "W_lin1": W_lin1, "fc_w1": fc_w1, "fc_w2": fc_w2,
            "W_lin2": W_lin2, "W_alpha": W_alpha}


def _fctp(a, b, w):
    # FullyConnectedTensorProduct over scalar irreps: bilinear + e3nn path normalization
    fan_in = w.shape[0] * w.shape[1]
    return jnp.einsum('ni,nj,ijk->nk', a, b, w) / jnp.sqrt(float(fan_in))


def reference(x, node_attr, edge_index, edge_attr_sh, edge_scalars,
              W_sc, W_lin1, fc_w1, fc_w2, W_lin2, W_alpha):
    # fc: FullyConnectedNet([16, 64, 512], silu) with e3nn runtime weight normalization
    h = jax.nn.silu(edge_scalars @ fc_w1 / jnp.sqrt(float(FC_IN)))
    weight = (h @ fc_w2 / jnp.sqrt(float(FC_HIDDEN))).reshape(E, D_IN, D_EDGE)

    node_self_connection = _fctp(x, node_attr, W_sc)
    node_features = _fctp(x, node_attr, W_lin1)

    src = edge_index[0]
    dst = edge_index[1]
    gathered = node_features[src]  # [E, D_IN]
    # tp: 'uvu' instruction, external per-edge weights: out_u = sum_v x_u * sh_v * w_uv
    edge_features = jnp.einsum('eu,ev,euv->eu', gathered, edge_attr_sh, weight) / jnp.sqrt(float(D_EDGE))

    # scatter mean over destination nodes (dim_size=N, counts clamped to >=1)
    agg = jax.ops.segment_sum(edge_features, dst, num_segments=N)
    cnt = jax.ops.segment_sum(jnp.ones((E,), dtype=jnp.float32), dst, num_segments=N)
    node_features = agg / jnp.clip(cnt, 1.0)[:, None]

    alpha = _fctp(node_features, node_attr, W_alpha)  # [N, 1]
    node_conv_out = _fctp(node_features, node_attr, W_lin2)
    # sc.output_mask is all ones for scalar output irreps: alpha = 1 - m + alpha*m = alpha
    return node_self_connection + alpha * node_conv_out

if __name__ == "__main__":
    import jax
    _d = setup_inputs()
    print(jax.jit(kernel)(*tuple(_d.values())))

</pallas_src>

<mosaic_0001>
#map = affine_map<(d0, d1) -> (0, 0)>
#map1 = affine_map<(d0, d1) -> (0, 0, 0, 0)>
#map2 = affine_map<(d0, d1) -> (0, 0, 0)>
module attributes {stable_mosaic.version = 14 : i64} {
  func.func @sc_kernel(%arg0: i32, %arg1: i32, %arg2: memref<10000x128xf32, #tpu.memory_space<hbm>>, %arg3: memref<163840x128xf32, #tpu.memory_space<hbm>>, %arg4: memref<32x2x40x64xi32, #tpu.memory_space<hbm>>, %arg5: memref<32x2x40x64xi32, #tpu.memory_space<hbm>>, %arg6: memref<10112x128xf32, #tpu.memory_space<hbm>>, %arg7: memref<2x10112x128xf32, #tpu.memory_space<hbm>>, %arg8: memref<40x64xi32, #tpu.memory_space<vmem>>, %arg9: memref<40x64xi32, #tpu.memory_space<vmem>>, %arg10: memref<64x128xf32, #tpu.memory_space<vmem>>, %arg11: memref<64x128xf32, #tpu.memory_space<vmem>>, %arg12: memref<64x128xf32, #tpu.memory_space<vmem>>, %arg13: memref<64x128xf32, #tpu.memory_space<vmem>>, %arg14: memref<!tpu.dma_semaphore, #tpu.memory_space<semaphore_mem>>, %arg15: memref<!tpu.dma_semaphore, #tpu.memory_space<semaphore_mem>>, %arg16: memref<!tpu.dma_semaphore, #tpu.memory_space<semaphore_mem>>, %arg17: memref<!tpu.dma_semaphore, #tpu.memory_space<semaphore_mem>>, %arg18: memref<10112x128xf32, #tpu.memory_space<vmem_shared>>) attributes {dimension_semantics = [#tpu.dimension_semantics<core_parallel>, #tpu.dimension_semantics<subcore_parallel>], iteration_bounds = array<i64: 2, 16>, scalar_prefetch = 0 : i64, scratch_operands = 11 : i64, tpu.core_type = #tpu.core_type<sc_vector_subcore>, window_params = [{transform_indices = #map}, {transform_indices = #map}, {transform_indices = #map1}, {transform_indices = #map1}, {transform_indices = #map}, {transform_indices = #map2}]} {
    %mul3A = arith.constant 2 : i32
    %mul3A_0 = arith.muli %arg1, %mul3A : i32
    %add3A = arith.addi %mul3A_0, %arg0 : i32
    %mul3A_1 = arith.constant 632 : i32
    %mul3A_2 = arith.muli %arg1, %mul3A_1 : i32
    "tpu.region"() ({
      %run_scoped3A_146 = tpu.sem_alloc : memref<!tpu.dma_semaphore, #tpu.memory_space<semaphore_mem>>
      %dma_start3A_147 = arith.constant 0 : i32
      %dma_start3A_148 = tpu.memref_slice %arg18[%mul3A_2, %dma_start3A_147] : memref<10112x128xf32, #tpu.memory_space<vmem_shared>> -> memref<632x128xf32, #tpu.memory_space<vmem_shared>>
      %dma_start3A_149 = arith.constant 0 : i32
      %dma_start3A_150 = tpu.memref_slice %arg6[%mul3A_2, %dma_start3A_149] : memref<10112x128xf32, #tpu.memory_space<hbm>> -> memref<632x128xf32, #tpu.memory_space<hbm>>
      tpu.enqueue_dma source(%dma_start3A_150 : memref<632x128xf32, #tpu.memory_space<hbm>>) target(%dma_start3A_148 : memref<632x128xf32, #tpu.memory_space<vmem_shared>>) target_semaphore(%run_scoped3A_146 : memref<!tpu.dma_semaphore, #tpu.memory_space<semaphore_mem>>)
      %dma_wait3A_151 = arith.constant 0 : i32
      %dma_wait3A_152 = tpu.memref_slice %arg18[%mul3A_2, %dma_wait3A_151] : memref<10112x128xf32, #tpu.memory_space<vmem_shared>> -> memref<632x128xf32, #tpu.memory_space<vmem_shared>>
      %dma_wait3A_153 = arith.constant 0 : i32
      %dma_wait3A_154 = tpu.memref_slice %arg6[%mul3A_2, %dma_wait3A_153] : memref<10112x128xf32, #tpu.memory_space<hbm>> -> memref<632x128xf32, #tpu.memory_space<hbm>>
      tpu.wait_dma2 semaphore(%run_scoped3A_146 : memref<!tpu.dma_semaphore, #tpu.memory_space<semaphore_mem>>) src(%dma_wait3A_154 : memref<632x128xf32, #tpu.memory_space<hbm>>) dst(%dma_wait3A_152 : memref<632x128xf32, #tpu.memory_space<vmem_shared>>)
      tpu.yield
    }) : () -> ()
    %barrier3A = arith.constant 0 : index
    tpu.barrier barrier_id(%barrier3A)
    %mul3A_3 = arith.constant 80 : i32
    %mul3A_4 = arith.muli %add3A, %mul3A_3 : i32
    %add3A_5 = arith.constant 0 : i32
    %add3A_6 = arith.addi %mul3A_4, %add3A_5 : i32
    %mul3A_7 = arith.constant 64 : i32
    %mul3A_8 = arith.muli %add3A_6, %mul3A_7 : i32
    %run_scoped3A = arith.constant 0 : i32
    "tpu.region"() ({
      %run_scoped3A_146 = tpu.sem_alloc : memref<!tpu.dma_semaphore, #tpu.memory_space<semaphore_mem>>
      %dma_start3A_147 = arith.constant 0 : i32
      %dma_start3A_148 = arith.constant 0 : i32
      %dma_start3A_149 = arith.constant 0 : i32
      %dma_start3A_150 = tpu.memref_slice %arg4[%add3A, %dma_start3A_147, %dma_start3A_148, %dma_start3A_149] : memref<32x2x40x64xi32, #tpu.memory_space<hbm>> -> memref<1x2x40x64xi32, #tpu.memory_space<hbm>>
      %dma_start3A_151 = tpu.memref_squeeze %dma_start3A_150 : memref<1x2x40x64xi32, #tpu.memory_space<hbm>> -> memref<2x40x64xi32, #tpu.memory_space<hbm>>
      %dma_start3A_152 = arith.constant 0 : i32
      %dma_start3A_153 = arith.constant 0 : i32
      %dma_start3A_154 = tpu.memref_slice %dma_start3A_151[%run_scoped3A, %dma_start3A_152, %dma_start3A_153] : memref<2x40x64xi32, #tpu.memory_space<hbm>> -> memref<1x40x64xi32, #tpu.memory_space<hbm>>
      %dma_start3A_155 = tpu.memref_squeeze %dma_start3A_154 : memref<1x40x64xi32, #tpu.memory_space<hbm>> -> memref<40x64xi32, #tpu.memory_space<hbm>>
      %dma_start3A_156 = arith.constant 0 : i32
      %dma_start3A_157 = arith.constant 0 : i32
      %dma_start3A_158 = arith.constant 0 : i32
      %dma_start3A_159 = tpu.memref_slice %arg4[%add3A, %dma_start3A_156, %dma_start3A_157, %dma_start3A_158] : memref<32x2x40x64xi32, #tpu.memory_space<hbm>> -> memref<1x2x40x64xi32, #tpu.memory_space<hbm>>
      %dma_start3A_160 = tpu.memref_squeeze %dma_start3A_159 : memref<1x2x40x64xi32, #tpu.memory_space<hbm>> -> memref<2x40x64xi32, #tpu.memory_space<hbm>>
      %dma_start3A_161 = arith.constant 0 : i32
      %dma_start3A_162 = arith.constant 0 : i32
      %dma_start3A_163 = tpu.memref_slice %dma_start3A_160[%run_scoped3A, %dma_start3A_161, %dma_start3A_162] : memref<2x40x64xi32, #tpu.memory_space<hbm>> -> memref<1x40x64xi32, #tpu.memory_space<hbm>>
      %dma_start3A_164 = tpu.memref_squeeze %dma_start3A_163 : memref<1x40x64xi32, #tpu.memory_space<hbm>> -> memref<40x64xi32, #tpu.memory_space<hbm>>
      tpu.enqueue_dma source(%dma_start3A_164 : memref<40x64xi32, #tpu.memory_space<hbm>>) target(%arg8 : memref<40x64xi32, #tpu.memory_space<vmem>>) target_semaphore(%run_scoped3A_146 : memref<!tpu.dma_semaphore, #tpu.memory_space<semaphore_mem>>)
      %dma_wait3A_165 = arith.constant 0 : i32
      %dma_wait3A_166 = arith.constant 0 : i32
      %dma_wait3A_167 = arith.constant 0 : i32
      %dma_wait3A_168 = tpu.memref_slice %arg4[%add3A, %dma_wait3A_165, %dma_wait3A_166, %dma_wait3A_167] : memref<32x2x40x64xi32, #tpu.memory_space<hbm>> -> memref<1x2x40x64xi32, #tpu.memory_space<hbm>>
      %dma_wait3A_169 = tpu.memref_squeeze %dma_wait3A_168 : memref<1x2x40x64xi32, #tpu.memory_space<hbm>> -> memref<2x40x64xi32, #tpu.memory_space<hbm>>
      %dma_wait3A_170 = arith.constant 0 : i32
      %dma_wait3A_171 = arith.constant 0 : i32
      %dma_wait3A_172 = tpu.memref_slice %dma_wait3A_169[%run_scoped3A, %dma_wait3A_170, %dma_wait3A_171] : memref<2x40x64xi32, #tpu.memory_space<hbm>> -> memref<1x40x64xi32, #tpu.memory_space<hbm>>
      %dma_wait3A_173 = tpu.memref_squeeze %dma_wait3A_172 : memref<1x40x64xi32, #tpu.memory_space<hbm>> -> memref<40x64xi32, #tpu.memory_space<hbm>>
      %dma_wait3A_174 = arith.constant 0 : i32
      %dma_wait3A_175 = arith.constant 0 : i32
      %dma_wait3A_176 = arith.constant 0 : i32
      %dma_wait3A_177 = tpu.memref_slice %arg4[%add3A, %dma_wait3A_174, %dma_wait3A_175, %dma_wait3A_176] : memref<32x2x40x64xi32, #tpu.memory_space<hbm>> -> memref<1x2x40x64xi32, #tpu.memory_space<hbm>>
      %dma_wait3A_178 = tpu.memref_squeeze %dma_wait3A_177 : memref<1x2x40x64xi32, #tpu.memory_space<hbm>> -> memref<2x40x64xi32, #tpu.memory_space<hbm>>
      %dma_wait3A_179 = arith.constant 0 : i32
      %dma_wait3A_180 = arith.constant 0 : i32
      %dma_wait3A_181 = tpu.memref_slice %dma_wait3A_178[%run_scoped3A, %dma_wait3A_179, %dma_wait3A_180] : memref<2x40x64xi32, #tpu.memory_space<hbm>> -> memref<1x40x64xi32, #tpu.memory_space<hbm>>
      %dma_wait3A_182 = tpu.memref_squeeze %dma_wait3A_181 : memref<1x40x64xi32, #tpu.memory_space<hbm>> -> memref<40x64xi32, #tpu.memory_space<hbm>>
      tpu.wait_dma2 semaphore(%run_scoped3A_146 : memref<!tpu.dma_semaphore, #tpu.memory_space<semaphore_mem>>) src(%dma_wait3A_182 : memref<40x64xi32, #tpu.memory_space<hbm>>) dst(%arg8 : memref<40x64xi32, #tpu.memory_space<vmem>>)
      tpu.yield
    }) : () -> ()
    %run_scoped3A_9 = arith.constant 0 : i32
    "tpu.region"() ({
      %run_scoped3A_146 = tpu.sem_alloc : memref<!tpu.dma_semaphore, #tpu.memory_space<semaphore_mem>>
      %dma_start3A_147 = arith.constant 0 : i32
      %dma_start3A_148 = arith.constant 0 : i32
      %dma_start3A_149 = arith.constant 0 : i32
      %dma_start3A_150 = tpu.memref_slice %arg5[%add3A, %dma_start3A_147, %dma_start3A_148, %dma_start3A_149] : memref<32x2x40x64xi32, #tpu.memory_space<hbm>> -> memref<1x2x40x64xi32, #tpu.memory_space<hbm>>
      %dma_start3A_151 = tpu.memref_squeeze %dma_start3A_150 : memref<1x2x40x64xi32, #tpu.memory_space<hbm>> -> memref<2x40x64xi32, #tpu.memory_space<hbm>>
      %dma_start3A_152 = arith.constant 0 : i32
      %dma_start3A_153 = arith.constant 0 : i32
      %dma_start3A_154 = tpu.memref_slice %dma_start3A_151[%run_scoped3A_9, %dma_start3A_152, %dma_start3A_153] : memref<2x40x64xi32, #tpu.memory_space<hbm>> -> memref<1x40x64xi32, #tpu.memory_space<hbm>>
      %dma_start3A_155 = tpu.memref_squeeze %dma_start3A_154 : memref<1x40x64xi32, #tpu.memory_space<hbm>> -> memref<40x64xi32, #tpu.memory_space<hbm>>
      %dma_start3A_156 = arith.constant 0 : i32
      %dma_start3A_157 = arith.constant 0 : i32
      %dma_start3A_158 = arith.constant 0 : i32
      %dma_start3A_159 = tpu.memref_slice %arg5[%add3A, %dma_start3A_156, %dma_start3A_157, %dma_start3A_158] : memref<32x2x40x64xi32, #tpu.memory_space<hbm>> -> memref<1x2x40x64xi32, #tpu.memory_space<hbm>>
      %dma_start3A_160 = tpu.memref_squeeze %dma_start3A_159 : memref<1x2x40x64xi32, #tpu.memory_space<hbm>> -> memref<2x40x64xi32, #tpu.memory_space<hbm>>
      %dma_start3A_161 = arith.constant 0 : i32
      %dma_start3A_162 = arith.constant 0 : i32
      %dma_start3A_163 = tpu.memref_slice %dma_start3A_160[%run_scoped3A_9, %dma_start3A_161, %dma_start3A_162] : memref<2x40x64xi32, #tpu.memory_space<hbm>> -> memref<1x40x64xi32, #tpu.memory_space<hbm>>
      %dma_start3A_164 = tpu.memref_squeeze %dma_start3A_163 : memref<1x40x64xi32, #tpu.memory_space<hbm>> -> memref<40x64xi32, #tpu.memory_space<hbm>>
      tpu.enqueue_dma source(%dma_start3A_164 : memref<40x64xi32, #tpu.memory_space<hbm>>) target(%arg9 : memref<40x64xi32, #tpu.memory_space<vmem>>) target_semaphore(%run_scoped3A_146 : memref<!tpu.dma_semaphore, #tpu.memory_space<semaphore_mem>>)
      %dma_wait3A_165 = arith.constant 0 : i32
      %dma_wait3A_166 = arith.constant 0 : i32
      %dma_wait3A_167 = arith.constant 0 : i32
      %dma_wait3A_168 = tpu.memref_slice %arg5[%add3A, %dma_wait3A_165, %dma_wait3A_166, %dma_wait3A_167] : memref<32x2x40x64xi32, #tpu.memory_space<hbm>> -> memref<1x2x40x64xi32, #tpu.memory_space<hbm>>
      %dma_wait3A_169 = tpu.memref_squeeze %dma_wait3A_168 : memref<1x2x40x64xi32, #tpu.memory_space<hbm>> -> memref<2x40x64xi32, #tpu.memory_space<hbm>>
      %dma_wait3A_170 = arith.constant 0 : i32
      %dma_wait3A_171 = arith.constant 0 : i32
      %dma_wait3A_172 = tpu.memref_slice %dma_wait3A_169[%run_scoped3A_9, %dma_wait3A_170, %dma_wait3A_171] : memref<2x40x64xi32, #tpu.memory_space<hbm>> -> memref<1x40x64xi32, #tpu.memory_space<hbm>>
      %dma_wait3A_173 = tpu.memref_squeeze %dma_wait3A_172 : memref<1x40x64xi32, #tpu.memory_space<hbm>> -> memref<40x64xi32, #tpu.memory_space<hbm>>
      %dma_wait3A_174 = arith.constant 0 : i32
      %dma_wait3A_175 = arith.constant 0 : i32
      %dma_wait3A_176 = arith.constant 0 : i32
      %dma_wait3A_177 = tpu.memref_slice %arg5[%add3A, %dma_wait3A_174, %dma_wait3A_175, %dma_wait3A_176] : memref<32x2x40x64xi32, #tpu.memory_space<hbm>> -> memref<1x2x40x64xi32, #tpu.memory_space<hbm>>
      %dma_wait3A_178 = tpu.memref_squeeze %dma_wait3A_177 : memref<1x2x40x64xi32, #tpu.memory_space<hbm>> -> memref<2x40x64xi32, #tpu.memory_space<hbm>>
      %dma_wait3A_179 = arith.constant 0 : i32
      %dma_wait3A_180 = arith.constant 0 : i32
      %dma_wait3A_181 = tpu.memref_slice %dma_wait3A_178[%run_scoped3A_9, %dma_wait3A_179, %dma_wait3A_180] : memref<2x40x64xi32, #tpu.memory_space<hbm>> -> memref<1x40x64xi32, #tpu.memory_space<hbm>>
      %dma_wait3A_182 = tpu.memref_squeeze %dma_wait3A_181 : memref<1x40x64xi32, #tpu.memory_space<hbm>> -> memref<40x64xi32, #tpu.memory_space<hbm>>
      tpu.wait_dma2 semaphore(%run_scoped3A_146 : memref<!tpu.dma_semaphore, #tpu.memory_space<semaphore_mem>>) src(%dma_wait3A_182 : memref<40x64xi32, #tpu.memory_space<hbm>>) dst(%arg9 : memref<40x64xi32, #tpu.memory_space<vmem>>)
      tpu.yield
    }) : () -> ()
    %add3A_10 = arith.constant 0 : i32
    %add3A_11 = arith.addi %mul3A_8, %add3A_10 : i32
    %dma_start3A = arith.constant 0 : i32
    %dma_start3A_12 = tpu.memref_slice %arg3[%add3A_11, %dma_start3A] : memref<163840x128xf32, #tpu.memory_space<hbm>> -> memref<64x128xf32, #tpu.memory_space<hbm>>
    %dma_start3A_13 = arith.constant 0 : i32
    %dma_start3A_14 = tpu.memref_slice %arg3[%add3A_11, %dma_start3A_13] : memref<163840x128xf32, #tpu.memory_space<hbm>> -> memref<64x128xf32, #tpu.memory_space<hbm>>
    tpu.enqueue_dma source(%dma_start3A_14 : memref<64x128xf32, #tpu.memory_space<hbm>>) target(%arg10 : memref<64x128xf32, #tpu.memory_space<vmem>>) target_semaphore(%arg14 : memref<!tpu.dma_semaphore, #tpu.memory_space<semaphore_mem>>)
    %dma_start3A_15 = arith.constant 0 : i32
    %dma_start3A_16 = arith.constant 0 : i32
    %dma_start3A_17 = tpu.memref_slice %arg8[%dma_start3A_15, %dma_start3A_16] : memref<40x64xi32, #tpu.memory_space<vmem>> -> memref<1x64xi32, #tpu.memory_space<vmem>>
    %dma_start3A_18 = tpu.memref_squeeze %dma_start3A_17 : memref<1x64xi32, #tpu.memory_space<vmem>> -> memref<64xi32, #tpu.memory_space<vmem>>
    %dma_start3A_19 = arith.constant 0 : i32
    %dma_start3A_20 = arith.constant 0 : i32
    %dma_start3A_21 = tpu.memref_slice %arg2[%dma_start3A_19, %dma_start3A_20] : memref<10000x128xf32, #tpu.memory_space<hbm>> -> memref<10000x128xf32, #tpu.memory_space<hbm>>
    tpu.enqueue_indirect_dma source(%dma_start3A_21 : memref<10000x128xf32, #tpu.memory_space<hbm>>) target(%arg12 : memref<64x128xf32, #tpu.memory_space<vmem>>) offsets(%dma_start3A_18 : memref<64xi32, #tpu.memory_space<vmem>>) semaphore(%arg16 : memref<!tpu.dma_semaphore, #tpu.memory_space<semaphore_mem>>)
    %add3A_22 = arith.constant 64 : i32
    %add3A_23 = arith.addi %mul3A_8, %add3A_22 : i32
    %dma_start3A_24 = arith.constant 0 : i32
    %dma_start3A_25 = tpu.memref_slice %arg3[%add3A_23, %dma_start3A_24] : memref<163840x128xf32, #tpu.memory_space<hbm>> -> memref<64x128xf32, #tpu.memory_space<hbm>>
    %dma_start3A_26 = arith.constant 0 : i32
    %dma_start3A_27 = tpu.memref_slice %arg3[%add3A_23, %dma_start3A_26] : memref<163840x128xf32, #tpu.memory_space<hbm>> -> memref<64x128xf32, #tpu.memory_space<hbm>>
    tpu.enqueue_dma source(%dma_start3A_27 : memref<64x128xf32, #tpu.memory_space<hbm>>) target(%arg11 : memref<64x128xf32, #tpu.memory_space<vmem>>) target_semaphore(%arg15 : memref<!tpu.dma_semaphore, #tpu.memory_space<semaphore_mem>>)
    %dma_start3A_28 = arith.constant 1 : i32
    %dma_start3A_29 = arith.constant 0 : i32
    %dma_start3A_30 = tpu.memref_slice %arg8[%dma_start3A_28, %dma_start3A_29] : memref<40x64xi32, #tpu.memory_space<vmem>> -> memref<1x64xi32, #tpu.memory_space<vmem>>
    %dma_start3A_31 = tpu.memref_squeeze %dma_start3A_30 : memref<1x64xi32, #tpu.memory_space<vmem>> -> memref<64xi32, #tpu.memory_space<vmem>>
    %dma_start3A_32 = arith.constant 0 : i32
    %dma_start3A_33 = arith.constant 0 : i32
    %dma_start3A_34 = tpu.memref_slice %arg2[%dma_start3A_32, %dma_start3A_33] : memref<10000x128xf32, #tpu.memory_space<hbm>> -> memref<10000x128xf32, #tpu.memory_space<hbm>>
    tpu.enqueue_indirect_dma source(%dma_start3A_34 : memref<10000x128xf32, #tpu.memory_space<hbm>>) target(%arg13 : memref<64x128xf32, #tpu.memory_space<vmem>>) offsets(%dma_start3A_31 : memref<64xi32, #tpu.memory_space<vmem>>) semaphore(%arg17 : memref<!tpu.dma_semaphore, #tpu.memory_space<semaphore_mem>>)
    %scan3A = arith.constant 0 : i32
    %scan3A_35 = arith.constant 19 : i32
    %scan3A_36 = arith.addi %scan3A, %scan3A_35 : i32
    %scan3A_37 = arith.constant 1 : i32
    scf.for %scan3A_146 = %scan3A to %scan3A_36 step %scan3A_37  : i32 {
      %mul3A_147 = arith.constant 2 : i32
      %mul3A_148 = arith.muli %scan3A_146, %mul3A_147 : i32
      %add3A_149 = arith.constant 0 : i32
      %add3A_150 = arith.addi %add3A_149, %mul3A_148 : i32
      %add3A_151 = arith.constant 0 : i32
      %add3A_152 = arith.addi %add3A_150, %add3A_151 : i32
      %dma_wait3A_153 = arith.constant 0 : i32
      %dma_wait3A_154 = tpu.memref_slice %arg3[%mul3A_8, %dma_wait3A_153] : memref<163840x128xf32, #tpu.memory_space<hbm>> -> memref<64x128xf32, #tpu.memory_space<hbm>>
      %dma_wait3A_155 = arith.constant 0 : i32
      %dma_wait3A_156 = tpu.memref_slice %arg3[%mul3A_8, %dma_wait3A_155] : memref<163840x128xf32, #tpu.memory_space<hbm>> -> memref<64x128xf32, #tpu.memory_space<hbm>>
      tpu.wait_dma2 semaphore(%arg14 : memref<!tpu.dma_semaphore, #tpu.memory_space<semaphore_mem>>) src(%dma_wait3A_156 : memref<64x128xf32, #tpu.memory_space<hbm>>) dst(%arg10 : memref<64x128xf32, #tpu.memory_space<vmem>>)
      %dma_wait3A_157 = arith.constant 0 : i32
      %dma_wait3A_158 = tpu.memref_slice %arg8[%add3A_152, %dma_wait3A_157] : memref<40x64xi32, #tpu.memory_space<vmem>> -> memref<1x64xi32, #tpu.memory_space<vmem>>
      %dma_wait3A_159 = tpu.memref_squeeze %dma_wait3A_158 : memref<1x64xi32, #tpu.memory_space<vmem>> -> memref<64xi32, #tpu.memory_space<vmem>>
      %dma_wait3A_160 = arith.constant 0 : i32
      %dma_wait3A_161 = arith.constant 0 : i32
      %dma_wait3A_162 = tpu.memref_slice %arg2[%dma_wait3A_160, %dma_wait3A_161] : memref<10000x128xf32, #tpu.memory_space<hbm>> -> memref<10000x128xf32, #tpu.memory_space<hbm>>
      tpu.wait_indirect_dma semaphore(%arg16 : memref<!tpu.dma_semaphore, #tpu.memory_space<semaphore_mem>>) src(%dma_wait3A_162 : memref<10000x128xf32, #tpu.memory_space<hbm>>) dst(%arg12 : memref<64x128xf32, #tpu.memory_space<vmem>>)
      %scan3A_163 = arith.constant 0 : i32
      %scan3A_164 = arith.constant 64 : i32
      %scan3A_165 = arith.addi %scan3A_163, %scan3A_164 : i32
      %scan3A_166 = arith.constant 1 : i32
      scf.for %scan3A_219 = %scan3A_163 to %scan3A_165 step %scan3A_166  : i32 {
        %mul3A_220 = arith.constant 1 : i32
        %mul3A_221 = arith.muli %scan3A_219, %mul3A_220 : i32
        %add3A_222 = arith.constant 0 : i32
        %add3A_223 = arith.addi %add3A_222, %mul3A_221 : i32
        %get3A = arith.index_cast %add3A_223 : i32 to index
        %get3A_224 = arith.constant 0 : index
        %get3A_225 = tpu.vector_load %arg12[%get3A, %get3A_224] {strides = array<i32>} : memref<64x128xf32, #tpu.memory_space<vmem>>, vector<1x16xf32>,
        %get3A_226 = vector.shape_cast %get3A_225 : vector<1x16xf32> to vector<16xf32>
        %get3A_227 = arith.index_cast %add3A_223 : i32 to index
        %get3A_228 = arith.constant 0 : index
        %get3A_229 = tpu.vector_load %arg10[%get3A_227, %get3A_228] {strides = array<i32>} : memref<64x128xf32, #tpu.memory_space<vmem>>, vector<1x16xf32>,
        %get3A_230 = vector.shape_cast %get3A_229 : vector<1x16xf32> to vector<16xf32>
        %mul3A_231 = arith.mulf %get3A_226, %get3A_230 : vector<16xf32>
        %swap3A = arith.index_cast %add3A_223 : i32 to index
        %swap3A_232 = arith.constant 0 : index
        %swap3A_233 = tpu.vector_load %arg12[%swap3A, %swap3A_232] {strides = array<i32>} : memref<64x128xf32, #tpu.memory_space<vmem>>, vector<1x16xf32>,
        %swap3A_234 = vector.shape_cast %swap3A_233 : vector<1x16xf32> to vector<16xf32>
        %swap3A_235 = vector.shape_cast %mul3A_231 : vector<16xf32> to vector<1x16xf32>
        tpu.vector_store %arg12[%swap3A, %swap3A_232], %swap3A_235 {strides = array<i32>} : memref<64x128xf32, #tpu.memory_space<vmem>>, vector<1x16xf32>,
        %get3A_236 = arith.index_cast %add3A_223 : i32 to index
        %get3A_237 = arith.constant 16 : index
        %get3A_238 = tpu.vector_load %arg12[%get3A_236, %get3A_237] {strides = array<i32>} : memref<64x128xf32, #tpu.memory_space<vmem>>, vector<1x16xf32>,
        %get3A_239 = vector.shape_cast %get3A_238 : vector<1x16xf32> to vector<16xf32>
        %get3A_240 = arith.index_cast %add3A_223 : i32 to index
        %get3A_241 = arith.constant 16 : index
        %get3A_242 = tpu.vector_load %arg10[%get3A_240, %get3A_241] {strides = array<i32>} : memref<64x128xf32, #tpu.memory_space<vmem>>, vector<1x16xf32>,
        %get3A_243 = vector.shape_cast %get3A_242 : vector<1x16xf32> to vector<16xf32>
        %mul3A_244 = arith.mulf %get3A_239, %get3A_243 : vector<16xf32>
        %swap3A_245 = arith.index_cast %add3A_223 : i32 to index
        %swap3A_246 = arith.constant 16 : index
        %swap3A_247 = tpu.vector_load %arg12[%swap3A_245, %swap3A_246] {strides = array<i32>} : memref<64x128xf32, #tpu.memory_space<vmem>>, vector<1x16xf32>,
        %swap3A_248 = vector.shape_cast %swap3A_247 : vector<1x16xf32> to vector<16xf32>
        %swap3A_249 = vector.shape_cast %mul3A_244 : vector<16xf32> to vector<1x16xf32>
        tpu.vector_store %arg12[%swap3A_245, %swap3A_246], %swap3A_249 {strides = array<i32>} : memref<64x128xf32, #tpu.memory_space<vmem>>, vector<1x16xf32>,
        %get3A_250 = arith.index_cast %add3A_223 : i32 to index
        %get3A_251 = arith.constant 32 : index
        %get3A_252 = tpu.vector_load %arg12[%get3A_250, %get3A_251] {strides = array<i32>} : memref<64x128xf32, #tpu.memory_space<vmem>>, vector<1x16xf32>,
        %get3A_253 = vector.shape_cast %get3A_252 : vector<1x16xf32> to vector<16xf32>
        %get3A_254 = arith.index_cast %add3A_223 : i32 to index
        %get3A_255 = arith.constant 32 : index
        %get3A_256 = tpu.vector_load %arg10[%get3A_254, %get3A_255] {strides = array<i32>} : memref<64x128xf32, #tpu.memory_space<vmem>>, vector<1x16xf32>,
        %get3A_257 = vector.shape_cast %get3A_256 : vector<1x16xf32> to vector<16xf32>
        %mul3A_258 = arith.mulf %get3A_253, %get3A_257 : vector<16xf32>
        %swap3A_259 = arith.index_cast %add3A_223 : i32 to index
        %swap3A_260 = arith.constant 32 : index
        %swap3A_261 = tpu.vector_load %arg12[%swap3A_259, %swap3A_260] {strides = array<i32>} : memref<64x128xf32, #tpu.memory_space<vmem>>, vector<1x16xf32>,
        %swap3A_262 = vector.shape_cast %swap3A_261 : vector<1x16xf32> to vector<16xf32>
        %swap3A_263 = vector.shape_cast %mul3A_258 : vector<16xf32> to vector<1x16xf32>
        tpu.vector_store %arg12[%swap3A_259, %swap3A_260], %swap3A_263 {strides = array<i32>} : memref<64x128xf32, #tpu.memory_space<vmem>>, vector<1x16xf32>,
        %get3A_264 = arith.index_cast %add3A_223 : i32 to index
        %get3A_265 = arith.constant 48 : index
        %get3A_266 = tpu.vector_load %arg12[%get3A_264, %get3A_265] {strides = array<i32>} : memref<64x128xf32, #tpu.memory_space<vmem>>, vector<1x16xf32>,
        %get3A_267 = vector.shape_cast %get3A_266 : vector<1x16xf32> to vector<16xf32>
        %get3A_268 = arith.index_cast %add3A_223 : i32 to index
        %get3A_269 = arith.constant 48 : index
        %get3A_270 = tpu.vector_load %arg10[%get3A_268, %get3A_269] {strides = array<i32>} : memref<64x128xf32, #tpu.memory_space<vmem>>, vector<1x16xf32>,
        %get3A_271 = vector.shape_cast %get3A_270 : vector<1x16xf32> to vector<16xf32>
        %mul3A_272 = arith.mulf %get3A_267, %get3A_271 : vector<16xf32>
        %swap3A_273 = arith.index_cast %add3A_223 : i32 to index
        %swap3A_274 = arith.constant 48 : index
        %swap3A_275 = tpu.vector_load %arg12[%swap3A_273, %swap3A_274] {strides = array<i32>} : memref<64x128xf32, #tpu.memory_space<vmem>>, vector<1x16xf32>,
        %swap3A_276 = vector.shape_cast %swap3A_275 : vector<1x16xf32> to vector<16xf32>
        %swap3A_277 = vector.shape_cast %mul3A_272 : vector<16xf32> to vector<1x16xf32>
        tpu.vector_store %arg12[%swap3A_273, %swap3A_274], %swap3A_277 {strides = array<i32>} : memref<64x128xf32, #tpu.memory_space<vmem>>, vector<1x16xf32>,
        %get3A_278 = arith.index_cast %add3A_223 : i32 to index
        %get3A_279 = arith.constant 64 : index
        %get3A_280 = tpu.vector_load %arg12[%get3A_278, %get3A_279] {strides = array<i32>} : memref<64x128xf32, #tpu.memory_space<vmem>>, vector<1x16xf32>,
        %get3A_281 = vector.shape_cast %get3A_280 : vector<1x16xf32> to vector<16xf32>
        %get3A_282 = arith.index_cast %add3A_223 : i32 to index
        %get3A_283 = arith.constant 64 : index
        %get3A_284 = tpu.vector_load %arg10[%get3A_282, %get3A_283] {strides = array<i32>} : memref<64x128xf32, #tpu.memory_space<vmem>>, vector<1x16xf32>,
        %get3A_285 = vector.shape_cast %get3A_284 : vector<1x16xf32> to vector<16xf32>
        %mul3A_286 = arith.mulf %get3A_281, %get3A_285 : vector<16xf32>
        %swap3A_287 = arith.index_cast %add3A_223 : i32 to index
        %swap3A_288 = arith.constant 64 : index
        %swap3A_289 = tpu.vector_load %arg12[%swap3A_287, %swap3A_288] {strides = array<i32>} : memref<64x128xf32, #tpu.memory_space<vmem>>, vector<1x16xf32>,
        %swap3A_290 = vector.shape_cast %swap3A_289 : vector<1x16xf32> to vector<16xf32>
        %swap3A_291 = vector.shape_cast %mul3A_286 : vector<16xf32> to vector<1x16xf32>
        tpu.vector_store %arg12[%swap3A_287, %swap3A_288], %swap3A_291 {strides = array<i32>} : memref<64x128xf32, #tpu.memory_space<vmem>>, vector<1x16xf32>,
        %get3A_292 = arith.index_cast %add3A_223 : i32 to index
        %get3A_293 = arith.constant 80 : index
        %get3A_294 = tpu.vector_load %arg12[%get3A_292, %get3A_293] {strides = array<i32>} : memref<64x128xf32, #tpu.memory_space<vmem>>, vector<1x16xf32>,
        %get3A_295 = vector.shape_cast %get3A_294 : vector<1x16xf32> to vector<16xf32>
        %get3A_296 = arith.index_cast %add3A_223 : i32 to index
        %get3A_297 = arith.constant 80 : index
        %get3A_298 = tpu.vector_load %arg10[%get3A_296, %get3A_297] {strides = array<i32>} : memref<64x128xf32, #tpu.memory_space<vmem>>, vector<1x16xf32>,
        %get3A_299 = vector.shape_cast %get3A_298 : vector<1x16xf32> to vector<16xf32>
        %mul3A_300 = arith.mulf %get3A_295, %get3A_299 : vector<16xf32>
        %swap3A_301 = arith.index_cast %add3A_223 : i32 to index
        %swap3A_302 = arith.constant 80 : index
        %swap3A_303 = tpu.vector_load %arg12[%swap3A_301, %swap3A_302] {strides = array<i32>} : memref<64x128xf32, #tpu.memory_space<vmem>>, vector<1x16xf32>,
        %swap3A_304 = vector.shape_cast %swap3A_303 : vector<1x16xf32> to vector<16xf32>
        %swap3A_305 = vector.shape_cast %mul3A_300 : vector<16xf32> to vector<1x16xf32>
        tpu.vector_store %arg12[%swap3A_301, %swap3A_302], %swap3A_305 {strides = array<i32>} : memref<64x128xf32, #tpu.memory_space<vmem>>, vector<1x16xf32>,
        %get3A_306 = arith.index_cast %add3A_223 : i32 to index
        %get3A_307 = arith.constant 96 : index
        %get3A_308 = tpu.vector_load %arg12[%get3A_306, %get3A_307] {strides = array<i32>} : memref<64x128xf32, #tpu.memory_space<vmem>>, vector<1x16xf32>,
        %get3A_309 = vector.shape_cast %get3A_308 : vector<1x16xf32> to vector<16xf32>
        %get3A_310 = arith.index_cast %add3A_223 : i32 to index
        %get3A_311 = arith.constant 96 : index
        %get3A_312 = tpu.vector_load %arg10[%get3A_310, %get3A_311] {strides = array<i32>} : memref<64x128xf32, #tpu.memory_space<vmem>>, vector<1x16xf32>,
        %get3A_313 = vector.shape_cast %get3A_312 : vector<1x16xf32> to vector<16xf32>
        %mul3A_314 = arith.mulf %get3A_309, %get3A_313 : vector<16xf32>
        %swap3A_315 = arith.index_cast %add3A_223 : i32 to index
        %swap3A_316 = arith.constant 96 : index
        %swap3A_317 = tpu.vector_load %arg12[%swap3A_315, %swap3A_316] {strides = array<i32>} : memref<64x128xf32, #tpu.memory_space<vmem>>, vector<1x16xf32>,
        %swap3A_318 = vector.shape_cast %swap3A_317 : vector<1x16xf32> to vector<16xf32>
        %swap3A_319 = vector.shape_cast %mul3A_314 : vector<16xf32> to vector<1x16xf32>
        tpu.vector_store %arg12[%swap3A_315, %swap3A_316], %swap3A_319 {strides = array<i32>} : memref<64x128xf32, #tpu.memory_space<vmem>>, vector<1x16xf32>,
        %get3A_320 = arith.index_cast %add3A_223 : i32 to index
        %get3A_321 = arith.constant 112 : index
        %get3A_322 = tpu.vector_load %arg12[%get3A_320, %get3A_321] {strides = array<i32>} : memref<64x128xf32, #tpu.memory_space<vmem>>, vector<1x16xf32>,
        %get3A_323 = vector.shape_cast %get3A_322 : vector<1x16xf32> to vector<16xf32>
        %get3A_324 = arith.index_cast %add3A_223 : i32 to index
        %get3A_325 = arith.constant 112 : index
        %get3A_326 = tpu.vector_load %arg10[%get3A_324, %get3A_325] {strides = array<i32>} : memref<64x128xf32, #tpu.memory_space<vmem>>, vector<1x16xf32>,
        %get3A_327 = vector.shape_cast %get3A_326 : vector<1x16xf32> to vector<16xf32>
        %mul3A_328 = arith.mulf %get3A_323, %get3A_327 : vector<16xf32>
        %swap3A_329 = arith.index_cast %add3A_223 : i32 to index
        %swap3A_330 = arith.constant 112 : index
        %swap3A_331 = tpu.vector_load %arg12[%swap3A_329, %swap3A_330] {strides = array<i32>} : memref<64x128xf32, #tpu.memory_space<vmem>>, vector<1x16xf32>,
        %swap3A_332 = vector.shape_cast %swap3A_331 : vector<1x16xf32> to vector<16xf32>
        %swap3A_333 = vector.shape_cast %mul3A_328 : vector<16xf32> to vector<1x16xf32>
        tpu.vector_store %arg12[%swap3A_329, %swap3A_330], %swap3A_333 {strides = array<i32>} : memref<64x128xf32, #tpu.memory_space<vmem>>, vector<1x16xf32>,
      }
      %scan3A_167 = arith.constant 64 : i32
      "tpu.region"() ({
        %run_scoped3A_219 = tpu.sem_alloc : memref<!tpu.dma_semaphore, #tpu.memory_space<semaphore_mem>>
        %dma_start3A_220 = arith.constant 0 : i32
        %dma_start3A_221 = tpu.memref_slice %arg9[%add3A_152, %dma_start3A_220] : memref<40x64xi32, #tpu.memory_space<vmem>> -> memref<1x64xi32, #tpu.memory_space<vmem>>
        %dma_start3A_222 = tpu.memref_squeeze %dma_start3A_221 : memref<1x64xi32, #tpu.memory_space<vmem>> -> memref<64xi32, #tpu.memory_space<vmem>>
        %dma_start3A_223 = arith.constant 0 : i32
        %dma_start3A_224 = arith.constant 0 : i32
        %dma_start3A_225 = tpu.memref_slice %arg18[%dma_start3A_223, %dma_start3A_224] : memref<10112x128xf32, #tpu.memory_space<vmem_shared>> -> memref<10112x128xf32, #tpu.memory_space<vmem_shared>>
        tpu.enqueue_indirect_dma source(%arg12 : memref<64x128xf32, #tpu.memory_space<vmem>>) target(%dma_start3A_225 : memref<10112x128xf32, #tpu.memory_space<vmem_shared>>) offsets(%dma_start3A_222 : memref<64xi32, #tpu.memory_space<vmem>>) semaphore(%run_scoped3A_219 : memref<!tpu.dma_semaphore, #tpu.memory_space<semaphore_mem>>) {add = true}
        %dma_wait3A_226 = arith.constant 0 : i32
        %dma_wait3A_227 = tpu.memref_slice %arg9[%add3A_152, %dma_wait3A_226] : memref<40x64xi32, #tpu.memory_space<vmem>> -> memref<1x64xi32, #tpu.memory_space<vmem>>
        %dma_wait3A_228 = tpu.memref_squeeze %dma_wait3A_227 : memref<1x64xi32, #tpu.memory_space<vmem>> -> memref<64xi32, #tpu.memory_space<vmem>>
        %dma_wait3A_229 = arith.constant 0 : i32
        %dma_wait3A_230 = arith.constant 0 : i32
        %dma_wait3A_231 = tpu.memref_slice %arg18[%dma_wait3A_229, %dma_wait3A_230] : memref<10112x128xf32, #tpu.memory_space<vmem_shared>> -> memref<10112x128xf32, #tpu.memory_space<vmem_shared>>
        tpu.wait_indirect_dma semaphore(%run_scoped3A_219 : memref<!tpu.dma_semaphore, #tpu.memory_space<semaphore_mem>>) src(%arg12 : memref<64x128xf32, #tpu.memory_space<vmem>>) dst(%dma_wait3A_231 : memref<10112x128xf32, #tpu.memory_space<vmem_shared>>)
        tpu.yield
      }) : () -> ()
      %add3A_168 = arith.constant 0 : i32
      %add3A_169 = arith.addi %add3A_150, %add3A_168 : i32
      %add3A_170 = arith.constant 2 : i32
      %add3A_171 = arith.addi %add3A_169, %add3A_170 : i32
      %mul3A_172 = arith.constant 64 : i32
      %mul3A_173 = arith.muli %add3A_171, %mul3A_172 : i32
      %add3A_174 = arith.addi %mul3A_8, %mul3A_173 : i32
      %dma_start3A_175 = arith.constant 0 : i32
      %dma_start3A_176 = tpu.memref_slice %arg3[%add3A_174, %dma_start3A_175] : memref<163840x128xf32, #tpu.memory_space<hbm>> -> memref<64x128xf32, #tpu.memory_space<hbm>>
      %dma_start3A_177 = arith.constant 0 : i32
      %dma_start3A_178 = tpu.memref_slice %arg3[%add3A_174, %dma_start3A_177] : memref<163840x128xf32, #tpu.memory_space<hbm>> -> memref<64x128xf32, #tpu.memory_space<hbm>>
      tpu.enqueue_dma source(%dma_start3A_178 : memref<64x128xf32, #tpu.memory_space<hbm>>) target(%arg10 : memref<64x128xf32, #tpu.memory_space<vmem>>) target_semaphore(%arg14 : memref<!tpu.dma_semaphore, #tpu.memory_space<semaphore_mem>>)
      %dma_start3A_179 = arith.constant 0 : i32
      %dma_start3A_180 = tpu.memref_slice %arg8[%add3A_171, %dma_start3A_179] : memref<40x64xi32, #tpu.memory_space<vmem>> -> memref<1x64xi32, #tpu.memory_space<vmem>>
      %dma_start3A_181 = tpu.memref_squeeze %dma_start3A_180 : memref<1x64xi32, #tpu.memory_space<vmem>> -> memref<64xi32, #tpu.memory_space<vmem>>
      %dma_start3A_182 = arith.constant 0 : i32
      %dma_start3A_183 = arith.constant 0 : i32
      %dma_start3A_184 = tpu.memref_slice %arg2[%dma_start3A_182, %dma_start3A_183] : memref<10000x128xf32, #tpu.memory_space<hbm>> -> memref<10000x128xf32, #tpu.memory_space<hbm>>
      tpu.enqueue_indirect_dma source(%dma_start3A_184 : memref<10000x128xf32, #tpu.memory_space<hbm>>) target(%arg12 : memref<64x128xf32, #tpu.memory_space<vmem>>) offsets(%dma_start3A_181 : memref<64xi32, #tpu.memory_space<vmem>>) semaphore(%arg16 : memref<!tpu.dma_semaphore, #tpu.memory_space<semaphore_mem>>)
      %add3A_185 = arith.constant 1 : i32
      %add3A_186 = arith.addi %add3A_150, %add3A_185 : i32
      %dma_wait3A_187 = arith.constant 0 : i32
      %dma_wait3A_188 = tpu.memref_slice %arg3[%mul3A_8, %dma_wait3A_187] : memref<163840x128xf32, #tpu.memory_space<hbm>> -> memref<64x128xf32, #tpu.memory_space<hbm>>
      %dma_wait3A_189 = arith.constant 0 : i32
      %dma_wait3A_190 = tpu.memref_slice %arg3[%mul3A_8, %dma_wait3A_189] : memref<163840x128xf32, #tpu.memory_space<hbm>> -> memref<64x128xf32, #tpu.memory_space<hbm>>
      tpu.wait_dma2 semaphore(%arg15 : memref<!tpu.dma_semaphore, #tpu.memory_space<semaphore_mem>>) src(%dma_wait3A_190 : memref<64x128xf32, #tpu.memory_space<hbm>>) dst(%arg11 : memref<64x128xf32, #tpu.memory_space<vmem>>)
      %dma_wait3A_191 = arith.constant 0 : i32
      %dma_wait3A_192 = tpu.memref_slice %arg8[%add3A_186, %dma_wait3A_191] : memref<40x64xi32, #tpu.memory_space<vmem>> -> memref<1x64xi32, #tpu.memory_space<vmem>>
      %dma_wait3A_193 = tpu.memref_squeeze %dma_wait3A_192 : memref<1x64xi32, #tpu.memory_space<vmem>> -> memref<64xi32, #tpu.memory_space<vmem>>
      %dma_wait3A_194 = arith.constant 0 : i32
      %dma_wait3A_195 = arith.constant 0 : i32
      %dma_wait3A_196 = tpu.memref_slice %arg2[%dma_wait3A_194, %dma_wait3A_195] : memref<10000x128xf32, #tpu.memory_space<hbm>> -> memref<10000x128xf32, #tpu.memory_space<hbm>>
      tpu.wait_indirect_dma semaphore(%arg17 : memref<!tpu.dma_semaphore, #tpu.memory_space<semaphore_mem>>) src(%dma_wait3A_196 : memref<10000x128xf32, #tpu.memory_space<hbm>>) dst(%arg13 : memref<64x128xf32, #tpu.memory_space<vmem>>)
      %scan3A_197 = arith.constant 0 : i32
      %scan3A_198 = arith.constant 64 : i32
      %scan3A_199 = arith.addi %scan3A_197, %scan3A_198 : i32
      %scan3A_200 = arith.constant 1 : i32
      scf.for %scan3A_219 = %scan3A_197 to %scan3A_199 step %scan3A_200  : i32 {
        %mul3A_220 = arith.constant 1 : i32
        %mul3A_221 = arith.muli %scan3A_219, %mul3A_220 : i32
        %add3A_222 = arith.constant 0 : i32
        %add3A_223 = arith.addi %add3A_222, %mul3A_221 : i32
        %get3A = arith.index_cast %add3A_223 : i32 to index
        %get3A_224 = arith.constant 0 : index
        %get3A_225 = tpu.vector_load %arg13[%get3A, %get3A_224] {strides = array<i32>} : memref<64x128xf32, #tpu.memory_space<vmem>>, vector<1x16xf32>,
        %get3A_226 = vector.shape_cast %get3A_225 : vector<1x16xf32> to vector<16xf32>
        %get3A_227 = arith.index_cast %add3A_223 : i32 to index
        %get3A_228 = arith.constant 0 : index
        %get3A_229 = tpu.vector_load %arg11[%get3A_227, %get3A_228] {strides = array<i32>} : memref<64x128xf32, #tpu.memory_space<vmem>>, vector<1x16xf32>,
        %get3A_230 = vector.shape_cast %get3A_229 : vector<1x16xf32> to vector<16xf32>
        %mul3A_231 = arith.mulf %get3A_226, %get3A_230 : vector<16xf32>
        %swap3A = arith.index_cast %add3A_223 : i32 to index
        %swap3A_232 = arith.constant 0 : index
        %swap3A_233 = tpu.vector_load %arg13[%swap3A, %swap3A_232] {strides = array<i32>} : memref<64x128xf32, #tpu.memory_space<vmem>>, vector<1x16xf32>,
        %swap3A_234 = vector.shape_cast %swap3A_233 : vector<1x16xf32> to vector<16xf32>
        %swap3A_235 = vector.shape_cast %mul3A_231 : vector<16xf32> to vector<1x16xf32>
        tpu.vector_store %arg13[%swap3A, %swap3A_232], %swap3A_235 {strides = array<i32>} : memref<64x128xf32, #tpu.memory_space<vmem>>, vector<1x16xf32>,
        %get3A_236 = arith.index_cast %add3A_223 : i32 to index
        %get3A_237 = arith.constant 16 : index
        %get3A_238 = tpu.vector_load %arg13[%get3A_236, %get3A_237] {strides = array<i32>} : memref<64x128xf32, #tpu.memory_space<vmem>>, vector<1x16xf32>,
        %get3A_239 = vector.shape_cast %get3A_238 : vector<1x16xf32> to vector<16xf32>
        %get3A_240 = arith.index_cast %add3A_223 : i32 to index
        %get3A_241 = arith.constant 16 : index
        %get3A_242 = tpu.vector_load %arg11[%get3A_240, %get3A_241] {strides = array<i32>} : memref<64x128xf32, #tpu.memory_space<vmem>>, vector<1x16xf32>,
        %get3A_243 = vector.shape_cast %get3A_242 : vector<1x16xf32> to vector<16xf32>
        %mul3A_244 = arith.mulf %get3A_239, %get3A_243 : vector<16xf32>
        %swap3A_245 = arith.index_cast %add3A_223 : i32 to index
        %swap3A_246 = arith.constant 16 : index
        %swap3A_247 = tpu.vector_load %arg13[%swap3A_245, %swap3A_246] {strides = array<i32>} : memref<64x128xf32, #tpu.memory_space<vmem>>, vector<1x16xf32>,
        %swap3A_248 = vector.shape_cast %swap3A_247 : vector<1x16xf32> to vector<16xf32>
        %swap3A_249 = vector.shape_cast %mul3A_244 : vector<16xf32> to vector<1x16xf32>
        tpu.vector_store %arg13[%swap3A_245, %swap3A_246], %swap3A_249 {strides = array<i32>} : memref<64x128xf32, #tpu.memory_space<vmem>>, vector<1x16xf32>,
        %get3A_250 = arith.index_cast %add3A_223 : i32 to index
        %get3A_251 = arith.constant 32 : index
        %get3A_252 = tpu.vector_load %arg13[%get3A_250, %get3A_251] {strides = array<i32>} : memref<64x128xf32, #tpu.memory_space<vmem>>, vector<1x16xf32>,
        %get3A_253 = vector.shape_cast %get3A_252 : vector<1x16xf32> to vector<16xf32>
        %get3A_254 = arith.index_cast %add3A_223 : i32 to index
        %get3A_255 = arith.constant 32 : index
        %get3A_256 = tpu.vector_load %arg11[%get3A_254, %get3A_255] {strides = array<i32>} : memref<64x128xf32, #tpu.memory_space<vmem>>, vector<1x16xf32>,
        %get3A_257 = vector.shape_cast %get3A_256 : vector<1x16xf32> to vector<16xf32>
        %mul3A_258 = arith.mulf %get3A_253, %get3A_257 : vector<16xf32>
        %swap3A_259 = arith.index_cast %add3A_223 : i32 to index
        %swap3A_260 = arith.constant 32 : index
        %swap3A_261 = tpu.vector_load %arg13[%swap3A_259, %swap3A_260] {strides = array<i32>} : memref<64x128xf32, #tpu.memory_space<vmem>>, vector<1x16xf32>,
        %swap3A_262 = vector.shape_cast %swap3A_261 : vector<1x16xf32> to vector<16xf32>
        %swap3A_263 = vector.shape_cast %mul3A_258 : vector<16xf32> to vector<1x16xf32>
        tpu.vector_store %arg13[%swap3A_259, %swap3A_260], %swap3A_263 {strides = array<i32>} : memref<64x128xf32, #tpu.memory_space<vmem>>, vector<1x16xf32>,
        %get3A_264 = arith.index_cast %add3A_223 : i32 to index
        %get3A_265 = arith.constant 48 : index
        %get3A_266 = tpu.vector_load %arg13[%get3A_264, %get3A_265] {strides = array<i32>} : memref<64x128xf32, #tpu.memory_space<vmem>>, vector<1x16xf32>,
        %get3A_267 = vector.shape_cast %get3A_266 : vector<1x16xf32> to vector<16xf32>
        %get3A_268 = arith.index_cast %add3A_223 : i32 to index
        %get3A_269 = arith.constant 48 : index
        %get3A_270 = tpu.vector_load %arg11[%get3A_268, %get3A_269] {strides = array<i32>} : memref<64x128xf32, #tpu.memory_space<vmem>>, vector<1x16xf32>,
        %get3A_271 = vector.shape_cast %get3A_270 : vector<1x16xf32> to vector<16xf32>
        %mul3A_272 = arith.mulf %get3A_267, %get3A_271 : vector<16xf32>
        %swap3A_273 = arith.index_cast %add3A_223 : i32 to index
        %swap3A_274 = arith.constant 48 : index
        %swap3A_275 = tpu.vector_load %arg13[%swap3A_273, %swap3A_274] {strides = array<i32>} : memref<64x128xf32, #tpu.memory_space<vmem>>, vector<1x16xf32>,
        %swap3A_276 = vector.shape_cast %swap3A_275 : vector<1x16xf32> to vector<16xf32>
        %swap3A_277 = vector.shape_cast %mul3A_272 : vector<16xf32> to vector<1x16xf32>
        tpu.vector_store %arg13[%swap3A_273, %swap3A_274], %swap3A_277 {strides = array<i32>} : memref<64x128xf32, #tpu.memory_space<vmem>>, vector<1x16xf32>,
        %get3A_278 = arith.index_cast %add3A_223 : i32 to index
        %get3A_279 = arith.constant 64 : index
        %get3A_280 = tpu.vector_load %arg13[%get3A_278, %get3A_279] {strides = array<i32>} : memref<64x128xf32, #tpu.memory_space<vmem>>, vector<1x16xf32>,
        %get3A_281 = vector.shape_cast %get3A_280 : vector<1x16xf32> to vector<16xf32>
        %get3A_282 = arith.index_cast %add3A_223 : i32 to index
        %get3A_283 = arith.constant 64 : index
        %get3A_284 = tpu.vector_load %arg11[%get3A_282, %get3A_283] {strides = array<i32>} : memref<64x128xf32, #tpu.memory_space<vmem>>, vector<1x16xf32>,
        %get3A_285 = vector.shape_cast %get3A_284 : vector<1x16xf32> to vector<16xf32>
        %mul3A_286 = arith.mulf %get3A_281, %get3A_285 : vector<16xf32>
        %swap3A_287 = arith.index_cast %add3A_223 : i32 to index
        %swap3A_288 = arith.constant 64 : index
        %swap3A_289 = tpu.vector_load %arg13[%swap3A_287, %swap3A_288] {strides = array<i32>} : memref<64x128xf32, #tpu.memory_space<vmem>>, vector<1x16xf32>,
        %swap3A_290 = vector.shape_cast %swap3A_289 : vector<1x16xf32> to vector<16xf32>
        %swap3A_291 = vector.shape_cast %mul3A_286 : vector<16xf32> to vector<1x16xf32>
        tpu.vector_store %arg13[%swap3A_287, %swap3A_288], %swap3A_291 {strides = array<i32>} : memref<64x128xf32, #tpu.memory_space<vmem>>, vector<1x16xf32>,
        %get3A_292 = arith.index_cast %add3A_223 : i32 to index
        %get3A_293 = arith.constant 80 : index
        %get3A_294 = tpu.vector_load %arg13[%get3A_292, %get3A_293] {strides = array<i32>} : memref<64x128xf32, #tpu.memory_space<vmem>>, vector<1x16xf32>,
        %get3A_295 = vector.shape_cast %get3A_294 : vector<1x16xf32> to vector<16xf32>
        %get3A_296 = arith.index_cast %add3A_223 : i32 to index
        %get3A_297 = arith.constant 80 : index
        %get3A_298 = tpu.vector_load %arg11[%get3A_296, %get3A_297] {strides = array<i32>} : memref<64x128xf32, #tpu.memory_space<vmem>>, vector<1x16xf32>,
        %get3A_299 = vector.shape_cast %get3A_298 : vector<1x16xf32> to vector<16xf32>
        %mul3A_300 = arith.mulf %get3A_295, %get3A_299 : vector<16xf32>
        %swap3A_301 = arith.index_cast %add3A_223 : i32 to index
        %swap3A_302 = arith.constant 80 : index
        %swap3A_303 = tpu.vector_load %arg13[%swap3A_301, %swap3A_302] {strides = array<i32>} : memref<64x128xf32, #tpu.memory_space<vmem>>, vector<1x16xf32>,
        %swap3A_304 = vector.shape_cast %swap3A_303 : vector<1x16xf32> to vector<16xf32>
        %swap3A_305 = vector.shape_cast %mul3A_300 : vector<16xf32> to vector<1x16xf32>
        tpu.vector_store %arg13[%swap3A_301, %swap3A_302], %swap3A_305 {strides = array<i32>} : memref<64x128xf32, #tpu.memory_space<vmem>>, vector<1x16xf32>,
        %get3A_306 = arith.index_cast %add3A_223 : i32 to index
        %get3A_307 = arith.constant 96 : index
        %get3A_308 = tpu.vector_load %arg13[%get3A_306, %get3A_307] {strides = array<i32>} : memref<64x128xf32, #tpu.memory_space<vmem>>, vector<1x16xf32>,
        %get3A_309 = vector.shape_cast %get3A_308 : vector<1x16xf32> to vector<16xf32>
        %get3A_310 = arith.index_cast %add3A_223 : i32 to index
        %get3A_311 = arith.constant 96 : index
        %get3A_312 = tpu.vector_load %arg11[%get3A_310, %get3A_311] {strides = array<i32>} : memref<64x128xf32, #tpu.memory_space<vmem>>, vector<1x16xf32>,
        %get3A_313 = vector.shape_cast %get3A_312 : vector<1x16xf32> to vector<16xf32>
        %mul3A_314 = arith.mulf %get3A_309, %get3A_313 : vector<16xf32>
        %swap3A_315 = arith.index_cast %add3A_223 : i32 to index
        %swap3A_316 = arith.constant 96 : index
        %swap3A_317 = tpu.vector_load %arg13[%swap3A_315, %swap3A_316] {strides = array<i32>} : memref<64x128xf32, #tpu.memory_space<vmem>>, vector<1x16xf32>,
        %swap3A_318 = vector.shape_cast %swap3A_317 : vector<1x16xf32> to vector<16xf32>
        %swap3A_319 = vector.shape_cast %mul3A_314 : vector<16xf32> to vector<1x16xf32>
        tpu.vector_store %arg13[%swap3A_315, %swap3A_316], %swap3A_319 {strides = array<i32>} : memref<64x128xf32, #tpu.memory_space<vmem>>, vector<1x16xf32>,
        %get3A_320 = arith.index_cast %add3A_223 : i32 to index
        %get3A_321 = arith.constant 112 : index
        %get3A_322 = tpu.vector_load %arg13[%get3A_320, %get3A_321] {strides = array<i32>} : memref<64x128xf32, #tpu.memory_space<vmem>>, vector<1x16xf32>,
        %get3A_323 = vector.shape_cast %get3A_322 : vector<1x16xf32> to vector<16xf32>
        %get3A_324 = arith.index_cast %add3A_223 : i32 to index
        %get3A_325 = arith.constant 112 : index
        %get3A_326 = tpu.vector_load %arg11[%get3A_324, %get3A_325] {strides = array<i32>} : memref<64x128xf32, #tpu.memory_space<vmem>>, vector<1x16xf32>,
        %get3A_327 = vector.shape_cast %get3A_326 : vector<1x16xf32> to vector<16xf32>
        %mul3A_328 = arith.mulf %get3A_323, %get3A_327 : vector<16xf32>
        %swap3A_329 = arith.index_cast %add3A_223 : i32 to index
        %swap3A_330 = arith.constant 112 : index
        %swap3A_331 = tpu.vector_load %arg13[%swap3A_329, %swap3A_330] {strides = array<i32>} : memref<64x128xf32, #tpu.memory_space<vmem>>, vector<1x16xf32>,
        %swap3A_332 = vector.shape_cast %swap3A_331 : vector<1x16xf32> to vector<16xf32>
        %swap3A_333 = vector.shape_cast %mul3A_328 : vector<16xf32> to vector<1x16xf32>
        tpu.vector_store %arg13[%swap3A_329, %swap3A_330], %swap3A_333 {strides = array<i32>} : memref<64x128xf32, #tpu.memory_space<vmem>>, vector<1x16xf32>,
      }
      %scan3A_201 = arith.constant 64 : i32
      "tpu.region"() ({
        %run_scoped3A_219 = tpu.sem_alloc : memref<!tpu.dma_semaphore, #tpu.memory_space<semaphore_mem>>
        %dma_start3A_220 = arith.constant 0 : i32
        %dma_start3A_221 = tpu.memref_slice %arg9[%add3A_186, %dma_start3A_220] : memref<40x64xi32, #tpu.memory_space<vmem>> -> memref<1x64xi32, #tpu.memory_space<vmem>>
        %dma_start3A_222 = tpu.memref_squeeze %dma_start3A_221 : memref<1x64xi32, #tpu.memory_space<vmem>> -> memref<64xi32, #tpu.memory_space<vmem>>
        %dma_start3A_223 = arith.constant 0 : i32
        %dma_start3A_224 = arith.constant 0 : i32
        %dma_start3A_225 = tpu.memref_slice %arg18[%dma_start3A_223, %dma_start3A_224] : memref<10112x128xf32, #tpu.memory_space<vmem_shared>> -> memref<10112x128xf32, #tpu.memory_space<vmem_shared>>
        tpu.enqueue_indirect_dma source(%arg13 : memref<64x128xf32, #tpu.memory_space<vmem>>) target(%dma_start3A_225 : memref<10112x128xf32, #tpu.memory_space<vmem_shared>>) offsets(%dma_start3A_222 : memref<64xi32, #tpu.memory_space<vmem>>) semaphore(%run_scoped3A_219 : memref<!tpu.dma_semaphore, #tpu.memory_space<semaphore_mem>>) {add = true}
        %dma_wait3A_226 = arith.constant 0 : i32
        %dma_wait3A_227 = tpu.memref_slice %arg9[%add3A_186, %dma_wait3A_226] : memref<40x64xi32, #tpu.memory_space<vmem>> -> memref<1x64xi32, #tpu.memory_space<vmem>>
        %dma_wait3A_228 = tpu.memref_squeeze %dma_wait3A_227 : memref<1x64xi32, #tpu.memory_space<vmem>> -> memref<64xi32, #tpu.memory_space<vmem>>
        %dma_wait3A_229 = arith.constant 0 : i32
        %dma_wait3A_230 = arith.constant 0 : i32
        %dma_wait3A_231 = tpu.memref_slice %arg18[%dma_wait3A_229, %dma_wait3A_230] : memref<10112x128xf32, #tpu.memory_space<vmem_shared>> -> memref<10112x128xf32, #tpu.memory_space<vmem_shared>>
        tpu.wait_indirect_dma semaphore(%run_scoped3A_219 : memref<!tpu.dma_semaphore, #tpu.memory_space<semaphore_mem>>) src(%arg13 : memref<64x128xf32, #tpu.memory_space<vmem>>) dst(%dma_wait3A_231 : memref<10112x128xf32, #tpu.memory_space<vmem_shared>>)
        tpu.yield
      }) : () -> ()
      %add3A_202 = arith.constant 1 : i32
      %add3A_203 = arith.addi %add3A_150, %add3A_202 : i32
      %add3A_204 = arith.constant 2 : i32
      %add3A_205 = arith.addi %add3A_203, %add3A_204 : i32
      %mul3A_206 = arith.constant 64 : i32
      %mul3A_207 = arith.muli %add3A_205, %mul3A_206 : i32
      %add3A_208 = arith.addi %mul3A_8, %mul3A_207 : i32
      %dma_start3A_209 = arith.constant 0 : i32
      %dma_start3A_210 = tpu.memref_slice %arg3[%add3A_208, %dma_start3A_209] : memref<163840x128xf32, #tpu.memory_space<hbm>> -> memref<64x128xf32, #tpu.memory_space<hbm>>
      %dma_start3A_211 = arith.constant 0 : i32
      %dma_start3A_212 = tpu.memref_slice %arg3[%add3A_208, %dma_start3A_211] : memref<163840x128xf32, #tpu.memory_space<hbm>> -> memref<64x128xf32, #tpu.memory_space<hbm>>
      tpu.enqueue_dma source(%dma_start3A_212 : memref<64x128xf32, #tpu.memory_space<hbm>>) target(%arg11 : memref<64x128xf32, #tpu.memory_space<vmem>>) target_semaphore(%arg15 : memref<!tpu.dma_semaphore, #tpu.memory_space<semaphore_mem>>)
      %dma_start3A_213 = arith.constant 0 : i32
      %dma_start3A_214 = tpu.memref_slice %arg8[%add3A_205, %dma_start3A_213] : memref<40x64xi32, #tpu.memory_space<vmem>> -> memref<1x64xi32, #tpu.memory_space<vmem>>
      %dma_start3A_215 = tpu.memref_squeeze %dma_start3A_214 : memref<1x64xi32, #tpu.memory_space<vmem>> -> memref<64xi32, #tpu.memory_space<vmem>>
      %dma_start3A_216 = arith.constant 0 : i32
      %dma_start3A_217 = arith.constant 0 : i32
      %dma_start3A_218 = tpu.memref_slice %arg2[%dma_start3A_216, %dma_start3A_217] : memref<10000x128xf32, #tpu.memory_space<hbm>> -> memref<10000x128xf32, #tpu.memory_space<hbm>>
      tpu.enqueue_indirect_dma source(%dma_start3A_218 : memref<10000x128xf32, #tpu.memory_space<hbm>>) target(%arg13 : memref<64x128xf32, #tpu.memory_space<vmem>>) offsets(%dma_start3A_215 : memref<64xi32, #tpu.memory_space<vmem>>) semaphore(%arg17 : memref<!tpu.dma_semaphore, #tpu.memory_space<semaphore_mem>>)
    }
    %scan3A_38 = arith.constant 19 : i32
    %dma_wait3A = arith.constant 0 : i32
    %dma_wait3A_39 = tpu.memref_slice %arg3[%mul3A_8, %dma_wait3A] : memref<163840x128xf32, #tpu.memory_space<hbm>> -> memref<64x128xf32, #tpu.memory_space<hbm>>
    %dma_wait3A_40 = arith.constant 0 : i32
    %dma_wait3A_41 = tpu.memref_slice %arg3[%mul3A_8, %dma_wait3A_40] : memref<163840x128xf32, #tpu.memory_space<hbm>> -> memref<64x128xf32, #tpu.memory_space<hbm>>
    tpu.wait_dma2 semaphore(%arg14 : memref<!tpu.dma_semaphore, #tpu.memory_space<semaphore_mem>>) src(%dma_wait3A_41 : memref<64x128xf32, #tpu.memory_space<hbm>>) dst(%arg10 : memref<64x128xf32, #tpu.memory_space<vmem>>)
    %dma_wait3A_42 = arith.constant 38 : i32
    %dma_wait3A_43 = arith.constant 0 : i32
    %dma_wait3A_44 = tpu.memref_slice %arg8[%dma_wait3A_42, %dma_wait3A_43] : memref<40x64xi32, #tpu.memory_space<vmem>> -> memref<1x64xi32, #tpu.memory_space<vmem>>
    %dma_wait3A_45 = tpu.memref_squeeze %dma_wait3A_44 : memref<1x64xi32, #tpu.memory_space<vmem>> -> memref<64xi32, #tpu.memory_space<vmem>>
    %dma_wait3A_46 = arith.constant 0 : i32
    %dma_wait3A_47 = arith.constant 0 : i32
    %dma_wait3A_48 = tpu.memref_slice %arg2[%dma_wait3A_46, %dma_wait3A_47] : memref<10000x128xf32, #tpu.memory_space<hbm>> -> memref<10000x128xf32, #tpu.memory_space<hbm>>
    tpu.wait_indirect_dma semaphore(%arg16 : memref<!tpu.dma_semaphore, #tpu.memory_space<semaphore_mem>>) src(%dma_wait3A_48 : memref<10000x128xf32, #tpu.memory_space<hbm>>) dst(%arg12 : memref<64x128xf32, #tpu.memory_space<vmem>>)
    %scan3A_49 = arith.constant 0 : i32
    %scan3A_50 = arith.constant 64 : i32
    %scan3A_51 = arith.addi %scan3A_49, %scan3A_50 : i32
    %scan3A_52 = arith.constant 1 : i32
    scf.for %scan3A_146 = %scan3A_49 to %scan3A_51 step %scan3A_52  : i32 {
      %mul3A_147 = arith.constant 1 : i32
      %mul3A_148 = arith.muli %scan3A_146, %mul3A_147 : i32
      %add3A_149 = arith.constant 0 : i32
      %add3A_150 = arith.addi %add3A_149, %mul3A_148 : i32
      %get3A = arith.index_cast %add3A_150 : i32 to index
      %get3A_151 = arith.constant 0 : index
      %get3A_152 = tpu.vector_load %arg12[%get3A, %get3A_151] {strides = array<i32>} : memref<64x128xf32, #tpu.memory_space<vmem>>, vector<1x16xf32>,
      %get3A_153 = vector.shape_cast %get3A_152 : vector<1x16xf32> to vector<16xf32>
      %get3A_154 = arith.index_cast %add3A_150 : i32 to index
      %get3A_155 = arith.constant 0 : index
      %get3A_156 = tpu.vector_load %arg10[%get3A_154, %get3A_155] {strides = array<i32>} : memref<64x128xf32, #tpu.memory_space<vmem>>, vector<1x16xf32>,
      %get3A_157 = vector.shape_cast %get3A_156 : vector<1x16xf32> to vector<16xf32>
      %mul3A_158 = arith.mulf %get3A_153, %get3A_157 : vector<16xf32>
      %swap3A = arith.index_cast %add3A_150 : i32 to index
      %swap3A_159 = arith.constant 0 : index
      %swap3A_160 = tpu.vector_load %arg12[%swap3A, %swap3A_159] {strides = array<i32>} : memref<64x128xf32, #tpu.memory_space<vmem>>, vector<1x16xf32>,
      %swap3A_161 = vector.shape_cast %swap3A_160 : vector<1x16xf32> to vector<16xf32>
      %swap3A_162 = vector.shape_cast %mul3A_158 : vector<16xf32> to vector<1x16xf32>
      tpu.vector_store %arg12[%swap3A, %swap3A_159], %swap3A_162 {strides = array<i32>} : memref<64x128xf32, #tpu.memory_space<vmem>>, vector<1x16xf32>,
      %get3A_163 = arith.index_cast %add3A_150 : i32 to index
      %get3A_164 = arith.constant 16 : index
      %get3A_165 = tpu.vector_load %arg12[%get3A_163, %get3A_164] {strides = array<i32>} : memref<64x128xf32, #tpu.memory_space<vmem>>, vector<1x16xf32>,
      %get3A_166 = vector.shape_cast %get3A_165 : vector<1x16xf32> to vector<16xf32>
      %get3A_167 = arith.index_cast %add3A_150 : i32 to index
      %get3A_168 = arith.constant 16 : index
      %get3A_169 = tpu.vector_load %arg10[%get3A_167, %get3A_168] {strides = array<i32>} : memref<64x128xf32, #tpu.memory_space<vmem>>, vector<1x16xf32>,
      %get3A_170 = vector.shape_cast %get3A_169 : vector<1x16xf32> to vector<16xf32>
      %mul3A_171 = arith.mulf %get3A_166, %get3A_170 : vector<16xf32>
      %swap3A_172 = arith.index_cast %add3A_150 : i32 to index
      %swap3A_173 = arith.constant 16 : index
      %swap3A_174 = tpu.vector_load %arg12[%swap3A_172, %swap3A_173] {strides = array<i32>} : memref<64x128xf32, #tpu.memory_space<vmem>>, vector<1x16xf32>,
      %swap3A_175 = vector.shape_cast %swap3A_174 : vector<1x16xf32> to vector<16xf32>
      %swap3A_176 = vector.shape_cast %mul3A_171 : vector<16xf32> to vector<1x16xf32>
      tpu.vector_store %arg12[%swap3A_172, %swap3A_173], %swap3A_176 {strides = array<i32>} : memref<64x128xf32, #tpu.memory_space<vmem>>, vector<1x16xf32>,
      %get3A_177 = arith.index_cast %add3A_150 : i32 to index
      %get3A_178 = arith.constant 32 : index
      %get3A_179 = tpu.vector_load %arg12[%get3A_177, %get3A_178] {strides = array<i32>} : memref<64x128xf32, #tpu.memory_space<vmem>>, vector<1x16xf32>,
      %get3A_180 = vector.shape_cast %get3A_179 : vector<1x16xf32> to vector<16xf32>
      %get3A_181 = arith.index_cast %add3A_150 : i32 to index
      %get3A_182 = arith.constant 32 : index
      %get3A_183 = tpu.vector_load %arg10[%get3A_181, %get3A_182] {strides = array<i32>} : memref<64x128xf32, #tpu.memory_space<vmem>>, vector<1x16xf32>,
      %get3A_184 = vector.shape_cast %get3A_183 : vector<1x16xf32> to vector<16xf32>
      %mul3A_185 = arith.mulf %get3A_180, %get3A_184 : vector<16xf32>
      %swap3A_186 = arith.index_cast %add3A_150 : i32 to index
      %swap3A_187 = arith.constant 32 : index
      %swap3A_188 = tpu.vector_load %arg12[%swap3A_186, %swap3A_187] {strides = array<i32>} : memref<64x128xf32, #tpu.memory_space<vmem>>, vector<1x16xf32>,
      %swap3A_189 = vector.shape_cast %swap3A_188 : vector<1x16xf32> to vector<16xf32>
      %swap3A_190 = vector.shape_cast %mul3A_185 : vector<16xf32> to vector<1x16xf32>
      tpu.vector_store %arg12[%swap3A_186, %swap3A_187], %swap3A_190 {strides = array<i32>} : memref<64x128xf32, #tpu.memory_space<vmem>>, vector<1x16xf32>,
      %get3A_191 = arith.index_cast %add3A_150 : i32 to index
      %get3A_192 = arith.constant 48 : index
      %get3A_193 = tpu.vector_load %arg12[%get3A_191, %get3A_192] {strides = array<i32>} : memref<64x128xf32, #tpu.memory_space<vmem>>, vector<1x16xf32>,
      %get3A_194 = vector.shape_cast %get3A_193 : vector<1x16xf32> to vector<16xf32>
      %get3A_195 = arith.index_cast %add3A_150 : i32 to index
      %get3A_196 = arith.constant 48 : index
      %get3A_197 = tpu.vector_load %arg10[%get3A_195, %get3A_196] {strides = array<i32>} : memref<64x128xf32, #tpu.memory_space<vmem>>, vector<1x16xf32>,
      %get3A_198 = vector.shape_cast %get3A_197 : vector<1x16xf32> to vector<16xf32>
      %mul3A_199 = arith.mulf %get3A_194, %get3A_198 : vector<16xf32>
      %swap3A_200 = arith.index_cast %add3A_150 : i32 to index
      %swap3A_201 = arith.constant 48 : index
      %swap3A_202 = tpu.vector_load %arg12[%swap3A_200, %swap3A_201] {strides = array<i32>} : memref<64x128xf32, #tpu.memory_space<vmem>>, vector<1x16xf32>,
      %swap3A_203 = vector.shape_cast %swap3A_202 : vector<1x16xf32> to vector<16xf32>
      %swap3A_204 = vector.shape_cast %mul3A_199 : vector<16xf32> to vector<1x16xf32>
      tpu.vector_store %arg12[%swap3A_200, %swap3A_201], %swap3A_204 {strides = array<i32>} : memref<64x128xf32, #tpu.memory_space<vmem>>, vector<1x16xf32>,
      %get3A_205 = arith.index_cast %add3A_150 : i32 to index
      %get3A_206 = arith.constant 64 : index
      %get3A_207 = tpu.vector_load %arg12[%get3A_205, %get3A_206] {strides = array<i32>} : memref<64x128xf32, #tpu.memory_space<vmem>>, vector<1x16xf32>,
      %get3A_208 = vector.shape_cast %get3A_207 : vector<1x16xf32> to vector<16xf32>
      %get3A_209 = arith.index_cast %add3A_150 : i32 to index
      %get3A_210 = arith.constant 64 : index
      %get3A_211 = tpu.vector_load %arg10[%get3A_209, %get3A_210] {strides = array<i32>} : memref<64x128xf32, #tpu.memory_space<vmem>>, vector<1x16xf32>,
      %get3A_212 = vector.shape_cast %get3A_211 : vector<1x16xf32> to vector<16xf32>
      %mul3A_213 = arith.mulf %get3A_208, %get3A_212 : vector<16xf32>
      %swap3A_214 = arith.index_cast %add3A_150 : i32 to index
      %swap3A_215 = arith.constant 64 : index
      %swap3A_216 = tpu.vector_load %arg12[%swap3A_214, %swap3A_215] {strides = array<i32>} : memref<64x128xf32, #tpu.memory_space<vmem>>, vector<1x16xf32>,
      %swap3A_217 = vector.shape_cast %swap3A_216 : vector<1x16xf32> to vector<16xf32>
      %swap3A_218 = vector.shape_cast %mul3A_213 : vector<16xf32> to vector<1x16xf32>
      tpu.vector_store %arg12[%swap3A_214, %swap3A_215], %swap3A_218 {strides = array<i32>} : memref<64x128xf32, #tpu.memory_space<vmem>>, vector<1x16xf32>,
      %get3A_219 = arith.index_cast %add3A_150 : i32 to index
      %get3A_220 = arith.constant 80 : index
      %get3A_221 = tpu.vector_load %arg12[%get3A_219, %get3A_220] {strides = array<i32>} : memref<64x128xf32, #tpu.memory_space<vmem>>, vector<1x16xf32>,
      %get3A_222 = vector.shape_cast %get3A_221 : vector<1x16xf32> to vector<16xf32>
      %get3A_223 = arith.index_cast %add3A_150 : i32 to index
      %get3A_224 = arith.constant 80 : index
      %get3A_225 = tpu.vector_load %arg10[%get3A_223, %get3A_224] {strides = array<i32>} : memref<64x128xf32, #tpu.memory_space<vmem>>, vector<1x16xf32>,
      %get3A_226 = vector.shape_cast %get3A_225 : vector<1x16xf32> to vector<16xf32>
      %mul3A_227 = arith.mulf %get3A_222, %get3A_226 : vector<16xf32>
      %swap3A_228 = arith.index_cast %add3A_150 : i32 to index
      %swap3A_229 = arith.constant 80 : index
      %swap3A_230 = tpu.vector_load %arg12[%swap3A_228, %swap3A_229] {strides = array<i32>} : memref<64x128xf32, #tpu.memory_space<vmem>>, vector<1x16xf32>,
      %swap3A_231 = vector.shape_cast %swap3A_230 : vector<1x16xf32> to vector<16xf32>
      %swap3A_232 = vector.shape_cast %mul3A_227 : vector<16xf32> to vector<1x16xf32>
      tpu.vector_store %arg12[%swap3A_228, %swap3A_229], %swap3A_232 {strides = array<i32>} : memref<64x128xf32, #tpu.memory_space<vmem>>, vector<1x16xf32>,
      %get3A_233 = arith.index_cast %add3A_150 : i32 to index
      %get3A_234 = arith.constant 96 : index
      %get3A_235 = tpu.vector_load %arg12[%get3A_233, %get3A_234] {strides = array<i32>} : memref<64x128xf32, #tpu.memory_space<vmem>>, vector<1x16xf32>,
      %get3A_236 = vector.shape_cast %get3A_235 : vector<1x16xf32> to vector<16xf32>
      %get3A_237 = arith.index_cast %add3A_150 : i32 to index
      %get3A_238 = arith.constant 96 : index
      %get3A_239 = tpu.vector_load %arg10[%get3A_237, %get3A_238] {strides = array<i32>} : memref<64x128xf32, #tpu.memory_space<vmem>>, vector<1x16xf32>,
      %get3A_240 = vector.shape_cast %get3A_239 : vector<1x16xf32> to vector<16xf32>
      %mul3A_241 = arith.mulf %get3A_236, %get3A_240 : vector<16xf32>
      %swap3A_242 = arith.index_cast %add3A_150 : i32 to index
      %swap3A_243 = arith.constant 96 : index
      %swap3A_244 = tpu.vector_load %arg12[%swap3A_242, %swap3A_243] {strides = array<i32>} : memref<64x128xf32, #tpu.memory_space<vmem>>, vector<1x16xf32>,
      %swap3A_245 = vector.shape_cast %swap3A_244 : vector<1x16xf32> to vector<16xf32>
      %swap3A_246 = vector.shape_cast %mul3A_241 : vector<16xf32> to vector<1x16xf32>
      tpu.vector_store %arg12[%swap3A_242, %swap3A_243], %swap3A_246 {strides = array<i32>} : memref<64x128xf32, #tpu.memory_space<vmem>>, vector<1x16xf32>,
      %get3A_247 = arith.index_cast %add3A_150 : i32 to index
      %get3A_248 = arith.constant 112 : index
      %get3A_249 = tpu.vector_load %arg12[%get3A_247, %get3A_248] {strides = array<i32>} : memref<64x128xf32, #tpu.memory_space<vmem>>, vector<1x16xf32>,
      %get3A_250 = vector.shape_cast %get3A_249 : vector<1x16xf32> to vector<16xf32>
      %get3A_251 = arith.index_cast %add3A_150 : i32 to index
      %get3A_252 = arith.constant 112 : index
      %get3A_253 = tpu.vector_load %arg10[%get3A_251, %get3A_252] {strides = array<i32>} : memref<64x128xf32, #tpu.memory_space<vmem>>, vector<1x16xf32>,
      %get3A_254 = vector.shape_cast %get3A_253 : vector<1x16xf32> to vector<16xf32>
      %mul3A_255 = arith.mulf %get3A_250, %get3A_254 : vector<16xf32>
      %swap3A_256 = arith.index_cast %add3A_150 : i32 to index
      %swap3A_257 = arith.constant 112 : index
      %swap3A_258 = tpu.vector_load %arg12[%swap3A_256, %swap3A_257] {strides = array<i32>} : memref<64x128xf32, #tpu.memory_space<vmem>>, vector<1x16xf32>,
      %swap3A_259 = vector.shape_cast %swap3A_258 : vector<1x16xf32> to vector<16xf32>
      %swap3A_260 = vector.shape_cast %mul3A_255 : vector<16xf32> to vector<1x16xf32>
      tpu.vector_store %arg12[%swap3A_256, %swap3A_257], %swap3A_260 {strides = array<i32>} : memref<64x128xf32, #tpu.memory_space<vmem>>, vector<1x16xf32>,
    }
    %scan3A_53 = arith.constant 64 : i32
    %run_scoped3A_54 = arith.constant 38 : i32
    "tpu.region"() ({
      %run_scoped3A_146 = tpu.sem_alloc : memref<!tpu.dma_semaphore, #tpu.memory_space<semaphore_mem>>
      %dma_start3A_147 = arith.constant 0 : i32
      %dma_start3A_148 = tpu.memref_slice %arg9[%run_scoped3A_54, %dma_start3A_147] : memref<40x64xi32, #tpu.memory_space<vmem>> -> memref<1x64xi32, #tpu.memory_space<vmem>>
      %dma_start3A_149 = tpu.memref_squeeze %dma_start3A_148 : memref<1x64xi32, #tpu.memory_space<vmem>> -> memref<64xi32, #tpu.memory_space<vmem>>
      %dma_start3A_150 = arith.constant 0 : i32
      %dma_start3A_151 = arith.constant 0 : i32
      %dma_start3A_152 = tpu.memref_slice %arg18[%dma_start3A_150, %dma_start3A_151] : memref<10112x128xf32, #tpu.memory_space<vmem_shared>> -> memref<10112x128xf32, #tpu.memory_space<vmem_shared>>
      tpu.enqueue_indirect_dma source(%arg12 : memref<64x128xf32, #tpu.memory_space<vmem>>) target(%dma_start3A_152 : memref<10112x128xf32, #tpu.memory_space<vmem_shared>>) offsets(%dma_start3A_149 : memref<64xi32, #tpu.memory_space<vmem>>) semaphore(%run_scoped3A_146 : memref<!tpu.dma_semaphore, #tpu.memory_space<semaphore_mem>>) {add = true}
      %dma_wait3A_153 = arith.constant 0 : i32
      %dma_wait3A_154 = tpu.memref_slice %arg9[%run_scoped3A_54, %dma_wait3A_153] : memref<40x64xi32, #tpu.memory_space<vmem>> -> memref<1x64xi32, #tpu.memory_space<vmem>>
      %dma_wait3A_155 = tpu.memref_squeeze %dma_wait3A_154 : memref<1x64xi32, #tpu.memory_space<vmem>> -> memref<64xi32, #tpu.memory_space<vmem>>
      %dma_wait3A_156 = arith.constant 0 : i32
      %dma_wait3A_157 = arith.constant 0 : i32
      %dma_wait3A_158 = tpu.memref_slice %arg18[%dma_wait3A_156, %dma_wait3A_157] : memref<10112x128xf32, #tpu.memory_space<vmem_shared>> -> memref<10112x128xf32, #tpu.memory_space<vmem_shared>>
      tpu.wait_indirect_dma semaphore(%run_scoped3A_146 : memref<!tpu.dma_semaphore, #tpu.memory_space<semaphore_mem>>) src(%arg12 : memref<64x128xf32, #tpu.memory_space<vmem>>) dst(%dma_wait3A_158 : memref<10112x128xf32, #tpu.memory_space<vmem_shared>>)
      tpu.yield
    }) : () -> ()
    %dma_wait3A_55 = arith.constant 0 : i32
    %dma_wait3A_56 = tpu.memref_slice %arg3[%mul3A_8, %dma_wait3A_55] : memref<163840x128xf32, #tpu.memory_space<hbm>> -> memref<64x128xf32, #tpu.memory_space<hbm>>
    %dma_wait3A_57 = arith.constant 0 : i32
    %dma_wait3A_58 = tpu.memref_slice %arg3[%mul3A_8, %dma_wait3A_57] : memref<163840x128xf32, #tpu.memory_space<hbm>> -> memref<64x128xf32, #tpu.memory_space<hbm>>
    tpu.wait_dma2 semaphore(%arg15 : memref<!tpu.dma_semaphore, #tpu.memory_space<semaphore_mem>>) src(%dma_wait3A_58 : memref<64x128xf32, #tpu.memory_space<hbm>>) dst(%arg11 : memref<64x128xf32, #tpu.memory_space<vmem>>)
    %dma_wait3A_59 = arith.constant 39 : i32
    %dma_wait3A_60 = arith.constant 0 : i32
    %dma_wait3A_61 = tpu.memref_slice %arg8[%dma_wait3A_59, %dma_wait3A_60] : memref<40x64xi32, #tpu.memory_space<vmem>> -> memref<1x64xi32, #tpu.memory_space<vmem>>
    %dma_wait3A_62 = tpu.memref_squeeze %dma_wait3A_61 : memref<1x64xi32, #tpu.memory_space<vmem>> -> memref<64xi32, #tpu.memory_space<vmem>>
    %dma_wait3A_63 = arith.constant 0 : i32
    %dma_wait3A_64 = arith.constant 0 : i32
    %dma_wait3A_65 = tpu.memref_slice %arg2[%dma_wait3A_63, %dma_wait3A_64] : memref<10000x128xf32, #tpu.memory_space<hbm>> -> memref<10000x128xf32, #tpu.memory_space<hbm>>
    tpu.wait_indirect_dma semaphore(%arg17 : memref<!tpu.dma_semaphore, #tpu.memory_space<semaphore_mem>>) src(%dma_wait3A_65 : memref<10000x128xf32, #tpu.memory_space<hbm>>) dst(%arg13 : memref<64x128xf32, #tpu.memory_space<vmem>>)
    %scan3A_66 = arith.constant 0 : i32
    %scan3A_67 = arith.constant 64 : i32
    %scan3A_68 = arith.addi %scan3A_66, %scan3A_67 : i32
    %scan3A_69 = arith.constant 1 : i32
    scf.for %scan3A_146 = %scan3A_66 to %scan3A_68 step %scan3A_69  : i32 {
      %mul3A_147 = arith.constant 1 : i32
      %mul3A_148 = arith.muli %scan3A_146, %mul3A_147 : i32
      %add3A_149 = arith.constant 0 : i32
      %add3A_150 = arith.addi %add3A_149, %mul3A_148 : i32
      %get3A = arith.index_cast %add3A_150 : i32 to index
      %get3A_151 = arith.constant 0 : index
      %get3A_152 = tpu.vector_load %arg13[%get3A, %get3A_151] {strides = array<i32>} : memref<64x128xf32, #tpu.memory_space<vmem>>, vector<1x16xf32>,
      %get3A_153 = vector.shape_cast %get3A_152 : vector<1x16xf32> to vector<16xf32>
      %get3A_154 = arith.index_cast %add3A_150 : i32 to index
      %get3A_155 = arith.constant 0 : index
      %get3A_156 = tpu.vector_load %arg11[%get3A_154, %get3A_155] {strides = array<i32>} : memref<64x128xf32, #tpu.memory_space<vmem>>, vector<1x16xf32>,
      %get3A_157 = vector.shape_cast %get3A_156 : vector<1x16xf32> to vector<16xf32>
      %mul3A_158 = arith.mulf %get3A_153, %get3A_157 : vector<16xf32>
      %swap3A = arith.index_cast %add3A_150 : i32 to index
      %swap3A_159 = arith.constant 0 : index
      %swap3A_160 = tpu.vector_load %arg13[%swap3A, %swap3A_159] {strides = array<i32>} : memref<64x128xf32, #tpu.memory_space<vmem>>, vector<1x16xf32>,
      %swap3A_161 = vector.shape_cast %swap3A_160 : vector<1x16xf32> to vector<16xf32>
      %swap3A_162 = vector.shape_cast %mul3A_158 : vector<16xf32> to vector<1x16xf32>
      tpu.vector_store %arg13[%swap3A, %swap3A_159], %swap3A_162 {strides = array<i32>} : memref<64x128xf32, #tpu.memory_space<vmem>>, vector<1x16xf32>,
      %get3A_163 = arith.index_cast %add3A_150 : i32 to index
      %get3A_164 = arith.constant 16 : index
      %get3A_165 = tpu.vector_load %arg13[%get3A_163, %get3A_164] {strides = array<i32>} : memref<64x128xf32, #tpu.memory_space<vmem>>, vector<1x16xf32>,
      %get3A_166 = vector.shape_cast %get3A_165 : vector<1x16xf32> to vector<16xf32>
      %get3A_167 = arith.index_cast %add3A_150 : i32 to index
      %get3A_168 = arith.constant 16 : index
      %get3A_169 = tpu.vector_load %arg11[%get3A_167, %get3A_168] {strides = array<i32>} : memref<64x128xf32, #tpu.memory_space<vmem>>, vector<1x16xf32>,
      %get3A_170 = vector.shape_cast %get3A_169 : vector<1x16xf32> to vector<16xf32>
      %mul3A_171 = arith.mulf %get3A_166, %get3A_170 : vector<16xf32>
      %swap3A_172 = arith.index_cast %add3A_150 : i32 to index
      %swap3A_173 = arith.constant 16 : index
      %swap3A_174 = tpu.vector_load %arg13[%swap3A_172, %swap3A_173] {strides = array<i32>} : memref<64x128xf32, #tpu.memory_space<vmem>>, vector<1x16xf32>,
      %swap3A_175 = vector.shape_cast %swap3A_174 : vector<1x16xf32> to vector<16xf32>
      %swap3A_176 = vector.shape_cast %mul3A_171 : vector<16xf32> to vector<1x16xf32>
      tpu.vector_store %arg13[%swap3A_172, %swap3A_173], %swap3A_176 {strides = array<i32>} : memref<64x128xf32, #tpu.memory_space<vmem>>, vector<1x16xf32>,
      %get3A_177 = arith.index_cast %add3A_150 : i32 to index
      %get3A_178 = arith.constant 32 : index
      %get3A_179 = tpu.vector_load %arg13[%get3A_177, %get3A_178] {strides = array<i32>} : memref<64x128xf32, #tpu.memory_space<vmem>>, vector<1x16xf32>,
      %get3A_180 = vector.shape_cast %get3A_179 : vector<1x16xf32> to vector<16xf32>
      %get3A_181 = arith.index_cast %add3A_150 : i32 to index
      %get3A_182 = arith.constant 32 : index
      %get3A_183 = tpu.vector_load %arg11[%get3A_181, %get3A_182] {strides = array<i32>} : memref<64x128xf32, #tpu.memory_space<vmem>>, vector<1x16xf32>,
      %get3A_184 = vector.shape_cast %get3A_183 : vector<1x16xf32> to vector<16xf32>
      %mul3A_185 = arith.mulf %get3A_180, %get3A_184 : vector<16xf32>
      %swap3A_186 = arith.index_cast %add3A_150 : i32 to index
      %swap3A_187 = arith.constant 32 : index
      %swap3A_188 = tpu.vector_load %arg13[%swap3A_186, %swap3A_187] {strides = array<i32>} : memref<64x128xf32, #tpu.memory_space<vmem>>, vector<1x16xf32>,
      %swap3A_189 = vector.shape_cast %swap3A_188 : vector<1x16xf32> to vector<16xf32>
      %swap3A_190 = vector.shape_cast %mul3A_185 : vector<16xf32> to vector<1x16xf32>
      tpu.vector_store %arg13[%swap3A_186, %swap3A_187], %swap3A_190 {strides = array<i32>} : memref<64x128xf32, #tpu.memory_space<vmem>>, vector<1x16xf32>,
      %get3A_191 = arith.index_cast %add3A_150 : i32 to index
      %get3A_192 = arith.constant 48 : index
      %get3A_193 = tpu.vector_load %arg13[%get3A_191, %get3A_192] {strides = array<i32>} : memref<64x128xf32, #tpu.memory_space<vmem>>, vector<1x16xf32>,
      %get3A_194 = vector.shape_cast %get3A_193 : vector<1x16xf32> to vector<16xf32>
      %get3A_195 = arith.index_cast %add3A_150 : i32 to index
      %get3A_196 = arith.constant 48 : index
      %get3A_197 = tpu.vector_load %arg11[%get3A_195, %get3A_196] {strides = array<i32>} : memref<64x128xf32, #tpu.memory_space<vmem>>, vector<1x16xf32>,
      %get3A_198 = vector.shape_cast %get3A_197 : vector<1x16xf32> to vector<16xf32>
      %mul3A_199 = arith.mulf %get3A_194, %get3A_198 : vector<16xf32>
      %swap3A_200 = arith.index_cast %add3A_150 : i32 to index
      %swap3A_201 = arith.constant 48 : index
      %swap3A_202 = tpu.vector_load %arg13[%swap3A_200, %swap3A_201] {strides = array<i32>} : memref<64x128xf32, #tpu.memory_space<vmem>>, vector<1x16xf32>,
      %swap3A_203 = vector.shape_cast %swap3A_202 : vector<1x16xf32> to vector<16xf32>
      %swap3A_204 = vector.shape_cast %mul3A_199 : vector<16xf32> to vector<1x16xf32>
      tpu.vector_store %arg13[%swap3A_200, %swap3A_201], %swap3A_204 {strides = array<i32>} : memref<64x128xf32, #tpu.memory_space<vmem>>, vector<1x16xf32>,
      %get3A_205 = arith.index_cast %add3A_150 : i32 to index
      %get3A_206 = arith.constant 64 : index
      %get3A_207 = tpu.vector_load %arg13[%get3A_205, %get3A_206] {strides = array<i32>} : memref<64x128xf32, #tpu.memory_space<vmem>>, vector<1x16xf32>,
      %get3A_208 = vector.shape_cast %get3A_207 : vector<1x16xf32> to vector<16xf32>
      %get3A_209 = arith.index_cast %add3A_150 : i32 to index
      %get3A_210 = arith.constant 64 : index
      %get3A_211 = tpu.vector_load %arg11[%get3A_209, %get3A_210] {strides = array<i32>} : memref<64x128xf32, #tpu.memory_space<vmem>>, vector<1x16xf32>,
      %get3A_212 = vector.shape_cast %get3A_211 : vector<1x16xf32> to vector<16xf32>
      %mul3A_213 = arith.mulf %get3A_208, %get3A_212 : vector<16xf32>
      %swap3A_214 = arith.index_cast %add3A_150 : i32 to index
      %swap3A_215 = arith.constant 64 : index
      %swap3A_216 = tpu.vector_load %arg13[%swap3A_214, %swap3A_215] {strides = array<i32>} : memref<64x128xf32, #tpu.memory_space<vmem>>, vector<1x16xf32>,
      %swap3A_217 = vector.shape_cast %swap3A_216 : vector<1x16xf32> to vector<16xf32>
      %swap3A_218 = vector.shape_cast %mul3A_213 : vector<16xf32> to vector<1x16xf32>
      tpu.vector_store %arg13[%swap3A_214, %swap3A_215], %swap3A_218 {strides = array<i32>} : memref<64x128xf32, #tpu.memory_space<vmem>>, vector<1x16xf32>,
      %get3A_219 = arith.index_cast %add3A_150 : i32 to index
      %get3A_220 = arith.constant 80 : index
      %get3A_221 = tpu.vector_load %arg13[%get3A_219, %get3A_220] {strides = array<i32>} : memref<64x128xf32, #tpu.memory_space<vmem>>, vector<1x16xf32>,
      %get3A_222 = vector.shape_cast %get3A_221 : vector<1x16xf32> to vector<16xf32>
      %get3A_223 = arith.index_cast %add3A_150 : i32 to index
      %get3A_224 = arith.constant 80 : index
      %get3A_225 = tpu.vector_load %arg11[%get3A_223, %get3A_224] {strides = array<i32>} : memref<64x128xf32, #tpu.memory_space<vmem>>, vector<1x16xf32>,
      %get3A_226 = vector.shape_cast %get3A_225 : vector<1x16xf32> to vector<16xf32>
      %mul3A_227 = arith.mulf %get3A_222, %get3A_226 : vector<16xf32>
      %swap3A_228 = arith.index_cast %add3A_150 : i32 to index
      %swap3A_229 = arith.constant 80 : index
      %swap3A_230 = tpu.vector_load %arg13[%swap3A_228, %swap3A_229] {strides = array<i32>} : memref<64x128xf32, #tpu.memory_space<vmem>>, vector<1x16xf32>,
      %swap3A_231 = vector.shape_cast %swap3A_230 : vector<1x16xf32> to vector<16xf32>
      %swap3A_232 = vector.shape_cast %mul3A_227 : vector<16xf32> to vector<1x16xf32>
      tpu.vector_store %arg13[%swap3A_228, %swap3A_229], %swap3A_232 {strides = array<i32>} : memref<64x128xf32, #tpu.memory_space<vmem>>, vector<1x16xf32>,
      %get3A_233 = arith.index_cast %add3A_150 : i32 to index
      %get3A_234 = arith.constant 96 : index
      %get3A_235 = tpu.vector_load %arg13[%get3A_233, %get3A_234] {strides = array<i32>} : memref<64x128xf32, #tpu.memory_space<vmem>>, vector<1x16xf32>,
      %get3A_236 = vector.shape_cast %get3A_235 : vector<1x16xf32> to vector<16xf32>
      %get3A_237 = arith.index_cast %add3A_150 : i32 to index
      %get3A_238 = arith.constant 96 : index
      %get3A_239 = tpu.vector_load %arg11[%get3A_237, %get3A_238] {strides = array<i32>} : memref<64x128xf32, #tpu.memory_space<vmem>>, vector<1x16xf32>,
      %get3A_240 = vector.shape_cast %get3A_239 : vector<1x16xf32> to vector<16xf32>
      %mul3A_241 = arith.mulf %get3A_236, %get3A_240 : vector<16xf32>
      %swap3A_242 = arith.index_cast %add3A_150 : i32 to index
      %swap3A_243 = arith.constant 96 : index
      %swap3A_244 = tpu.vector_load %arg13[%swap3A_242, %swap3A_243] {strides = array<i32>} : memref<64x128xf32, #tpu.memory_space<vmem>>, vector<1x16xf32>,
      %swap3A_245 = vector.shape_cast %swap3A_244 : vector<1x16xf32> to vector<16xf32>
      %swap3A_246 = vector.shape_cast %mul3A_241 : vector<16xf32> to vector<1x16xf32>
      tpu.vector_store %arg13[%swap3A_242, %swap3A_243], %swap3A_246 {strides = array<i32>} : memref<64x128xf32, #tpu.memory_space<vmem>>, vector<1x16xf32>,
      %get3A_247 = arith.index_cast %add3A_150 : i32 to index
      %get3A_248 = arith.constant 112 : index
      %get3A_249 = tpu.vector_load %arg13[%get3A_247, %get3A_248] {strides = array<i32>} : memref<64x128xf32, #tpu.memory_space<vmem>>, vector<1x16xf32>,
      %get3A_250 = vector.shape_cast %get3A_249 : vector<1x16xf32> to vector<16xf32>
      %get3A_251 = arith.index_cast %add3A_150 : i32 to index
      %get3A_252 = arith.constant 112 : index
      %get3A_253 = tpu.vector_load %arg11[%get3A_251, %get3A_252] {strides = array<i32>} : memref<64x128xf32, #tpu.memory_space<vmem>>, vector<1x16xf32>,
      %get3A_254 = vector.shape_cast %get3A_253 : vector<1x16xf32> to vector<16xf32>
      %mul3A_255 = arith.mulf %get3A_250, %get3A_254 : vector<16xf32>
      %swap3A_256 = arith.index_cast %add3A_150 : i32 to index
      %swap3A_257 = arith.constant 112 : index
      %swap3A_258 = tpu.vector_load %arg13[%swap3A_256, %swap3A_257] {strides = array<i32>} : memref<64x128xf32, #tpu.memory_space<vmem>>, vector<1x16xf32>,
      %swap3A_259 = vector.shape_cast %swap3A_258 : vector<1x16xf32> to vector<16xf32>
      %swap3A_260 = vector.shape_cast %mul3A_255 : vector<16xf32> to vector<1x16xf32>
      tpu.vector_store %arg13[%swap3A_256, %swap3A_257], %swap3A_260 {strides = array<i32>} : memref<64x128xf32, #tpu.memory_space<vmem>>, vector<1x16xf32>,
    }
    %scan3A_70 = arith.constant 64 : i32
    %run_scoped3A_71 = arith.constant 39 : i32
    "tpu.region"() ({
      %run_scoped3A_146 = tpu.sem_alloc : memref<!tpu.dma_semaphore, #tpu.memory_space<semaphore_mem>>
      %dma_start3A_147 = arith.constant 0 : i32
      %dma_start3A_148 = tpu.memref_slice %arg9[%run_scoped3A_71, %dma_start3A_147] : memref<40x64xi32, #tpu.memory_space<vmem>> -> memref<1x64xi32, #tpu.memory_space<vmem>>
      %dma_start3A_149 = tpu.memref_squeeze %dma_start3A_148 : memref<1x64xi32, #tpu.memory_space<vmem>> -> memref<64xi32, #tpu.memory_space<vmem>>
      %dma_start3A_150 = arith.constant 0 : i32
      %dma_start3A_151 = arith.constant 0 : i32
      %dma_start3A_152 = tpu.memref_slice %arg18[%dma_start3A_150, %dma_start3A_151] : memref<10112x128xf32, #tpu.memory_space<vmem_shared>> -> memref<10112x128xf32, #tpu.memory_space<vmem_shared>>
      tpu.enqueue_indirect_dma source(%arg13 : memref<64x128xf32, #tpu.memory_space<vmem>>) target(%dma_start3A_152 : memref<10112x128xf32, #tpu.memory_space<vmem_shared>>) offsets(%dma_start3A_149 : memref<64xi32, #tpu.memory_space<vmem>>) semaphore(%run_scoped3A_146 : memref<!tpu.dma_semaphore, #tpu.memory_space<semaphore_mem>>) {add = true}
      %dma_wait3A_153 = arith.constant 0 : i32
      %dma_wait3A_154 = tpu.memref_slice %arg9[%run_scoped3A_71, %dma_wait3A_153] : memref<40x64xi32, #tpu.memory_space<vmem>> -> memref<1x64xi32, #tpu.memory_space<vmem>>
      %dma_wait3A_155 = tpu.memref_squeeze %dma_wait3A_154 : memref<1x64xi32, #tpu.memory_space<vmem>> -> memref<64xi32, #tpu.memory_space<vmem>>
      %dma_wait3A_156 = arith.constant 0 : i32
      %dma_wait3A_157 = arith.constant 0 : i32
      %dma_wait3A_158 = tpu.memref_slice %arg18[%dma_wait3A_156, %dma_wait3A_157] : memref<10112x128xf32, #tpu.memory_space<vmem_shared>> -> memref<10112x128xf32, #tpu.memory_space<vmem_shared>>
      tpu.wait_indirect_dma semaphore(%run_scoped3A_146 : memref<!tpu.dma_semaphore, #tpu.memory_space<semaphore_mem>>) src(%arg13 : memref<64x128xf32, #tpu.memory_space<vmem>>) dst(%dma_wait3A_158 : memref<10112x128xf32, #tpu.memory_space<vmem_shared>>)
      tpu.yield
    }) : () -> ()
    %mul3A_72 = arith.constant 80 : i32
    %mul3A_73 = arith.muli %add3A, %mul3A_72 : i32
    %add3A_74 = arith.constant 40 : i32
    %add3A_75 = arith.addi %mul3A_73, %add3A_74 : i32
    %mul3A_76 = arith.constant 64 : i32
    %mul3A_77 = arith.muli %add3A_75, %mul3A_76 : i32
    %run_scoped3A_78 = arith.constant 1 : i32
    "tpu.region"() ({
      %run_scoped3A_146 = tpu.sem_alloc : memref<!tpu.dma_semaphore, #tpu.memory_space<semaphore_mem>>
      %dma_start3A_147 = arith.constant 0 : i32
      %dma_start3A_148 = arith.constant 0 : i32
      %dma_start3A_149 = arith.constant 0 : i32
      %dma_start3A_150 = tpu.memref_slice %arg4[%add3A, %dma_start3A_147, %dma_start3A_148, %dma_start3A_149] : memref<32x2x40x64xi32, #tpu.memory_space<hbm>> -> memref<1x2x40x64xi32, #tpu.memory_space<hbm>>
      %dma_start3A_151 = tpu.memref_squeeze %dma_start3A_150 : memref<1x2x40x64xi32, #tpu.memory_space<hbm>> -> memref<2x40x64xi32, #tpu.memory_space<hbm>>
      %dma_start3A_152 = arith.constant 0 : i32
      %dma_start3A_153 = arith.constant 0 : i32
      %dma_start3A_154 = tpu.memref_slice %dma_start3A_151[%run_scoped3A_78, %dma_start3A_152, %dma_start3A_153] : memref<2x40x64xi32, #tpu.memory_space<hbm>> -> memref<1x40x64xi32, #tpu.memory_space<hbm>>
      %dma_start3A_155 = tpu.memref_squeeze %dma_start3A_154 : memref<1x40x64xi32, #tpu.memory_space<hbm>> -> memref<40x64xi32, #tpu.memory_space<hbm>>
      %dma_start3A_156 = arith.constant 0 : i32
      %dma_start3A_157 = arith.constant 0 : i32
      %dma_start3A_158 = arith.constant 0 : i32
      %dma_start3A_159 = tpu.memref_slice %arg4[%add3A, %dma_start3A_156, %dma_start3A_157, %dma_start3A_158] : memref<32x2x40x64xi32, #tpu.memory_space<hbm>> -> memref<1x2x40x64xi32, #tpu.memory_space<hbm>>
      %dma_start3A_160 = tpu.memref_squeeze %dma_start3A_159 : memref<1x2x40x64xi32, #tpu.memory_space<hbm>> -> memref<2x40x64xi32, #tpu.memory_space<hbm>>
      %dma_start3A_161 = arith.constant 0 : i32
      %dma_start3A_162 = arith.constant 0 : i32
      %dma_start3A_163 = tpu.memref_slice %dma_start3A_160[%run_scoped3A_78, %dma_start3A_161, %dma_start3A_162] : memref<2x40x64xi32, #tpu.memory_space<hbm>> -> memref<1x40x64xi32, #tpu.memory_space<hbm>>
      %dma_start3A_164 = tpu.memref_squeeze %dma_start3A_163 : memref<1x40x64xi32, #tpu.memory_space<hbm>> -> memref<40x64xi32, #tpu.memory_space<hbm>>
      tpu.enqueue_dma source(%dma_start3A_164 : memref<40x64xi32, #tpu.memory_space<hbm>>) target(%arg8 : memref<40x64xi32, #tpu.memory_space<vmem>>) target_semaphore(%run_scoped3A_146 : memref<!tpu.dma_semaphore, #tpu.memory_space<semaphore_mem>>)
      %dma_wait3A_165 = arith.constant 0 : i32
      %dma_wait3A_166 = arith.constant 0 : i32
      %dma_wait3A_167 = arith.constant 0 : i32
      %dma_wait3A_168 = tpu.memref_slice %arg4[%add3A, %dma_wait3A_165, %dma_wait3A_166, %dma_wait3A_167] : memref<32x2x40x64xi32, #tpu.memory_space<hbm>> -> memref<1x2x40x64xi32, #tpu.memory_space<hbm>>
      %dma_wait3A_169 = tpu.memref_squeeze %dma_wait3A_168 : memref<1x2x40x64xi32, #tpu.memory_space<hbm>> -> memref<2x40x64xi32, #tpu.memory_space<hbm>>
      %dma_wait3A_170 = arith.constant 0 : i32
      %dma_wait3A_171 = arith.constant 0 : i32
      %dma_wait3A_172 = tpu.memref_slice %dma_wait3A_169[%run_scoped3A_78, %dma_wait3A_170, %dma_wait3A_171] : memref<2x40x64xi32, #tpu.memory_space<hbm>> -> memref<1x40x64xi32, #tpu.memory_space<hbm>>
      %dma_wait3A_173 = tpu.memref_squeeze %dma_wait3A_172 : memref<1x40x64xi32, #tpu.memory_space<hbm>> -> memref<40x64xi32, #tpu.memory_space<hbm>>
      %dma_wait3A_174 = arith.constant 0 : i32
      %dma_wait3A_175 = arith.constant 0 : i32
      %dma_wait3A_176 = arith.constant 0 : i32
      %dma_wait3A_177 = tpu.memref_slice %arg4[%add3A, %dma_wait3A_174, %dma_wait3A_175, %dma_wait3A_176] : memref<32x2x40x64xi32, #tpu.memory_space<hbm>> -> memref<1x2x40x64xi32, #tpu.memory_space<hbm>>
      %dma_wait3A_178 = tpu.memref_squeeze %dma_wait3A_177 : memref<1x2x40x64xi32, #tpu.memory_space<hbm>> -> memref<2x40x64xi32, #tpu.memory_space<hbm>>
      %dma_wait3A_179 = arith.constant 0 : i32
      %dma_wait3A_180 = arith.constant 0 : i32
      %dma_wait3A_181 = tpu.memref_slice %dma_wait3A_178[%run_scoped3A_78, %dma_wait3A_179, %dma_wait3A_180] : memref<2x40x64xi32, #tpu.memory_space<hbm>> -> memref<1x40x64xi32, #tpu.memory_space<hbm>>
      %dma_wait3A_182 = tpu.memref_squeeze %dma_wait3A_181 : memref<1x40x64xi32, #tpu.memory_space<hbm>> -> memref<40x64xi32, #tpu.memory_space<hbm>>
      tpu.wait_dma2 semaphore(%run_scoped3A_146 : memref<!tpu.dma_semaphore, #tpu.memory_space<semaphore_mem>>) src(%dma_wait3A_182 : memref<40x64xi32, #tpu.memory_space<hbm>>) dst(%arg8 : memref<40x64xi32, #tpu.memory_space<vmem>>)
      tpu.yield
    }) : () -> ()
    %run_scoped3A_79 = arith.constant 1 : i32
    "tpu.region"() ({
      %run_scoped3A_146 = tpu.sem_alloc : memref<!tpu.dma_semaphore, #tpu.memory_space<semaphore_mem>>
      %dma_start3A_147 = arith.constant 0 : i32
      %dma_start3A_148 = arith.constant 0 : i32
      %dma_start3A_149 = arith.constant 0 : i32
      %dma_start3A_150 = tpu.memref_slice %arg5[%add3A, %dma_start3A_147, %dma_start3A_148, %dma_start3A_149] : memref<32x2x40x64xi32, #tpu.memory_space<hbm>> -> memref<1x2x40x64xi32, #tpu.memory_space<hbm>>
      %dma_start3A_151 = tpu.memref_squeeze %dma_start3A_150 : memref<1x2x40x64xi32, #tpu.memory_space<hbm>> -> memref<2x40x64xi32, #tpu.memory_space<hbm>>
      %dma_start3A_152 = arith.constant 0 : i32
      %dma_start3A_153 = arith.constant 0 : i32
      %dma_start3A_154 = tpu.memref_slice %dma_start3A_151[%run_scoped3A_79, %dma_start3A_152, %dma_start3A_153] : memref<2x40x64xi32, #tpu.memory_space<hbm>> -> memref<1x40x64xi32, #tpu.memory_space<hbm>>
      %dma_start3A_155 = tpu.memref_squeeze %dma_start3A_154 : memref<1x40x64xi32, #tpu.memory_space<hbm>> -> memref<40x64xi32, #tpu.memory_space<hbm>>
      %dma_start3A_156 = arith.constant 0 : i32
      %dma_start3A_157 = arith.constant 0 : i32
      %dma_start3A_158 = arith.constant 0 : i32
      %dma_start3A_159 = tpu.memref_slice %arg5[%add3A, %dma_start3A_156, %dma_start3A_157, %dma_start3A_158] : memref<32x2x40x64xi32, #tpu.memory_space<hbm>> -> memref<1x2x40x64xi32, #tpu.memory_space<hbm>>
      %dma_start3A_160 = tpu.memref_squeeze %dma_start3A_159 : memref<1x2x40x64xi32, #tpu.memory_space<hbm>> -> memref<2x40x64xi32, #tpu.memory_space<hbm>>
      %dma_start3A_161 = arith.constant 0 : i32
      %dma_start3A_162 = arith.constant 0 : i32
      %dma_start3A_163 = tpu.memref_slice %dma_start3A_160[%run_scoped3A_79, %dma_start3A_161, %dma_start3A_162] : memref<2x40x64xi32, #tpu.memory_space<hbm>> -> memref<1x40x64xi32, #tpu.memory_space<hbm>>
      %dma_start3A_164 = tpu.memref_squeeze %dma_start3A_163 : memref<1x40x64xi32, #tpu.memory_space<hbm>> -> memref<40x64xi32, #tpu.memory_space<hbm>>
      tpu.enqueue_dma source(%dma_start3A_164 : memref<40x64xi32, #tpu.memory_space<hbm>>) target(%arg9 : memref<40x64xi32, #tpu.memory_space<vmem>>) target_semaphore(%run_scoped3A_146 : memref<!tpu.dma_semaphore, #tpu.memory_space<semaphore_mem>>)
      %dma_wait3A_165 = arith.constant 0 : i32
      %dma_wait3A_166 = arith.constant 0 : i32
      %dma_wait3A_167 = arith.constant 0 : i32
      %dma_wait3A_168 = tpu.memref_slice %arg5[%add3A, %dma_wait3A_165, %dma_wait3A_166, %dma_wait3A_167] : memref<32x2x40x64xi32, #tpu.memory_space<hbm>> -> memref<1x2x40x64xi32, #tpu.memory_space<hbm>>
      %dma_wait3A_169 = tpu.memref_squeeze %dma_wait3A_168 : memref<1x2x40x64xi32, #tpu.memory_space<hbm>> -> memref<2x40x64xi32, #tpu.memory_space<hbm>>
      %dma_wait3A_170 = arith.constant 0 : i32
      %dma_wait3A_171 = arith.constant 0 : i32
      %dma_wait3A_172 = tpu.memref_slice %dma_wait3A_169[%run_scoped3A_79, %dma_wait3A_170, %dma_wait3A_171] : memref<2x40x64xi32, #tpu.memory_space<hbm>> -> memref<1x40x64xi32, #tpu.memory_space<hbm>>
      %dma_wait3A_173 = tpu.memref_squeeze %dma_wait3A_172 : memref<1x40x64xi32, #tpu.memory_space<hbm>> -> memref<40x64xi32, #tpu.memory_space<hbm>>
      %dma_wait3A_174 = arith.constant 0 : i32
      %dma_wait3A_175 = arith.constant 0 : i32
      %dma_wait3A_176 = arith.constant 0 : i32
      %dma_wait3A_177 = tpu.memref_slice %arg5[%add3A, %dma_wait3A_174, %dma_wait3A_175, %dma_wait3A_176] : memref<32x2x40x64xi32, #tpu.memory_space<hbm>> -> memref<1x2x40x64xi32, #tpu.memory_space<hbm>>
      %dma_wait3A_178 = tpu.memref_squeeze %dma_wait3A_177 : memref<1x2x40x64xi32, #tpu.memory_space<hbm>> -> memref<2x40x64xi32, #tpu.memory_space<hbm>>
      %dma_wait3A_179 = arith.constant 0 : i32
      %dma_wait3A_180 = arith.constant 0 : i32
      %dma_wait3A_181 = tpu.memref_slice %dma_wait3A_178[%run_scoped3A_79, %dma_wait3A_179, %dma_wait3A_180] : memref<2x40x64xi32, #tpu.memory_space<hbm>> -> memref<1x40x64xi32, #tpu.memory_space<hbm>>
      %dma_wait3A_182 = tpu.memref_squeeze %dma_wait3A_181 : memref<1x40x64xi32, #tpu.memory_space<hbm>> -> memref<40x64xi32, #tpu.memory_space<hbm>>
      tpu.wait_dma2 semaphore(%run_scoped3A_146 : memref<!tpu.dma_semaphore, #tpu.memory_space<semaphore_mem>>) src(%dma_wait3A_182 : memref<40x64xi32, #tpu.memory_space<hbm>>) dst(%arg9 : memref<40x64xi32, #tpu.memory_space<vmem>>)
      tpu.yield
    }) : () -> ()
    %add3A_80 = arith.constant 0 : i32
    %add3A_81 = arith.addi %mul3A_77, %add3A_80 : i32
    %dma_start3A_82 = arith.constant 0 : i32
    %dma_start3A_83 = tpu.memref_slice %arg3[%add3A_81, %dma_start3A_82] : memref<163840x128xf32, #tpu.memory_space<hbm>> -> memref<64x128xf32, #tpu.memory_space<hbm>>
    %dma_start3A_84 = arith.constant 0 : i32
    %dma_start3A_85 = tpu.memref_slice %arg3[%add3A_81, %dma_start3A_84] : memref<163840x128xf32, #tpu.memory_space<hbm>> -> memref<64x128xf32, #tpu.memory_space<hbm>>
    tpu.enqueue_dma source(%dma_start3A_85 : memref<64x128xf32, #tpu.memory_space<hbm>>) target(%arg10 : memref<64x128xf32, #tpu.memory_space<vmem>>) target_semaphore(%arg14 : memref<!tpu.dma_semaphore, #tpu.memory_space<semaphore_mem>>)
    %dma_start3A_86 = arith.constant 0 : i32
    %dma_start3A_87 = arith.constant 0 : i32
    %dma_start3A_88 = tpu.memref_slice %arg8[%dma_start3A_86, %dma_start3A_87] : memref<40x64xi32, #tpu.memory_space<vmem>> -> memref<1x64xi32, #tpu.memory_space<vmem>>
    %dma_start3A_89 = tpu.memref_squeeze %dma_start3A_88 : memref<1x64xi32, #tpu.memory_space<vmem>> -> memref<64xi32, #tpu.memory_space<vmem>>
    %dma_start3A_90 = arith.constant 0 : i32
    %dma_start3A_91 = arith.constant 0 : i32
    %dma_start3A_92 = tpu.memref_slice %arg2[%dma_start3A_90, %dma_start3A_91] : memref<10000x128xf32, #tpu.memory_space<hbm>> -> memref<10000x128xf32, #tpu.memory_space<hbm>>
    tpu.enqueue_indirect_dma source(%dma_start3A_92 : memref<10000x128xf32, #tpu.memory_space<hbm>>) target(%arg12 : memref<64x128xf32, #tpu.memory_space<vmem>>) offsets(%dma_start3A_89 : memref<64xi32, #tpu.memory_space<vmem>>) semaphore(%arg16 : memref<!tpu.dma_semaphore, #tpu.memory_space<semaphore_mem>>)
    %add3A_93 = arith.constant 64 : i32
    %add3A_94 = arith.addi %mul3A_77, %add3A_93 : i32
    %dma_start3A_95 = arith.constant 0 : i32
    %dma_start3A_96 = tpu.memref_slice %arg3[%add3A_94, %dma_start3A_95] : memref<163840x128xf32, #tpu.memory_space<hbm>> -> memref<64x128xf32, #tpu.memory_space<hbm>>
    %dma_start3A_97 = arith.constant 0 : i32
    %dma_start3A_98 = tpu.memref_slice %arg3[%add3A_94, %dma_start3A_97] : memref<163840x128xf32, #tpu.memory_space<hbm>> -> memref<64x128xf32, #tpu.memory_space<hbm>>
    tpu.enqueue_dma source(%dma_start3A_98 : memref<64x128xf32, #tpu.memory_space<hbm>>) target(%arg11 : memref<64x128xf32, #tpu.memory_space<vmem>>) target_semaphore(%arg15 : memref<!tpu.dma_semaphore, #tpu.memory_space<semaphore_mem>>)
    %dma_start3A_99 = arith.constant 1 : i32
    %dma_start3A_100 = arith.constant 0 : i32
    %dma_start3A_101 = tpu.memref_slice %arg8[%dma_start3A_99, %dma_start3A_100] : memref<40x64xi32, #tpu.memory_space<vmem>> -> memref<1x64xi32, #tpu.memory_space<vmem>>
    %dma_start3A_102 = tpu.memref_squeeze %dma_start3A_101 : memref<1x64xi32, #tpu.memory_space<vmem>> -> memref<64xi32, #tpu.memory_space<vmem>>
    %dma_start3A_103 = arith.constant 0 : i32
    %dma_start3A_104 = arith.constant 0 : i32
    %dma_start3A_105 = tpu.memref_slice %arg2[%dma_start3A_103, %dma_start3A_104] : memref<10000x128xf32, #tpu.memory_space<hbm>> -> memref<10000x128xf32, #tpu.memory_space<hbm>>
    tpu.enqueue_indirect_dma source(%dma_start3A_105 : memref<10000x128xf32, #tpu.memory_space<hbm>>) target(%arg13 : memref<64x128xf32, #tpu.memory_space<vmem>>) offsets(%dma_start3A_102 : memref<64xi32, #tpu.memory_space<vmem>>) semaphore(%arg17 : memref<!tpu.dma_semaphore, #tpu.memory_space<semaphore_mem>>)
    %scan3A_106 = arith.constant 0 : i32
    %scan3A_107 = arith.constant 19 : i32
    %scan3A_108 = arith.addi %scan3A_106, %scan3A_107 : i32
    %scan3A_109 = arith.constant 1 : i32
    scf.for %scan3A_146 = %scan3A_106 to %scan3A_108 step %scan3A_109  : i32 {
      %mul3A_147 = arith.constant 2 : i32
      %mul3A_148 = arith.muli %scan3A_146, %mul3A_147 : i32
      %add3A_149 = arith.constant 0 : i32
      %add3A_150 = arith.addi %add3A_149, %mul3A_148 : i32
      %add3A_151 = arith.constant 0 : i32
      %add3A_152 = arith.addi %add3A_150, %add3A_151 : i32
      %dma_wait3A_153 = arith.constant 0 : i32
      %dma_wait3A_154 = tpu.memref_slice %arg3[%mul3A_77, %dma_wait3A_153] : memref<163840x128xf32, #tpu.memory_space<hbm>> -> memref<64x128xf32, #tpu.memory_space<hbm>>
      %dma_wait3A_155 = arith.constant 0 : i32
      %dma_wait3A_156 = tpu.memref_slice %arg3[%mul3A_77, %dma_wait3A_155] : memref<163840x128xf32, #tpu.memory_space<hbm>> -> memref<64x128xf32, #tpu.memory_space<hbm>>
      tpu.wait_dma2 semaphore(%arg14 : memref<!tpu.dma_semaphore, #tpu.memory_space<semaphore_mem>>) src(%dma_wait3A_156 : memref<64x128xf32, #tpu.memory_space<hbm>>) dst(%arg10 : memref<64x128xf32, #tpu.memory_space<vmem>>)
      %dma_wait3A_157 = arith.constant 0 : i32
      %dma_wait3A_158 = tpu.memref_slice %arg8[%add3A_152, %dma_wait3A_157] : memref<40x64xi32, #tpu.memory_space<vmem>> -> memref<1x64xi32, #tpu.memory_space<vmem>>
      %dma_wait3A_159 = tpu.memref_squeeze %dma_wait3A_158 : memref<1x64xi32, #tpu.memory_space<vmem>> -> memref<64xi32, #tpu.memory_space<vmem>>
      %dma_wait3A_160 = arith.constant 0 : i32
      %dma_wait3A_161 = arith.constant 0 : i32
      %dma_wait3A_162 = tpu.memref_slice %arg2[%dma_wait3A_160, %dma_wait3A_161] : memref<10000x128xf32, #tpu.memory_space<hbm>> -> memref<10000x128xf32, #tpu.memory_space<hbm>>
      tpu.wait_indirect_dma semaphore(%arg16 : memref<!tpu.dma_semaphore, #tpu.memory_space<semaphore_mem>>) src(%dma_wait3A_162 : memref<10000x128xf32, #tpu.memory_space<hbm>>) dst(%arg12 : memref<64x128xf32, #tpu.memory_space<vmem>>)
      %scan3A_163 = arith.constant 0 : i32
      %scan3A_164 = arith.constant 64 : i32
      %scan3A_165 = arith.addi %scan3A_163, %scan3A_164 : i32
      %scan3A_166 = arith.constant 1 : i32
      scf.for %scan3A_219 = %scan3A_163 to %scan3A_165 step %scan3A_166  : i32 {
        %mul3A_220 = arith.constant 1 : i32
        %mul3A_221 = arith.muli %scan3A_219, %mul3A_220 : i32
        %add3A_222 = arith.constant 0 : i32
        %add3A_223 = arith.addi %add3A_222, %mul3A_221 : i32
        %get3A = arith.index_cast %add3A_223 : i32 to index
        %get3A_224 = arith.constant 0 : index
        %get3A_225 = tpu.vector_load %arg12[%get3A, %get3A_224] {strides = array<i32>} : memref<64x128xf32, #tpu.memory_space<vmem>>, vector<1x16xf32>,
        %get3A_226 = vector.shape_cast %get3A_225 : vector<1x16xf32> to vector<16xf32>
        %get3A_227 = arith.index_cast %add3A_223 : i32 to index
        %get3A_228 = arith.constant 0 : index
        %get3A_229 = tpu.vector_load %arg10[%get3A_227, %get3A_228] {strides = array<i32>} : memref<64x128xf32, #tpu.memory_space<vmem>>, vector<1x16xf32>,
        %get3A_230 = vector.shape_cast %get3A_229 : vector<1x16xf32> to vector<16xf32>
        %mul3A_231 = arith.mulf %get3A_226, %get3A_230 : vector<16xf32>
        %swap3A = arith.index_cast %add3A_223 : i32 to index
        %swap3A_232 = arith.constant 0 : index
        %swap3A_233 = tpu.vector_load %arg12[%swap3A, %swap3A_232] {strides = array<i32>} : memref<64x128xf32, #tpu.memory_space<vmem>>, vector<1x16xf32>,
        %swap3A_234 = vector.shape_cast %swap3A_233 : vector<1x16xf32> to vector<16xf32>
        %swap3A_235 = vector.shape_cast %mul3A_231 : vector<16xf32> to vector<1x16xf32>
        tpu.vector_store %arg12[%swap3A, %swap3A_232], %swap3A_235 {strides = array<i32>} : memref<64x128xf32, #tpu.memory_space<vmem>>, vector<1x16xf32>,
        %get3A_236 = arith.index_cast %add3A_223 : i32 to index
        %get3A_237 = arith.constant 16 : index
        %get3A_238 = tpu.vector_load %arg12[%get3A_236, %get3A_237] {strides = array<i32>} : memref<64x128xf32, #tpu.memory_space<vmem>>, vector<1x16xf32>,
        %get3A_239 = vector.shape_cast %get3A_238 : vector<1x16xf32> to vector<16xf32>
        %get3A_240 = arith.index_cast %add3A_223 : i32 to index
        %get3A_241 = arith.constant 16 : index
        %get3A_242 = tpu.vector_load %arg10[%get3A_240, %get3A_241] {strides = array<i32>} : memref<64x128xf32, #tpu.memory_space<vmem>>, vector<1x16xf32>,
        %get3A_243 = vector.shape_cast %get3A_242 : vector<1x16xf32> to vector<16xf32>
        %mul3A_244 = arith.mulf %get3A_239, %get3A_243 : vector<16xf32>
        %swap3A_245 = arith.index_cast %add3A_223 : i32 to index
        %swap3A_246 = arith.constant 16 : index
        %swap3A_247 = tpu.vector_load %arg12[%swap3A_245, %swap3A_246] {strides = array<i32>} : memref<64x128xf32, #tpu.memory_space<vmem>>, vector<1x16xf32>,
        %swap3A_248 = vector.shape_cast %swap3A_247 : vector<1x16xf32> to vector<16xf32>
        %swap3A_249 = vector.shape_cast %mul3A_244 : vector<16xf32> to vector<1x16xf32>
        tpu.vector_store %arg12[%swap3A_245, %swap3A_246], %swap3A_249 {strides = array<i32>} : memref<64x128xf32, #tpu.memory_space<vmem>>, vector<1x16xf32>,
        %get3A_250 = arith.index_cast %add3A_223 : i32 to index
        %get3A_251 = arith.constant 32 : index
        %get3A_252 = tpu.vector_load %arg12[%get3A_250, %get3A_251] {strides = array<i32>} : memref<64x128xf32, #tpu.memory_space<vmem>>, vector<1x16xf32>,
        %get3A_253 = vector.shape_cast %get3A_252 : vector<1x16xf32> to vector<16xf32>
        %get3A_254 = arith.index_cast %add3A_223 : i32 to index
        %get3A_255 = arith.constant 32 : index
        %get3A_256 = tpu.vector_load %arg10[%get3A_254, %get3A_255] {strides = array<i32>} : memref<64x128xf32, #tpu.memory_space<vmem>>, vector<1x16xf32>,
        %get3A_257 = vector.shape_cast %get3A_256 : vector<1x16xf32> to vector<16xf32>
        %mul3A_258 = arith.mulf %get3A_253, %get3A_257 : vector<16xf32>
        %swap3A_259 = arith.index_cast %add3A_223 : i32 to index
        %swap3A_260 = arith.constant 32 : index
        %swap3A_261 = tpu.vector_load %arg12[%swap3A_259, %swap3A_260] {strides = array<i32>} : memref<64x128xf32, #tpu.memory_space<vmem>>, vector<1x16xf32>,
        %swap3A_262 = vector.shape_cast %swap3A_261 : vector<1x16xf32> to vector<16xf32>
        %swap3A_263 = vector.shape_cast %mul3A_258 : vector<16xf32> to vector<1x16xf32>
        tpu.vector_store %arg12[%swap3A_259, %swap3A_260], %swap3A_263 {strides = array<i32>} : memref<64x128xf32, #tpu.memory_space<vmem>>, vector<1x16xf32>,
        %get3A_264 = arith.index_cast %add3A_223 : i32 to index
        %get3A_265 = arith.constant 48 : index
        %get3A_266 = tpu.vector_load %arg12[%get3A_264, %get3A_265] {strides = array<i32>} : memref<64x128xf32, #tpu.memory_space<vmem>>, vector<1x16xf32>,
        %get3A_267 = vector.shape_cast %get3A_266 : vector<1x16xf32> to vector<16xf32>
        %get3A_268 = arith.index_cast %add3A_223 : i32 to index
        %get3A_269 = arith.constant 48 : index
        %get3A_270 = tpu.vector_load %arg10[%get3A_268, %get3A_269] {strides = array<i32>} : memref<64x128xf32, #tpu.memory_space<vmem>>, vector<1x16xf32>,
        %get3A_271 = vector.shape_cast %get3A_270 : vector<1x16xf32> to vector<16xf32>
        %mul3A_272 = arith.mulf %get3A_267, %get3A_271 : vector<16xf32>
        %swap3A_273 = arith.index_cast %add3A_223 : i32 to index
        %swap3A_274 = arith.constant 48 : index
        %swap3A_275 = tpu.vector_load %arg12[%swap3A_273, %swap3A_274] {strides = array<i32>} : memref<64x128xf32, #tpu.memory_space<vmem>>, vector<1x16xf32>,
        %swap3A_276 = vector.shape_cast %swap3A_275 : vector<1x16xf32> to vector<16xf32>
        %swap3A_277 = vector.shape_cast %mul3A_272 : vector<16xf32> to vector<1x16xf32>
        tpu.vector_store %arg12[%swap3A_273, %swap3A_274], %swap3A_277 {strides = array<i32>} : memref<64x128xf32, #tpu.memory_space<vmem>>, vector<1x16xf32>,
        %get3A_278 = arith.index_cast %add3A_223 : i32 to index
        %get3A_279 = arith.constant 64 : index
        %get3A_280 = tpu.vector_load %arg12[%get3A_278, %get3A_279] {strides = array<i32>} : memref<64x128xf32, #tpu.memory_space<vmem>>, vector<1x16xf32>,
        %get3A_281 = vector.shape_cast %get3A_280 : vector<1x16xf32> to vector<16xf32>
        %get3A_282 = arith.index_cast %add3A_223 : i32 to index
        %get3A_283 = arith.constant 64 : index
        %get3A_284 = tpu.vector_load %arg10[%get3A_282, %get3A_283] {strides = array<i32>} : memref<64x128xf32, #tpu.memory_space<vmem>>, vector<1x16xf32>,
        %get3A_285 = vector.shape_cast %get3A_284 : vector<1x16xf32> to vector<16xf32>
        %mul3A_286 = arith.mulf %get3A_281, %get3A_285 : vector<16xf32>
        %swap3A_287 = arith.index_cast %add3A_223 : i32 to index
        %swap3A_288 = arith.constant 64 : index
        %swap3A_289 = tpu.vector_load %arg12[%swap3A_287, %swap3A_288] {strides = array<i32>} : memref<64x128xf32, #tpu.memory_space<vmem>>, vector<1x16xf32>,
        %swap3A_290 = vector.shape_cast %swap3A_289 : vector<1x16xf32> to vector<16xf32>
        %swap3A_291 = vector.shape_cast %mul3A_286 : vector<16xf32> to vector<1x16xf32>
        tpu.vector_store %arg12[%swap3A_287, %swap3A_288], %swap3A_291 {strides = array<i32>} : memref<64x128xf32, #tpu.memory_space<vmem>>, vector<1x16xf32>,
        %get3A_292 = arith.index_cast %add3A_223 : i32 to index
        %get3A_293 = arith.constant 80 : index
        %get3A_294 = tpu.vector_load %arg12[%get3A_292, %get3A_293] {strides = array<i32>} : memref<64x128xf32, #tpu.memory_space<vmem>>, vector<1x16xf32>,
        %get3A_295 = vector.shape_cast %get3A_294 : vector<1x16xf32> to vector<16xf32>
        %get3A_296 = arith.index_cast %add3A_223 : i32 to index
        %get3A_297 = arith.constant 80 : index
        %get3A_298 = tpu.vector_load %arg10[%get3A_296, %get3A_297] {strides = array<i32>} : memref<64x128xf32, #tpu.memory_space<vmem>>, vector<1x16xf32>,
        %get3A_299 = vector.shape_cast %get3A_298 : vector<1x16xf32> to vector<16xf32>
        %mul3A_300 = arith.mulf %get3A_295, %get3A_299 : vector<16xf32>
        %swap3A_301 = arith.index_cast %add3A_223 : i32 to index
        %swap3A_302 = arith.constant 80 : index
        %swap3A_303 = tpu.vector_load %arg12[%swap3A_301, %swap3A_302] {strides = array<i32>} : memref<64x128xf32, #tpu.memory_space<vmem>>, vector<1x16xf32>,
        %swap3A_304 = vector.shape_cast %swap3A_303 : vector<1x16xf32> to vector<16xf32>
        %swap3A_305 = vector.shape_cast %mul3A_300 : vector<16xf32> to vector<1x16xf32>
        tpu.vector_store %arg12[%swap3A_301, %swap3A_302], %swap3A_305 {strides = array<i32>} : memref<64x128xf32, #tpu.memory_space<vmem>>, vector<1x16xf32>,
        %get3A_306 = arith.index_cast %add3A_223 : i32 to index
        %get3A_307 = arith.constant 96 : index
        %get3A_308 = tpu.vector_load %arg12[%get3A_306, %get3A_307] {strides = array<i32>} : memref<64x128xf32, #tpu.memory_space<vmem>>, vector<1x16xf32>,
        %get3A_309 = vector.shape_cast %get3A_308 : vector<1x16xf32> to vector<16xf32>
        %get3A_310 = arith.index_cast %add3A_223 : i32 to index
        %get3A_311 = arith.constant 96 : index
        %get3A_312 = tpu.vector_load %arg10[%get3A_310, %get3A_311] {strides = array<i32>} : memref<64x128xf32, #tpu.memory_space<vmem>>, vector<1x16xf32>,
        %get3A_313 = vector.shape_cast %get3A_312 : vector<1x16xf32> to vector<16xf32>
        %mul3A_314 = arith.mulf %get3A_309, %get3A_313 : vector<16xf32>
        %swap3A_315 = arith.index_cast %add3A_223 : i32 to index
        %swap3A_316 = arith.constant 96 : index
        %swap3A_317 = tpu.vector_load %arg12[%swap3A_315, %swap3A_316] {strides = array<i32>} : memref<64x128xf32, #tpu.memory_space<vmem>>, vector<1x16xf32>,
        %swap3A_318 = vector.shape_cast %swap3A_317 : vector<1x16xf32> to vector<16xf32>
        %swap3A_319 = vector.shape_cast %mul3A_314 : vector<16xf32> to vector<1x16xf32>
        tpu.vector_store %arg12[%swap3A_315, %swap3A_316], %swap3A_319 {strides = array<i32>} : memref<64x128xf32, #tpu.memory_space<vmem>>, vector<1x16xf32>,
        %get3A_320 = arith.index_cast %add3A_223 : i32 to index
        %get3A_321 = arith.constant 112 : index
        %get3A_322 = tpu.vector_load %arg12[%get3A_320, %get3A_321] {strides = array<i32>} : memref<64x128xf32, #tpu.memory_space<vmem>>, vector<1x16xf32>,
        %get3A_323 = vector.shape_cast %get3A_322 : vector<1x16xf32> to vector<16xf32>
        %get3A_324 = arith.index_cast %add3A_223 : i32 to index
        %get3A_325 = arith.constant 112 : index
        %get3A_326 = tpu.vector_load %arg10[%get3A_324, %get3A_325] {strides = array<i32>} : memref<64x128xf32, #tpu.memory_space<vmem>>, vector<1x16xf32>,
        %get3A_327 = vector.shape_cast %get3A_326 : vector<1x16xf32> to vector<16xf32>
        %mul3A_328 = arith.mulf %get3A_323, %get3A_327 : vector<16xf32>
        %swap3A_329 = arith.index_cast %add3A_223 : i32 to index
        %swap3A_330 = arith.constant 112 : index
        %swap3A_331 = tpu.vector_load %arg12[%swap3A_329, %swap3A_330] {strides = array<i32>} : memref<64x128xf32, #tpu.memory_space<vmem>>, vector<1x16xf32>,
        %swap3A_332 = vector.shape_cast %swap3A_331 : vector<1x16xf32> to vector<16xf32>
        %swap3A_333 = vector.shape_cast %mul3A_328 : vector<16xf32> to vector<1x16xf32>
        tpu.vector_store %arg12[%swap3A_329, %swap3A_330], %swap3A_333 {strides = array<i32>} : memref<64x128xf32, #tpu.memory_space<vmem>>, vector<1x16xf32>,
      }
      %scan3A_167 = arith.constant 64 : i32
      "tpu.region"() ({
        %run_scoped3A_219 = tpu.sem_alloc : memref<!tpu.dma_semaphore, #tpu.memory_space<semaphore_mem>>
        %dma_start3A_220 = arith.constant 0 : i32
        %dma_start3A_221 = tpu.memref_slice %arg9[%add3A_152, %dma_start3A_220] : memref<40x64xi32, #tpu.memory_space<vmem>> -> memref<1x64xi32, #tpu.memory_space<vmem>>
        %dma_start3A_222 = tpu.memref_squeeze %dma_start3A_221 : memref<1x64xi32, #tpu.memory_space<vmem>> -> memref<64xi32, #tpu.memory_space<vmem>>
        %dma_start3A_223 = arith.constant 0 : i32
        %dma_start3A_224 = arith.constant 0 : i32
        %dma_start3A_225 = tpu.memref_slice %arg18[%dma_start3A_223, %dma_start3A_224] : memref<10112x128xf32, #tpu.memory_space<vmem_shared>> -> memref<10112x128xf32, #tpu.memory_space<vmem_shared>>
        tpu.enqueue_indirect_dma source(%arg12 : memref<64x128xf32, #tpu.memory_space<vmem>>) target(%dma_start3A_225 : memref<10112x128xf32, #tpu.memory_space<vmem_shared>>) offsets(%dma_start3A_222 : memref<64xi32, #tpu.memory_space<vmem>>) semaphore(%run_scoped3A_219 : memref<!tpu.dma_semaphore, #tpu.memory_space<semaphore_mem>>) {add = true}
        %dma_wait3A_226 = arith.constant 0 : i32
        %dma_wait3A_227 = tpu.memref_slice %arg9[%add3A_152, %dma_wait3A_226] : memref<40x64xi32, #tpu.memory_space<vmem>> -> memref<1x64xi32, #tpu.memory_space<vmem>>
        %dma_wait3A_228 = tpu.memref_squeeze %dma_wait3A_227 : memref<1x64xi32, #tpu.memory_space<vmem>> -> memref<64xi32, #tpu.memory_space<vmem>>
        %dma_wait3A_229 = arith.constant 0 : i32
        %dma_wait3A_230 = arith.constant 0 : i32
        %dma_wait3A_231 = tpu.memref_slice %arg18[%dma_wait3A_229, %dma_wait3A_230] : memref<10112x128xf32, #tpu.memory_space<vmem_shared>> -> memref<10112x128xf32, #tpu.memory_space<vmem_shared>>
        tpu.wait_indirect_dma semaphore(%run_scoped3A_219 : memref<!tpu.dma_semaphore, #tpu.memory_space<semaphore_mem>>) src(%arg12 : memref<64x128xf32, #tpu.memory_space<vmem>>) dst(%dma_wait3A_231 : memref<10112x128xf32, #tpu.memory_space<vmem_shared>>)
        tpu.yield
      }) : () -> ()
      %add3A_168 = arith.constant 0 : i32
      %add3A_169 = arith.addi %add3A_150, %add3A_168 : i32
      %add3A_170 = arith.constant 2 : i32
      %add3A_171 = arith.addi %add3A_169, %add3A_170 : i32
      %mul3A_172 = arith.constant 64 : i32
      %mul3A_173 = arith.muli %add3A_171, %mul3A_172 : i32
      %add3A_174 = arith.addi %mul3A_77, %mul3A_173 : i32
      %dma_start3A_175 = arith.constant 0 : i32
      %dma_start3A_176 = tpu.memref_slice %arg3[%add3A_174, %dma_start3A_175] : memref<163840x128xf32, #tpu.memory_space<hbm>> -> memref<64x128xf32, #tpu.memory_space<hbm>>
      %dma_start3A_177 = arith.constant 0 : i32
      %dma_start3A_178 = tpu.memref_slice %arg3[%add3A_174, %dma_start3A_177] : memref<163840x128xf32, #tpu.memory_space<hbm>> -> memref<64x128xf32, #tpu.memory_space<hbm>>
      tpu.enqueue_dma source(%dma_start3A_178 : memref<64x128xf32, #tpu.memory_space<hbm>>) target(%arg10 : memref<64x128xf32, #tpu.memory_space<vmem>>) target_semaphore(%arg14 : memref<!tpu.dma_semaphore, #tpu.memory_space<semaphore_mem>>)
      %dma_start3A_179 = arith.constant 0 : i32
      %dma_start3A_180 = tpu.memref_slice %arg8[%add3A_171, %dma_start3A_179] : memref<40x64xi32, #tpu.memory_space<vmem>> -> memref<1x64xi32, #tpu.memory_space<vmem>>
      %dma_start3A_181 = tpu.memref_squeeze %dma_start3A_180 : memref<1x64xi32, #tpu.memory_space<vmem>> -> memref<64xi32, #tpu.memory_space<vmem>>
      %dma_start3A_182 = arith.constant 0 : i32
      %dma_start3A_183 = arith.constant 0 : i32
      %dma_start3A_184 = tpu.memref_slice %arg2[%dma_start3A_182, %dma_start3A_183] : memref<10000x128xf32, #tpu.memory_space<hbm>> -> memref<10000x128xf32, #tpu.memory_space<hbm>>
      tpu.enqueue_indirect_dma source(%dma_start3A_184 : memref<10000x128xf32, #tpu.memory_space<hbm>>) target(%arg12 : memref<64x128xf32, #tpu.memory_space<vmem>>) offsets(%dma_start3A_181 : memref<64xi32, #tpu.memory_space<vmem>>) semaphore(%arg16 : memref<!tpu.dma_semaphore, #tpu.memory_space<semaphore_mem>>)
      %add3A_185 = arith.constant 1 : i32
      %add3A_186 = arith.addi %add3A_150, %add3A_185 : i32
      %dma_wait3A_187 = arith.constant 0 : i32
      %dma_wait3A_188 = tpu.memref_slice %arg3[%mul3A_77, %dma_wait3A_187] : memref<163840x128xf32, #tpu.memory_space<hbm>> -> memref<64x128xf32, #tpu.memory_space<hbm>>
      %dma_wait3A_189 = arith.constant 0 : i32
      %dma_wait3A_190 = tpu.memref_slice %arg3[%mul3A_77, %dma_wait3A_189] : memref<163840x128xf32, #tpu.memory_space<hbm>> -> memref<64x128xf32, #tpu.memory_space<hbm>>
      tpu.wait_dma2 semaphore(%arg15 : memref<!tpu.dma_semaphore, #tpu.memory_space<semaphore_mem>>) src(%dma_wait3A_190 : memref<64x128xf32, #tpu.memory_space<hbm>>) dst(%arg11 : memref<64x128xf32, #tpu.memory_space<vmem>>)
      %dma_wait3A_191 = arith.constant 0 : i32
      %dma_wait3A_192 = tpu.memref_slice %arg8[%add3A_186, %dma_wait3A_191] : memref<40x64xi32, #tpu.memory_space<vmem>> -> memref<1x64xi32, #tpu.memory_space<vmem>>
      %dma_wait3A_193 = tpu.memref_squeeze %dma_wait3A_192 : memref<1x64xi32, #tpu.memory_space<vmem>> -> memref<64xi32, #tpu.memory_space<vmem>>
      %dma_wait3A_194 = arith.constant 0 : i32
      %dma_wait3A_195 = arith.constant 0 : i32
      %dma_wait3A_196 = tpu.memref_slice %arg2[%dma_wait3A_194, %dma_wait3A_195] : memref<10000x128xf32, #tpu.memory_space<hbm>> -> memref<10000x128xf32, #tpu.memory_space<hbm>>
      tpu.wait_indirect_dma semaphore(%arg17 : memref<!tpu.dma_semaphore, #tpu.memory_space<semaphore_mem>>) src(%dma_wait3A_196 : memref<10000x128xf32, #tpu.memory_space<hbm>>) dst(%arg13 : memref<64x128xf32, #tpu.memory_space<vmem>>)
      %scan3A_197 = arith.constant 0 : i32
      %scan3A_198 = arith.constant 64 : i32
      %scan3A_199 = arith.addi %scan3A_197, %scan3A_198 : i32
      %scan3A_200 = arith.constant 1 : i32
      scf.for %scan3A_219 = %scan3A_197 to %scan3A_199 step %scan3A_200  : i32 {
        %mul3A_220 = arith.constant 1 : i32
        %mul3A_221 = arith.muli %scan3A_219, %mul3A_220 : i32
        %add3A_222 = arith.constant 0 : i32
        %add3A_223 = arith.addi %add3A_222, %mul3A_221 : i32
        %get3A = arith.index_cast %add3A_223 : i32 to index
        %get3A_224 = arith.constant 0 : index
        %get3A_225 = tpu.vector_load %arg13[%get3A, %get3A_224] {strides = array<i32>} : memref<64x128xf32, #tpu.memory_space<vmem>>, vector<1x16xf32>,
        %get3A_226 = vector.shape_cast %get3A_225 : vector<1x16xf32> to vector<16xf32>
        %get3A_227 = arith.index_cast %add3A_223 : i32 to index
        %get3A_228 = arith.constant 0 : index
        %get3A_229 = tpu.vector_load %arg11[%get3A_227, %get3A_228] {strides = array<i32>} : memref<64x128xf32, #tpu.memory_space<vmem>>, vector<1x16xf32>,
        %get3A_230 = vector.shape_cast %get3A_229 : vector<1x16xf32> to vector<16xf32>
        %mul3A_231 = arith.mulf %get3A_226, %get3A_230 : vector<16xf32>
        %swap3A = arith.index_cast %add3A_223 : i32 to index
        %swap3A_232 = arith.constant 0 : index
        %swap3A_233 = tpu.vector_load %arg13[%swap3A, %swap3A_232] {strides = array<i32>} : memref<64x128xf32, #tpu.memory_space<vmem>>, vector<1x16xf32>,
        %swap3A_234 = vector.shape_cast %swap3A_233 : vector<1x16xf32> to vector<16xf32>
        %swap3A_235 = vector.shape_cast %mul3A_231 : vector<16xf32> to vector<1x16xf32>
        tpu.vector_store %arg13[%swap3A, %swap3A_232], %swap3A_235 {strides = array<i32>} : memref<64x128xf32, #tpu.memory_space<vmem>>, vector<1x16xf32>,
        %get3A_236 = arith.index_cast %add3A_223 : i32 to index
        %get3A_237 = arith.constant 16 : index
        %get3A_238 = tpu.vector_load %arg13[%get3A_236, %get3A_237] {strides = array<i32>} : memref<64x128xf32, #tpu.memory_space<vmem>>, vector<1x16xf32>,
        %get3A_239 = vector.shape_cast %get3A_238 : vector<1x16xf32> to vector<16xf32>
        %get3A_240 = arith.index_cast %add3A_223 : i32 to index
        %get3A_241 = arith.constant 16 : index
        %get3A_242 = tpu.vector_load %arg11[%get3A_240, %get3A_241] {strides = array<i32>} : memref<64x128xf32, #tpu.memory_space<vmem>>, vector<1x16xf32>,
        %get3A_243 = vector.shape_cast %get3A_242 : vector<1x16xf32> to vector<16xf32>
        %mul3A_244 = arith.mulf %get3A_239, %get3A_243 : vector<16xf32>
        %swap3A_245 = arith.index_cast %add3A_223 : i32 to index
        %swap3A_246 = arith.constant 16 : index
        %swap3A_247 = tpu.vector_load %arg13[%swap3A_245, %swap3A_246] {strides = array<i32>} : memref<64x128xf32, #tpu.memory_space<vmem>>, vector<1x16xf32>,
        %swap3A_248 = vector.shape_cast %swap3A_247 : vector<1x16xf32> to vector<16xf32>
        %swap3A_249 = vector.shape_cast %mul3A_244 : vector<16xf32> to vector<1x16xf32>
        tpu.vector_store %arg13[%swap3A_245, %swap3A_246], %swap3A_249 {strides = array<i32>} : memref<64x128xf32, #tpu.memory_space<vmem>>, vector<1x16xf32>,
        %get3A_250 = arith.index_cast %add3A_223 : i32 to index
        %get3A_251 = arith.constant 32 : index
        %get3A_252 = tpu.vector_load %arg13[%get3A_250, %get3A_251] {strides = array<i32>} : memref<64x128xf32, #tpu.memory_space<vmem>>, vector<1x16xf32>,
        %get3A_253 = vector.shape_cast %get3A_252 : vector<1x16xf32> to vector<16xf32>
        %get3A_254 = arith.index_cast %add3A_223 : i32 to index
        %get3A_255 = arith.constant 32 : index
        %get3A_256 = tpu.vector_load %arg11[%get3A_254, %get3A_255] {strides = array<i32>} : memref<64x128xf32, #tpu.memory_space<vmem>>, vector<1x16xf32>,
        %get3A_257 = vector.shape_cast %get3A_256 : vector<1x16xf32> to vector<16xf32>
        %mul3A_258 = arith.mulf %get3A_253, %get3A_257 : vector<16xf32>
        %swap3A_259 = arith.index_cast %add3A_223 : i32 to index
        %swap3A_260 = arith.constant 32 : index
        %swap3A_261 = tpu.vector_load %arg13[%swap3A_259, %swap3A_260] {strides = array<i32>} : memref<64x128xf32, #tpu.memory_space<vmem>>, vector<1x16xf32>,
        %swap3A_262 = vector.shape_cast %swap3A_261 : vector<1x16xf32> to vector<16xf32>
        %swap3A_263 = vector.shape_cast %mul3A_258 : vector<16xf32> to vector<1x16xf32>
        tpu.vector_store %arg13[%swap3A_259, %swap3A_260], %swap3A_263 {strides = array<i32>} : memref<64x128xf32, #tpu.memory_space<vmem>>, vector<1x16xf32>,
        %get3A_264 = arith.index_cast %add3A_223 : i32 to index
        %get3A_265 = arith.constant 48 : index
        %get3A_266 = tpu.vector_load %arg13[%get3A_264, %get3A_265] {strides = array<i32>} : memref<64x128xf32, #tpu.memory_space<vmem>>, vector<1x16xf32>,
        %get3A_267 = vector.shape_cast %get3A_266 : vector<1x16xf32> to vector<16xf32>
        %get3A_268 = arith.index_cast %add3A_223 : i32 to index
        %get3A_269 = arith.constant 48 : index
        %get3A_270 = tpu.vector_load %arg11[%get3A_268, %get3A_269] {strides = array<i32>} : memref<64x128xf32, #tpu.memory_space<vmem>>, vector<1x16xf32>,
        %get3A_271 = vector.shape_cast %get3A_270 : vector<1x16xf32> to vector<16xf32>
        %mul3A_272 = arith.mulf %get3A_267, %get3A_271 : vector<16xf32>
        %swap3A_273 = arith.index_cast %add3A_223 : i32 to index
        %swap3A_274 = arith.constant 48 : index
        %swap3A_275 = tpu.vector_load %arg13[%swap3A_273, %swap3A_274] {strides = array<i32>} : memref<64x128xf32, #tpu.memory_space<vmem>>, vector<1x16xf32>,
        %swap3A_276 = vector.shape_cast %swap3A_275 : vector<1x16xf32> to vector<16xf32>
        %swap3A_277 = vector.shape_cast %mul3A_272 : vector<16xf32> to vector<1x16xf32>
        tpu.vector_store %arg13[%swap3A_273, %swap3A_274], %swap3A_277 {strides = array<i32>} : memref<64x128xf32, #tpu.memory_space<vmem>>, vector<1x16xf32>,
        %get3A_278 = arith.index_cast %add3A_223 : i32 to index
        %get3A_279 = arith.constant 64 : index
        %get3A_280 = tpu.vector_load %arg13[%get3A_278, %get3A_279] {strides = array<i32>} : memref<64x128xf32, #tpu.memory_space<vmem>>, vector<1x16xf32>,
        %get3A_281 = vector.shape_cast %get3A_280 : vector<1x16xf32> to vector<16xf32>
        %get3A_282 = arith.index_cast %add3A_223 : i32 to index
        %get3A_283 = arith.constant 64 : index
        %get3A_284 = tpu.vector_load %arg11[%get3A_282, %get3A_283] {strides = array<i32>} : memref<64x128xf32, #tpu.memory_space<vmem>>, vector<1x16xf32>,
        %get3A_285 = vector.shape_cast %get3A_284 : vector<1x16xf32> to vector<16xf32>
        %mul3A_286 = arith.mulf %get3A_281, %get3A_285 : vector<16xf32>
        %swap3A_287 = arith.index_cast %add3A_223 : i32 to index
        %swap3A_288 = arith.constant 64 : index
        %swap3A_289 = tpu.vector_load %arg13[%swap3A_287, %swap3A_288] {strides = array<i32>} : memref<64x128xf32, #tpu.memory_space<vmem>>, vector<1x16xf32>,
        %swap3A_290 = vector.shape_cast %swap3A_289 : vector<1x16xf32> to vector<16xf32>
        %swap3A_291 = vector.shape_cast %mul3A_286 : vector<16xf32> to vector<1x16xf32>
        tpu.vector_store %arg13[%swap3A_287, %swap3A_288], %swap3A_291 {strides = array<i32>} : memref<64x128xf32, #tpu.memory_space<vmem>>, vector<1x16xf32>,
        %get3A_292 = arith.index_cast %add3A_223 : i32 to index
        %get3A_293 = arith.constant 80 : index
        %get3A_294 = tpu.vector_load %arg13[%get3A_292, %get3A_293] {strides = array<i32>} : memref<64x128xf32, #tpu.memory_space<vmem>>, vector<1x16xf32>,
        %get3A_295 = vector.shape_cast %get3A_294 : vector<1x16xf32> to vector<16xf32>
        %get3A_296 = arith.index_cast %add3A_223 : i32 to index
        %get3A_297 = arith.constant 80 : index
        %get3A_298 = tpu.vector_load %arg11[%get3A_296, %get3A_297] {strides = array<i32>} : memref<64x128xf32, #tpu.memory_space<vmem>>, vector<1x16xf32>,
        %get3A_299 = vector.shape_cast %get3A_298 : vector<1x16xf32> to vector<16xf32>
        %mul3A_300 = arith.mulf %get3A_295, %get3A_299 : vector<16xf32>
        %swap3A_301 = arith.index_cast %add3A_223 : i32 to index
        %swap3A_302 = arith.constant 80 : index
        %swap3A_303 = tpu.vector_load %arg13[%swap3A_301, %swap3A_302] {strides = array<i32>} : memref<64x128xf32, #tpu.memory_space<vmem>>, vector<1x16xf32>,
        %swap3A_304 = vector.shape_cast %swap3A_303 : vector<1x16xf32> to vector<16xf32>
        %swap3A_305 = vector.shape_cast %mul3A_300 : vector<16xf32> to vector<1x16xf32>
        tpu.vector_store %arg13[%swap3A_301, %swap3A_302], %swap3A_305 {strides = array<i32>} : memref<64x128xf32, #tpu.memory_space<vmem>>, vector<1x16xf32>,
        %get3A_306 = arith.index_cast %add3A_223 : i32 to index
        %get3A_307 = arith.constant 96 : index
        %get3A_308 = tpu.vector_load %arg13[%get3A_306, %get3A_307] {strides = array<i32>} : memref<64x128xf32, #tpu.memory_space<vmem>>, vector<1x16xf32>,
        %get3A_309 = vector.shape_cast %get3A_308 : vector<1x16xf32> to vector<16xf32>
        %get3A_310 = arith.index_cast %add3A_223 : i32 to index
        %get3A_311 = arith.constant 96 : index
        %get3A_312 = tpu.vector_load %arg11[%get3A_310, %get3A_311] {strides = array<i32>} : memref<64x128xf32, #tpu.memory_space<vmem>>, vector<1x16xf32>,
        %get3A_313 = vector.shape_cast %get3A_312 : vector<1x16xf32> to vector<16xf32>
        %mul3A_314 = arith.mulf %get3A_309, %get3A_313 : vector<16xf32>
        %swap3A_315 = arith.index_cast %add3A_223 : i32 to index
        %swap3A_316 = arith.constant 96 : index
        %swap3A_317 = tpu.vector_load %arg13[%swap3A_315, %swap3A_316] {strides = array<i32>} : memref<64x128xf32, #tpu.memory_space<vmem>>, vector<1x16xf32>,
        %swap3A_318 = vector.shape_cast %swap3A_317 : vector<1x16xf32> to vector<16xf32>
        %swap3A_319 = vector.shape_cast %mul3A_314 : vector<16xf32> to vector<1x16xf32>
        tpu.vector_store %arg13[%swap3A_315, %swap3A_316], %swap3A_319 {strides = array<i32>} : memref<64x128xf32, #tpu.memory_space<vmem>>, vector<1x16xf32>,
        %get3A_320 = arith.index_cast %add3A_223 : i32 to index
        %get3A_321 = arith.constant 112 : index
        %get3A_322 = tpu.vector_load %arg13[%get3A_320, %get3A_321] {strides = array<i32>} : memref<64x128xf32, #tpu.memory_space<vmem>>, vector<1x16xf32>,
        %get3A_323 = vector.shape_cast %get3A_322 : vector<1x16xf32> to vector<16xf32>
        %get3A_324 = arith.index_cast %add3A_223 : i32 to index
        %get3A_325 = arith.constant 112 : index
        %get3A_326 = tpu.vector_load %arg11[%get3A_324, %get3A_325] {strides = array<i32>} : memref<64x128xf32, #tpu.memory_space<vmem>>, vector<1x16xf32>,
        %get3A_327 = vector.shape_cast %get3A_326 : vector<1x16xf32> to vector<16xf32>
        %mul3A_328 = arith.mulf %get3A_323, %get3A_327 : vector<16xf32>
        %swap3A_329 = arith.index_cast %add3A_223 : i32 to index
        %swap3A_330 = arith.constant 112 : index
        %swap3A_331 = tpu.vector_load %arg13[%swap3A_329, %swap3A_330] {strides = array<i32>} : memref<64x128xf32, #tpu.memory_space<vmem>>, vector<1x16xf32>,
        %swap3A_332 = vector.shape_cast %swap3A_331 : vector<1x16xf32> to vector<16xf32>
        %swap3A_333 = vector.shape_cast %mul3A_328 : vector<16xf32> to vector<1x16xf32>
        tpu.vector_store %arg13[%swap3A_329, %swap3A_330], %swap3A_333 {strides = array<i32>} : memref<64x128xf32, #tpu.memory_space<vmem>>, vector<1x16xf32>,
      }
      %scan3A_201 = arith.constant 64 : i32
      "tpu.region"() ({
        %run_scoped3A_219 = tpu.sem_alloc : memref<!tpu.dma_semaphore, #tpu.memory_space<semaphore_mem>>
        %dma_start3A_220 = arith.constant 0 : i32
        %dma_start3A_221 = tpu.memref_slice %arg9[%add3A_186, %dma_start3A_220] : memref<40x64xi32, #tpu.memory_space<vmem>> -> memref<1x64xi32, #tpu.memory_space<vmem>>
        %dma_start3A_222 = tpu.memref_squeeze %dma_start3A_221 : memref<1x64xi32, #tpu.memory_space<vmem>> -> memref<64xi32, #tpu.memory_space<vmem>>
        %dma_start3A_223 = arith.constant 0 : i32
        %dma_start3A_224 = arith.constant 0 : i32
        %dma_start3A_225 = tpu.memref_slice %arg18[%dma_start3A_223, %dma_start3A_224] : memref<10112x128xf32, #tpu.memory_space<vmem_shared>> -> memref<10112x128xf32, #tpu.memory_space<vmem_shared>>
        tpu.enqueue_indirect_dma source(%arg13 : memref<64x128xf32, #tpu.memory_space<vmem>>) target(%dma_start3A_225 : memref<10112x128xf32, #tpu.memory_space<vmem_shared>>) offsets(%dma_start3A_222 : memref<64xi32, #tpu.memory_space<vmem>>) semaphore(%run_scoped3A_219 : memref<!tpu.dma_semaphore, #tpu.memory_space<semaphore_mem>>) {add = true}
        %dma_wait3A_226 = arith.constant 0 : i32
        %dma_wait3A_227 = tpu.memref_slice %arg9[%add3A_186, %dma_wait3A_226] : memref<40x64xi32, #tpu.memory_space<vmem>> -> memref<1x64xi32, #tpu.memory_space<vmem>>
        %dma_wait3A_228 = tpu.memref_squeeze %dma_wait3A_227 : memref<1x64xi32, #tpu.memory_space<vmem>> -> memref<64xi32, #tpu.memory_space<vmem>>
        %dma_wait3A_229 = arith.constant 0 : i32
        %dma_wait3A_230 = arith.constant 0 : i32
        %dma_wait3A_231 = tpu.memref_slice %arg18[%dma_wait3A_229, %dma_wait3A_230] : memref<10112x128xf32, #tpu.memory_space<vmem_shared>> -> memref<10112x128xf32, #tpu.memory_space<vmem_shared>>
        tpu.wait_indirect_dma semaphore(%run_scoped3A_219 : memref<!tpu.dma_semaphore, #tpu.memory_space<semaphore_mem>>) src(%arg13 : memref<64x128xf32, #tpu.memory_space<vmem>>) dst(%dma_wait3A_231 : memref<10112x128xf32, #tpu.memory_space<vmem_shared>>)
        tpu.yield
      }) : () -> ()
      %add3A_202 = arith.constant 1 : i32
      %add3A_203 = arith.addi %add3A_150, %add3A_202 : i32
      %add3A_204 = arith.constant 2 : i32
      %add3A_205 = arith.addi %add3A_203, %add3A_204 : i32
      %mul3A_206 = arith.constant 64 : i32
      %mul3A_207 = arith.muli %add3A_205, %mul3A_206 : i32
      %add3A_208 = arith.addi %mul3A_77, %mul3A_207 : i32
      %dma_start3A_209 = arith.constant 0 : i32
      %dma_start3A_210 = tpu.memref_slice %arg3[%add3A_208, %dma_start3A_209] : memref<163840x128xf32, #tpu.memory_space<hbm>> -> memref<64x128xf32, #tpu.memory_space<hbm>>
      %dma_start3A_211 = arith.constant 0 : i32
      %dma_start3A_212 = tpu.memref_slice %arg3[%add3A_208, %dma_start3A_211] : memref<163840x128xf32, #tpu.memory_space<hbm>> -> memref<64x128xf32, #tpu.memory_space<hbm>>
      tpu.enqueue_dma source(%dma_start3A_212 : memref<64x128xf32, #tpu.memory_space<hbm>>) target(%arg11 : memref<64x128xf32, #tpu.memory_space<vmem>>) target_semaphore(%arg15 : memref<!tpu.dma_semaphore, #tpu.memory_space<semaphore_mem>>)
      %dma_start3A_213 = arith.constant 0 : i32
      %dma_start3A_214 = tpu.memref_slice %arg8[%add3A_205, %dma_start3A_213] : memref<40x64xi32, #tpu.memory_space<vmem>> -> memref<1x64xi32, #tpu.memory_space<vmem>>
      %dma_start3A_215 = tpu.memref_squeeze %dma_start3A_214 : memref<1x64xi32, #tpu.memory_space<vmem>> -> memref<64xi32, #tpu.memory_space<vmem>>
      %dma_start3A_216 = arith.constant 0 : i32
      %dma_start3A_217 = arith.constant 0 : i32
      %dma_start3A_218 = tpu.memref_slice %arg2[%dma_start3A_216, %dma_start3A_217] : memref<10000x128xf32, #tpu.memory_space<hbm>> -> memref<10000x128xf32, #tpu.memory_space<hbm>>
      tpu.enqueue_indirect_dma source(%dma_start3A_218 : memref<10000x128xf32, #tpu.memory_space<hbm>>) target(%arg13 : memref<64x128xf32, #tpu.memory_space<vmem>>) offsets(%dma_start3A_215 : memref<64xi32, #tpu.memory_space<vmem>>) semaphore(%arg17 : memref<!tpu.dma_semaphore, #tpu.memory_space<semaphore_mem>>)
    }
    %scan3A_110 = arith.constant 19 : i32
    %dma_wait3A_111 = arith.constant 0 : i32
    %dma_wait3A_112 = tpu.memref_slice %arg3[%mul3A_77, %dma_wait3A_111] : memref<163840x128xf32, #tpu.memory_space<hbm>> -> memref<64x128xf32, #tpu.memory_space<hbm>>
    %dma_wait3A_113 = arith.constant 0 : i32
    %dma_wait3A_114 = tpu.memref_slice %arg3[%mul3A_77, %dma_wait3A_113] : memref<163840x128xf32, #tpu.memory_space<hbm>> -> memref<64x128xf32, #tpu.memory_space<hbm>>
    tpu.wait_dma2 semaphore(%arg14 : memref<!tpu.dma_semaphore, #tpu.memory_space<semaphore_mem>>) src(%dma_wait3A_114 : memref<64x128xf32, #tpu.memory_space<hbm>>) dst(%arg10 : memref<64x128xf32, #tpu.memory_space<vmem>>)
    %dma_wait3A_115 = arith.constant 38 : i32
    %dma_wait3A_116 = arith.constant 0 : i32
    %dma_wait3A_117 = tpu.memref_slice %arg8[%dma_wait3A_115, %dma_wait3A_116] : memref<40x64xi32, #tpu.memory_space<vmem>> -> memref<1x64xi32, #tpu.memory_space<vmem>>
    %dma_wait3A_118 = tpu.memref_squeeze %dma_wait3A_117 : memref<1x64xi32, #tpu.memory_space<vmem>> -> memref<64xi32, #tpu.memory_space<vmem>>
    %dma_wait3A_119 = arith.constant 0 : i32
    %dma_wait3A_120 = arith.constant 0 : i32
    %dma_wait3A_121 = tpu.memref_slice %arg2[%dma_wait3A_119, %dma_wait3A_120] : memref<10000x128xf32, #tpu.memory_space<hbm>> -> memref<10000x128xf32, #tpu.memory_space<hbm>>
    tpu.wait_indirect_dma semaphore(%arg16 : memref<!tpu.dma_semaphore, #tpu.memory_space<semaphore_mem>>) src(%dma_wait3A_121 : memref<10000x128xf32, #tpu.memory_space<hbm>>) dst(%arg12 : memref<64x128xf32, #tpu.memory_space<vmem>>)
    %scan3A_122 = arith.constant 0 : i32
    %scan3A_123 = arith.constant 64 : i32
    %scan3A_124 = arith.addi %scan3A_122, %scan3A_123 : i32
    %scan3A_125 = arith.constant 1 : i32
    scf.for %scan3A_146 = %scan3A_122 to %scan3A_124 step %scan3A_125  : i32 {
      %mul3A_147 = arith.constant 1 : i32
      %mul3A_148 = arith.muli %scan3A_146, %mul3A_147 : i32
      %add3A_149 = arith.constant 0 : i32
      %add3A_150 = arith.addi %add3A_149, %mul3A_148 : i32
      %get3A = arith.index_cast %add3A_150 : i32 to index
      %get3A_151 = arith.constant 0 : index
      %get3A_152 = tpu.vector_load %arg12[%get3A, %get3A_151] {strides = array<i32>} : memref<64x128xf32, #tpu.memory_space<vmem>>, vector<1x16xf32>,
      %get3A_153 = vector.shape_cast %get3A_152 : vector<1x16xf32> to vector<16xf32>
      %get3A_154 = arith.index_cast %add3A_150 : i32 to index
      %get3A_155 = arith.constant 0 : index
      %get3A_156 = tpu.vector_load %arg10[%get3A_154, %get3A_155] {strides = array<i32>} : memref<64x128xf32, #tpu.memory_space<vmem>>, vector<1x16xf32>,
      %get3A_157 = vector.shape_cast %get3A_156 : vector<1x16xf32> to vector<16xf32>
      %mul3A_158 = arith.mulf %get3A_153, %get3A_157 : vector<16xf32>
      %swap3A = arith.index_cast %add3A_150 : i32 to index
      %swap3A_159 = arith.constant 0 : index
      %swap3A_160 = tpu.vector_load %arg12[%swap3A, %swap3A_159] {strides = array<i32>} : memref<64x128xf32, #tpu.memory_space<vmem>>, vector<1x16xf32>,
      %swap3A_161 = vector.shape_cast %swap3A_160 : vector<1x16xf32> to vector<16xf32>
      %swap3A_162 = vector.shape_cast %mul3A_158 : vector<16xf32> to vector<1x16xf32>
      tpu.vector_store %arg12[%swap3A, %swap3A_159], %swap3A_162 {strides = array<i32>} : memref<64x128xf32, #tpu.memory_space<vmem>>, vector<1x16xf32>,
      %get3A_163 = arith.index_cast %add3A_150 : i32 to index
      %get3A_164 = arith.constant 16 : index
      %get3A_165 = tpu.vector_load %arg12[%get3A_163, %get3A_164] {strides = array<i32>} : memref<64x128xf32, #tpu.memory_space<vmem>>, vector<1x16xf32>,
      %get3A_166 = vector.shape_cast %get3A_165 : vector<1x16xf32> to vector<16xf32>
      %get3A_167 = arith.index_cast %add3A_150 : i32 to index
      %get3A_168 = arith.constant 16 : index
      %get3A_169 = tpu.vector_load %arg10[%get3A_167, %get3A_168] {strides = array<i32>} : memref<64x128xf32, #tpu.memory_space<vmem>>, vector<1x16xf32>,
      %get3A_170 = vector.shape_cast %get3A_169 : vector<1x16xf32> to vector<16xf32>
      %mul3A_171 = arith.mulf %get3A_166, %get3A_170 : vector<16xf32>
      %swap3A_172 = arith.index_cast %add3A_150 : i32 to index
      %swap3A_173 = arith.constant 16 : index
      %swap3A_174 = tpu.vector_load %arg12[%swap3A_172, %swap3A_173] {strides = array<i32>} : memref<64x128xf32, #tpu.memory_space<vmem>>, vector<1x16xf32>,
      %swap3A_175 = vector.shape_cast %swap3A_174 : vector<1x16xf32> to vector<16xf32>
      %swap3A_176 = vector.shape_cast %mul3A_171 : vector<16xf32> to vector<1x16xf32>
      tpu.vector_store %arg12[%swap3A_172, %swap3A_173], %swap3A_176 {strides = array<i32>} : memref<64x128xf32, #tpu.memory_space<vmem>>, vector<1x16xf32>,
      %get3A_177 = arith.index_cast %add3A_150 : i32 to index
      %get3A_178 = arith.constant 32 : index
      %get3A_179 = tpu.vector_load %arg12[%get3A_177, %get3A_178] {strides = array<i32>} : memref<64x128xf32, #tpu.memory_space<vmem>>, vector<1x16xf32>,
      %get3A_180 = vector.shape_cast %get3A_179 : vector<1x16xf32> to vector<16xf32>
      %get3A_181 = arith.index_cast %add3A_150 : i32 to index
      %get3A_182 = arith.constant 32 : index
      %get3A_183 = tpu.vector_load %arg10[%get3A_181, %get3A_182] {strides = array<i32>} : memref<64x128xf32, #tpu.memory_space<vmem>>, vector<1x16xf32>,
      %get3A_184 = vector.shape_cast %get3A_183 : vector<1x16xf32> to vector<16xf32>
      %mul3A_185 = arith.mulf %get3A_180, %get3A_184 : vector<16xf32>
      %swap3A_186 = arith.index_cast %add3A_150 : i32 to index
      %swap3A_187 = arith.constant 32 : index
      %swap3A_188 = tpu.vector_load %arg12[%swap3A_186, %swap3A_187] {strides = array<i32>} : memref<64x128xf32, #tpu.memory_space<vmem>>, vector<1x16xf32>,
      %swap3A_189 = vector.shape_cast %swap3A_188 : vector<1x16xf32> to vector<16xf32>
      %swap3A_190 = vector.shape_cast %mul3A_185 : vector<16xf32> to vector<1x16xf32>
      tpu.vector_store %arg12[%swap3A_186, %swap3A_187], %swap3A_190 {strides = array<i32>} : memref<64x128xf32, #tpu.memory_space<vmem>>, vector<1x16xf32>,
      %get3A_191 = arith.index_cast %add3A_150 : i32 to index
      %get3A_192 = arith.constant 48 : index
      %get3A_193 = tpu.vector_load %arg12[%get3A_191, %get3A_192] {strides = array<i32>} : memref<64x128xf32, #tpu.memory_space<vmem>>, vector<1x16xf32>,
      %get3A_194 = vector.shape_cast %get3A_193 : vector<1x16xf32> to vector<16xf32>
      %get3A_195 = arith.index_cast %add3A_150 : i32 to index
      %get3A_196 = arith.constant 48 : index
      %get3A_197 = tpu.vector_load %arg10[%get3A_195, %get3A_196] {strides = array<i32>} : memref<64x128xf32, #tpu.memory_space<vmem>>, vector<1x16xf32>,
      %get3A_198 = vector.shape_cast %get3A_197 : vector<1x16xf32> to vector<16xf32>
      %mul3A_199 = arith.mulf %get3A_194, %get3A_198 : vector<16xf32>
      %swap3A_200 = arith.index_cast %add3A_150 : i32 to index
      %swap3A_201 = arith.constant 48 : index
      %swap3A_202 = tpu.vector_load %arg12[%swap3A_200, %swap3A_201] {strides = array<i32>} : memref<64x128xf32, #tpu.memory_space<vmem>>, vector<1x16xf32>,
      %swap3A_203 = vector.shape_cast %swap3A_202 : vector<1x16xf32> to vector<16xf32>
      %swap3A_204 = vector.shape_cast %mul3A_199 : vector<16xf32> to vector<1x16xf32>
      tpu.vector_store %arg12[%swap3A_200, %swap3A_201], %swap3A_204 {strides = array<i32>} : memref<64x128xf32, #tpu.memory_space<vmem>>, vector<1x16xf32>,
      %get3A_205 = arith.index_cast %add3A_150 : i32 to index
      %get3A_206 = arith.constant 64 : index
      %get3A_207 = tpu.vector_load %arg12[%get3A_205, %get3A_206] {strides = array<i32>} : memref<64x128xf32, #tpu.memory_space<vmem>>, vector<1x16xf32>,
      %get3A_208 = vector.shape_cast %get3A_207 : vector<1x16xf32> to vector<16xf32>
      %get3A_209 = arith.index_cast %add3A_150 : i32 to index
      %get3A_210 = arith.constant 64 : index
      %get3A_211 = tpu.vector_load %arg10[%get3A_209, %get3A_210] {strides = array<i32>} : memref<64x128xf32, #tpu.memory_space<vmem>>, vector<1x16xf32>,
      %get3A_212 = vector.shape_cast %get3A_211 : vector<1x16xf32> to vector<16xf32>
      %mul3A_213 = arith.mulf %get3A_208, %get3A_212 : vector<16xf32>
      %swap3A_214 = arith.index_cast %add3A_150 : i32 to index
      %swap3A_215 = arith.constant 64 : index
      %swap3A_216 = tpu.vector_load %arg12[%swap3A_214, %swap3A_215] {strides = array<i32>} : memref<64x128xf32, #tpu.memory_space<vmem>>, vector<1x16xf32>,
      %swap3A_217 = vector.shape_cast %swap3A_216 : vector<1x16xf32> to vector<16xf32>
      %swap3A_218 = vector.shape_cast %mul3A_213 : vector<16xf32> to vector<1x16xf32>
      tpu.vector_store %arg12[%swap3A_214, %swap3A_215], %swap3A_218 {strides = array<i32>} : memref<64x128xf32, #tpu.memory_space<vmem>>, vector<1x16xf32>,
      %get3A_219 = arith.index_cast %add3A_150 : i32 to index
      %get3A_220 = arith.constant 80 : index
      %get3A_221 = tpu.vector_load %arg12[%get3A_219, %get3A_220] {strides = array<i32>} : memref<64x128xf32, #tpu.memory_space<vmem>>, vector<1x16xf32>,
      %get3A_222 = vector.shape_cast %get3A_221 : vector<1x16xf32> to vector<16xf32>
      %get3A_223 = arith.index_cast %add3A_150 : i32 to index
      %get3A_224 = arith.constant 80 : index
      %get3A_225 = tpu.vector_load %arg10[%get3A_223, %get3A_224] {strides = array<i32>} : memref<64x128xf32, #tpu.memory_space<vmem>>, vector<1x16xf32>,
      %get3A_226 = vector.shape_cast %get3A_225 : vector<1x16xf32> to vector<16xf32>
      %mul3A_227 = arith.mulf %get3A_222, %get3A_226 : vector<16xf32>
      %swap3A_228 = arith.index_cast %add3A_150 : i32 to index
      %swap3A_229 = arith.constant 80 : index
      %swap3A_230 = tpu.vector_load %arg12[%swap3A_228, %swap3A_229] {strides = array<i32>} : memref<64x128xf32, #tpu.memory_space<vmem>>, vector<1x16xf32>,
      %swap3A_231 = vector.shape_cast %swap3A_230 : vector<1x16xf32> to vector<16xf32>
      %swap3A_232 = vector.shape_cast %mul3A_227 : vector<16xf32> to vector<1x16xf32>
      tpu.vector_store %arg12[%swap3A_228, %swap3A_229], %swap3A_232 {strides = array<i32>} : memref<64x128xf32, #tpu.memory_space<vmem>>, vector<1x16xf32>,
      %get3A_233 = arith.index_cast %add3A_150 : i32 to index
      %get3A_234 = arith.constant 96 : index
      %get3A_235 = tpu.vector_load %arg12[%get3A_233, %get3A_234] {strides = array<i32>} : memref<64x128xf32, #tpu.memory_space<vmem>>, vector<1x16xf32>,
      %get3A_236 = vector.shape_cast %get3A_235 : vector<1x16xf32> to vector<16xf32>
      %get3A_237 = arith.index_cast %add3A_150 : i32 to index
      %get3A_238 = arith.constant 96 : index
      %get3A_239 = tpu.vector_load %arg10[%get3A_237, %get3A_238] {strides = array<i32>} : memref<64x128xf32, #tpu.memory_space<vmem>>, vector<1x16xf32>,
      %get3A_240 = vector.shape_cast %get3A_239 : vector<1x16xf32> to vector<16xf32>
      %mul3A_241 = arith.mulf %get3A_236, %get3A_240 : vector<16xf32>
      %swap3A_242 = arith.index_cast %add3A_150 : i32 to index
      %swap3A_243 = arith.constant 96 : index
      %swap3A_244 = tpu.vector_load %arg12[%swap3A_242, %swap3A_243] {strides = array<i32>} : memref<64x128xf32, #tpu.memory_space<vmem>>, vector<1x16xf32>,
      %swap3A_245 = vector.shape_cast %swap3A_244 : vector<1x16xf32> to vector<16xf32>
      %swap3A_246 = vector.shape_cast %mul3A_241 : vector<16xf32> to vector<1x16xf32>
      tpu.vector_store %arg12[%swap3A_242, %swap3A_243], %swap3A_246 {strides = array<i32>} : memref<64x128xf32, #tpu.memory_space<vmem>>, vector<1x16xf32>,
      %get3A_247 = arith.index_cast %add3A_150 : i32 to index
      %get3A_248 = arith.constant 112 : index
      %get3A_249 = tpu.vector_load %arg12[%get3A_247, %get3A_248] {strides = array<i32>} : memref<64x128xf32, #tpu.memory_space<vmem>>, vector<1x16xf32>,
      %get3A_250 = vector.shape_cast %get3A_249 : vector<1x16xf32> to vector<16xf32>
      %get3A_251 = arith.index_cast %add3A_150 : i32 to index
      %get3A_252 = arith.constant 112 : index
      %get3A_253 = tpu.vector_load %arg10[%get3A_251, %get3A_252] {strides = array<i32>} : memref<64x128xf32, #tpu.memory_space<vmem>>, vector<1x16xf32>,
      %get3A_254 = vector.shape_cast %get3A_253 : vector<1x16xf32> to vector<16xf32>
      %mul3A_255 = arith.mulf %get3A_250, %get3A_254 : vector<16xf32>
      %swap3A_256 = arith.index_cast %add3A_150 : i32 to index
      %swap3A_257 = arith.constant 112 : index
      %swap3A_258 = tpu.vector_load %arg12[%swap3A_256, %swap3A_257] {strides = array<i32>} : memref<64x128xf32, #tpu.memory_space<vmem>>, vector<1x16xf32>,
      %swap3A_259 = vector.shape_cast %swap3A_258 : vector<1x16xf32> to vector<16xf32>
      %swap3A_260 = vector.shape_cast %mul3A_255 : vector<16xf32> to vector<1x16xf32>
      tpu.vector_store %arg12[%swap3A_256, %swap3A_257], %swap3A_260 {strides = array<i32>} : memref<64x128xf32, #tpu.memory_space<vmem>>, vector<1x16xf32>,
    }
    %scan3A_126 = arith.constant 64 : i32
    %run_scoped3A_127 = arith.constant 38 : i32
    "tpu.region"() ({
      %run_scoped3A_146 = tpu.sem_alloc : memref<!tpu.dma_semaphore, #tpu.memory_space<semaphore_mem>>
      %dma_start3A_147 = arith.constant 0 : i32
      %dma_start3A_148 = tpu.memref_slice %arg9[%run_scoped3A_127, %dma_start3A_147] : memref<40x64xi32, #tpu.memory_space<vmem>> -> memref<1x64xi32, #tpu.memory_space<vmem>>
      %dma_start3A_149 = tpu.memref_squeeze %dma_start3A_148 : memref<1x64xi32, #tpu.memory_space<vmem>> -> memref<64xi32, #tpu.memory_space<vmem>>
      %dma_start3A_150 = arith.constant 0 : i32
      %dma_start3A_151 = arith.constant 0 : i32
      %dma_start3A_152 = tpu.memref_slice %arg18[%dma_start3A_150, %dma_start3A_151] : memref<10112x128xf32, #tpu.memory_space<vmem_shared>> -> memref<10112x128xf32, #tpu.memory_space<vmem_shared>>
      tpu.enqueue_indirect_dma source(%arg12 : memref<64x128xf32, #tpu.memory_space<vmem>>) target(%dma_start3A_152 : memref<10112x128xf32, #tpu.memory_space<vmem_shared>>) offsets(%dma_start3A_149 : memref<64xi32, #tpu.memory_space<vmem>>) semaphore(%run_scoped3A_146 : memref<!tpu.dma_semaphore, #tpu.memory_space<semaphore_mem>>) {add = true}
      %dma_wait3A_153 = arith.constant 0 : i32
      %dma_wait3A_154 = tpu.memref_slice %arg9[%run_scoped3A_127, %dma_wait3A_153] : memref<40x64xi32, #tpu.memory_space<vmem>> -> memref<1x64xi32, #tpu.memory_space<vmem>>
      %dma_wait3A_155 = tpu.memref_squeeze %dma_wait3A_154 : memref<1x64xi32, #tpu.memory_space<vmem>> -> memref<64xi32, #tpu.memory_space<vmem>>
      %dma_wait3A_156 = arith.constant 0 : i32
      %dma_wait3A_157 = arith.constant 0 : i32
      %dma_wait3A_158 = tpu.memref_slice %arg18[%dma_wait3A_156, %dma_wait3A_157] : memref<10112x128xf32, #tpu.memory_space<vmem_shared>> -> memref<10112x128xf32, #tpu.memory_space<vmem_shared>>
      tpu.wait_indirect_dma semaphore(%run_scoped3A_146 : memref<!tpu.dma_semaphore, #tpu.memory_space<semaphore_mem>>) src(%arg12 : memref<64x128xf32, #tpu.memory_space<vmem>>) dst(%dma_wait3A_158 : memref<10112x128xf32, #tpu.memory_space<vmem_shared>>)
      tpu.yield
    }) : () -> ()
    %dma_wait3A_128 = arith.constant 0 : i32
    %dma_wait3A_129 = tpu.memref_slice %arg3[%mul3A_77, %dma_wait3A_128] : memref<163840x128xf32, #tpu.memory_space<hbm>> -> memref<64x128xf32, #tpu.memory_space<hbm>>
    %dma_wait3A_130 = arith.constant 0 : i32
    %dma_wait3A_131 = tpu.memref_slice %arg3[%mul3A_77, %dma_wait3A_130] : memref<163840x128xf32, #tpu.memory_space<hbm>> -> memref<64x128xf32, #tpu.memory_space<hbm>>
    tpu.wait_dma2 semaphore(%arg15 : memref<!tpu.dma_semaphore, #tpu.memory_space<semaphore_mem>>) src(%dma_wait3A_131 : memref<64x128xf32, #tpu.memory_space<hbm>>) dst(%arg11 : memref<64x128xf32, #tpu.memory_space<vmem>>)
    %dma_wait3A_132 = arith.constant 39 : i32
    %dma_wait3A_133 = arith.constant 0 : i32
    %dma_wait3A_134 = tpu.memref_slice %arg8[%dma_wait3A_132, %dma_wait3A_133] : memref<40x64xi32, #tpu.memory_space<vmem>> -> memref<1x64xi32, #tpu.memory_space<vmem>>
    %dma_wait3A_135 = tpu.memref_squeeze %dma_wait3A_134 : memref<1x64xi32, #tpu.memory_space<vmem>> -> memref<64xi32, #tpu.memory_space<vmem>>
    %dma_wait3A_136 = arith.constant 0 : i32
    %dma_wait3A_137 = arith.constant 0 : i32
    %dma_wait3A_138 = tpu.memref_slice %arg2[%dma_wait3A_136, %dma_wait3A_137] : memref<10000x128xf32, #tpu.memory_space<hbm>> -> memref<10000x128xf32, #tpu.memory_space<hbm>>
    tpu.wait_indirect_dma semaphore(%arg17 : memref<!tpu.dma_semaphore, #tpu.memory_space<semaphore_mem>>) src(%dma_wait3A_138 : memref<10000x128xf32, #tpu.memory_space<hbm>>) dst(%arg13 : memref<64x128xf32, #tpu.memory_space<vmem>>)
    %scan3A_139 = arith.constant 0 : i32
    %scan3A_140 = arith.constant 64 : i32
    %scan3A_141 = arith.addi %scan3A_139, %scan3A_140 : i32
    %scan3A_142 = arith.constant 1 : i32
    scf.for %scan3A_146 = %scan3A_139 to %scan3A_141 step %scan3A_142  : i32 {
      %mul3A_147 = arith.constant 1 : i32
      %mul3A_148 = arith.muli %scan3A_146, %mul3A_147 : i32
      %add3A_149 = arith.constant 0 : i32
      %add3A_150 = arith.addi %add3A_149, %mul3A_148 : i32
      %get3A = arith.index_cast %add3A_150 : i32 to index
      %get3A_151 = arith.constant 0 : index
      %get3A_152 = tpu.vector_load %arg13[%get3A, %get3A_151] {strides = array<i32>} : memref<64x128xf32, #tpu.memory_space<vmem>>, vector<1x16xf32>,
      %get3A_153 = vector.shape_cast %get3A_152 : vector<1x16xf32> to vector<16xf32>
      %get3A_154 = arith.index_cast %add3A_150 : i32 to index
      %get3A_155 = arith.constant 0 : index
      %get3A_156 = tpu.vector_load %arg11[%get3A_154, %get3A_155] {strides = array<i32>} : memref<64x128xf32, #tpu.memory_space<vmem>>, vector<1x16xf32>,
      %get3A_157 = vector.shape_cast %get3A_156 : vector<1x16xf32> to vector<16xf32>
      %mul3A_158 = arith.mulf %get3A_153, %get3A_157 : vector<16xf32>
      %swap3A = arith.index_cast %add3A_150 : i32 to index
      %swap3A_159 = arith.constant 0 : index
      %swap3A_160 = tpu.vector_load %arg13[%swap3A, %swap3A_159] {strides = array<i32>} : memref<64x128xf32, #tpu.memory_space<vmem>>, vector<1x16xf32>,
      %swap3A_161 = vector.shape_cast %swap3A_160 : vector<1x16xf32> to vector<16xf32>
      %swap3A_162 = vector.shape_cast %mul3A_158 : vector<16xf32> to vector<1x16xf32>
      tpu.vector_store %arg13[%swap3A, %swap3A_159], %swap3A_162 {strides = array<i32>} : memref<64x128xf32, #tpu.memory_space<vmem>>, vector<1x16xf32>,
      %get3A_163 = arith.index_cast %add3A_150 : i32 to index
      %get3A_164 = arith.constant 16 : index
      %get3A_165 = tpu.vector_load %arg13[%get3A_163, %get3A_164] {strides = array<i32>} : memref<64x128xf32, #tpu.memory_space<vmem>>, vector<1x16xf32>,
      %get3A_166 = vector.shape_cast %get3A_165 : vector<1x16xf32> to vector<16xf32>
      %get3A_167 = arith.index_cast %add3A_150 : i32 to index
      %get3A_168 = arith.constant 16 : index
      %get3A_169 = tpu.vector_load %arg11[%get3A_167, %get3A_168] {strides = array<i32>} : memref<64x128xf32, #tpu.memory_space<vmem>>, vector<1x16xf32>,
      %get3A_170 = vector.shape_cast %get3A_169 : vector<1x16xf32> to vector<16xf32>
      %mul3A_171 = arith.mulf %get3A_166, %get3A_170 : vector<16xf32>
      %swap3A_172 = arith.index_cast %add3A_150 : i32 to index
      %swap3A_173 = arith.constant 16 : index
      %swap3A_174 = tpu.vector_load %arg13[%swap3A_172, %swap3A_173] {strides = array<i32>} : memref<64x128xf32, #tpu.memory_space<vmem>>, vector<1x16xf32>,
      %swap3A_175 = vector.shape_cast %swap3A_174 : vector<1x16xf32> to vector<16xf32>
      %swap3A_176 = vector.shape_cast %mul3A_171 : vector<16xf32> to vector<1x16xf32>
      tpu.vector_store %arg13[%swap3A_172, %swap3A_173], %swap3A_176 {strides = array<i32>} : memref<64x128xf32, #tpu.memory_space<vmem>>, vector<1x16xf32>,
      %get3A_177 = arith.index_cast %add3A_150 : i32 to index
      %get3A_178 = arith.constant 32 : index
      %get3A_179 = tpu.vector_load %arg13[%get3A_177, %get3A_178] {strides = array<i32>} : memref<64x128xf32, #tpu.memory_space<vmem>>, vector<1x16xf32>,
      %get3A_180 = vector.shape_cast %get3A_179 : vector<1x16xf32> to vector<16xf32>
      %get3A_181 = arith.index_cast %add3A_150 : i32 to index
      %get3A_182 = arith.constant 32 : index
      %get3A_183 = tpu.vector_load %arg11[%get3A_181, %get3A_182] {strides = array<i32>} : memref<64x128xf32, #tpu.memory_space<vmem>>, vector<1x16xf32>,
      %get3A_184 = vector.shape_cast %get3A_183 : vector<1x16xf32> to vector<16xf32>
      %mul3A_185 = arith.mulf %get3A_180, %get3A_184 : vector<16xf32>
      %swap3A_186 = arith.index_cast %add3A_150 : i32 to index
      %swap3A_187 = arith.constant 32 : index
      %swap3A_188 = tpu.vector_load %arg13[%swap3A_186, %swap3A_187] {strides = array<i32>} : memref<64x128xf32, #tpu.memory_space<vmem>>, vector<1x16xf32>,
      %swap3A_189 = vector.shape_cast %swap3A_188 : vector<1x16xf32> to vector<16xf32>
      %swap3A_190 = vector.shape_cast %mul3A_185 : vector<16xf32> to vector<1x16xf32>
      tpu.vector_store %arg13[%swap3A_186, %swap3A_187], %swap3A_190 {strides = array<i32>} : memref<64x128xf32, #tpu.memory_space<vmem>>, vector<1x16xf32>,
      %get3A_191 = arith.index_cast %add3A_150 : i32 to index
      %get3A_192 = arith.constant 48 : index
      %get3A_193 = tpu.vector_load %arg13[%get3A_191, %get3A_192] {strides = array<i32>} : memref<64x128xf32, #tpu.memory_space<vmem>>, vector<1x16xf32>,
      %get3A_194 = vector.shape_cast %get3A_193 : vector<1x16xf32> to vector<16xf32>
      %get3A_195 = arith.index_cast %add3A_150 : i32 to index
      %get3A_196 = arith.constant 48 : index
      %get3A_197 = tpu.vector_load %arg11[%get3A_195, %get3A_196] {strides = array<i32>} : memref<64x128xf32, #tpu.memory_space<vmem>>, vector<1x16xf32>,
      %get3A_198 = vector.shape_cast %get3A_197 : vector<1x16xf32> to vector<16xf32>
      %mul3A_199 = arith.mulf %get3A_194, %get3A_198 : vector<16xf32>
      %swap3A_200 = arith.index_cast %add3A_150 : i32 to index
      %swap3A_201 = arith.constant 48 : index
      %swap3A_202 = tpu.vector_load %arg13[%swap3A_200, %swap3A_201] {strides = array<i32>} : memref<64x128xf32, #tpu.memory_space<vmem>>, vector<1x16xf32>,
      %swap3A_203 = vector.shape_cast %swap3A_202 : vector<1x16xf32> to vector<16xf32>
      %swap3A_204 = vector.shape_cast %mul3A_199 : vector<16xf32> to vector<1x16xf32>
      tpu.vector_store %arg13[%swap3A_200, %swap3A_201], %swap3A_204 {strides = array<i32>} : memref<64x128xf32, #tpu.memory_space<vmem>>, vector<1x16xf32>,
      %get3A_205 = arith.index_cast %add3A_150 : i32 to index
      %get3A_206 = arith.constant 64 : index
      %get3A_207 = tpu.vector_load %arg13[%get3A_205, %get3A_206] {strides = array<i32>} : memref<64x128xf32, #tpu.memory_space<vmem>>, vector<1x16xf32>,
      %get3A_208 = vector.shape_cast %get3A_207 : vector<1x16xf32> to vector<16xf32>
      %get3A_209 = arith.index_cast %add3A_150 : i32 to index
      %get3A_210 = arith.constant 64 : index
      %get3A_211 = tpu.vector_load %arg11[%get3A_209, %get3A_210] {strides = array<i32>} : memref<64x128xf32, #tpu.memory_space<vmem>>, vector<1x16xf32>,
      %get3A_212 = vector.shape_cast %get3A_211 : vector<1x16xf32> to vector<16xf32>
      %mul3A_213 = arith.mulf %get3A_208, %get3A_212 : vector<16xf32>
      %swap3A_214 = arith.index_cast %add3A_150 : i32 to index
      %swap3A_215 = arith.constant 64 : index
      %swap3A_216 = tpu.vector_load %arg13[%swap3A_214, %swap3A_215] {strides = array<i32>} : memref<64x128xf32, #tpu.memory_space<vmem>>, vector<1x16xf32>,
      %swap3A_217 = vector.shape_cast %swap3A_216 : vector<1x16xf32> to vector<16xf32>
      %swap3A_218 = vector.shape_cast %mul3A_213 : vector<16xf32> to vector<1x16xf32>
      tpu.vector_store %arg13[%swap3A_214, %swap3A_215], %swap3A_218 {strides = array<i32>} : memref<64x128xf32, #tpu.memory_space<vmem>>, vector<1x16xf32>,
      %get3A_219 = arith.index_cast %add3A_150 : i32 to index
      %get3A_220 = arith.constant 80 : index
      %get3A_221 = tpu.vector_load %arg13[%get3A_219, %get3A_220] {strides = array<i32>} : memref<64x128xf32, #tpu.memory_space<vmem>>, vector<1x16xf32>,
      %get3A_222 = vector.shape_cast %get3A_221 : vector<1x16xf32> to vector<16xf32>
      %get3A_223 = arith.index_cast %add3A_150 : i32 to index
      %get3A_224 = arith.constant 80 : index
      %get3A_225 = tpu.vector_load %arg11[%get3A_223, %get3A_224] {strides = array<i32>} : memref<64x128xf32, #tpu.memory_space<vmem>>, vector<1x16xf32>,
      %get3A_226 = vector.shape_cast %get3A_225 : vector<1x16xf32> to vector<16xf32>
      %mul3A_227 = arith.mulf %get3A_222, %get3A_226 : vector<16xf32>
      %swap3A_228 = arith.index_cast %add3A_150 : i32 to index
      %swap3A_229 = arith.constant 80 : index
      %swap3A_230 = tpu.vector_load %arg13[%swap3A_228, %swap3A_229] {strides = array<i32>} : memref<64x128xf32, #tpu.memory_space<vmem>>, vector<1x16xf32>,
      %swap3A_231 = vector.shape_cast %swap3A_230 : vector<1x16xf32> to vector<16xf32>
      %swap3A_232 = vector.shape_cast %mul3A_227 : vector<16xf32> to vector<1x16xf32>
      tpu.vector_store %arg13[%swap3A_228, %swap3A_229], %swap3A_232 {strides = array<i32>} : memref<64x128xf32, #tpu.memory_space<vmem>>, vector<1x16xf32>,
      %get3A_233 = arith.index_cast %add3A_150 : i32 to index
      %get3A_234 = arith.constant 96 : index
      %get3A_235 = tpu.vector_load %arg13[%get3A_233, %get3A_234] {strides = array<i32>} : memref<64x128xf32, #tpu.memory_space<vmem>>, vector<1x16xf32>,
      %get3A_236 = vector.shape_cast %get3A_235 : vector<1x16xf32> to vector<16xf32>
      %get3A_237 = arith.index_cast %add3A_150 : i32 to index
      %get3A_238 = arith.constant 96 : index
      %get3A_239 = tpu.vector_load %arg11[%get3A_237, %get3A_238] {strides = array<i32>} : memref<64x128xf32, #tpu.memory_space<vmem>>, vector<1x16xf32>,
      %get3A_240 = vector.shape_cast %get3A_239 : vector<1x16xf32> to vector<16xf32>
      %mul3A_241 = arith.mulf %get3A_236, %get3A_240 : vector<16xf32>
      %swap3A_242 = arith.index_cast %add3A_150 : i32 to index
      %swap3A_243 = arith.constant 96 : index
      %swap3A_244 = tpu.vector_load %arg13[%swap3A_242, %swap3A_243] {strides = array<i32>} : memref<64x128xf32, #tpu.memory_space<vmem>>, vector<1x16xf32>,
      %swap3A_245 = vector.shape_cast %swap3A_244 : vector<1x16xf32> to vector<16xf32>
      %swap3A_246 = vector.shape_cast %mul3A_241 : vector<16xf32> to vector<1x16xf32>
      tpu.vector_store %arg13[%swap3A_242, %swap3A_243], %swap3A_246 {strides = array<i32>} : memref<64x128xf32, #tpu.memory_space<vmem>>, vector<1x16xf32>,
      %get3A_247 = arith.index_cast %add3A_150 : i32 to index
      %get3A_248 = arith.constant 112 : index
      %get3A_249 = tpu.vector_load %arg13[%get3A_247, %get3A_248] {strides = array<i32>} : memref<64x128xf32, #tpu.memory_space<vmem>>, vector<1x16xf32>,
      %get3A_250 = vector.shape_cast %get3A_249 : vector<1x16xf32> to vector<16xf32>
      %get3A_251 = arith.index_cast %add3A_150 : i32 to index
      %get3A_252 = arith.constant 112 : index
      %get3A_253 = tpu.vector_load %arg11[%get3A_251, %get3A_252] {strides = array<i32>} : memref<64x128xf32, #tpu.memory_space<vmem>>, vector<1x16xf32>,
      %get3A_254 = vector.shape_cast %get3A_253 : vector<1x16xf32> to vector<16xf32>
      %mul3A_255 = arith.mulf %get3A_250, %get3A_254 : vector<16xf32>
      %swap3A_256 = arith.index_cast %add3A_150 : i32 to index
      %swap3A_257 = arith.constant 112 : index
      %swap3A_258 = tpu.vector_load %arg13[%swap3A_256, %swap3A_257] {strides = array<i32>} : memref<64x128xf32, #tpu.memory_space<vmem>>, vector<1x16xf32>,
      %swap3A_259 = vector.shape_cast %swap3A_258 : vector<1x16xf32> to vector<16xf32>
      %swap3A_260 = vector.shape_cast %mul3A_255 : vector<16xf32> to vector<1x16xf32>
      tpu.vector_store %arg13[%swap3A_256, %swap3A_257], %swap3A_260 {strides = array<i32>} : memref<64x128xf32, #tpu.memory_space<vmem>>, vector<1x16xf32>,
    }
    %scan3A_143 = arith.constant 64 : i32
    %run_scoped3A_144 = arith.constant 39 : i32
    "tpu.region"() ({
      %run_scoped3A_146 = tpu.sem_alloc : memref<!tpu.dma_semaphore, #tpu.memory_space<semaphore_mem>>
      %dma_start3A_147 = arith.constant 0 : i32
      %dma_start3A_148 = tpu.memref_slice %arg9[%run_scoped3A_144, %dma_start3A_147] : memref<40x64xi32, #tpu.memory_space<vmem>> -> memref<1x64xi32, #tpu.memory_space<vmem>>
      %dma_start3A_149 = tpu.memref_squeeze %dma_start3A_148 : memref<1x64xi32, #tpu.memory_space<vmem>> -> memref<64xi32, #tpu.memory_space<vmem>>
      %dma_start3A_150 = arith.constant 0 : i32
      %dma_start3A_151 = arith.constant 0 : i32
      %dma_start3A_152 = tpu.memref_slice %arg18[%dma_start3A_150, %dma_start3A_151] : memref<10112x128xf32, #tpu.memory_space<vmem_shared>> -> memref<10112x128xf32, #tpu.memory_space<vmem_shared>>
      tpu.enqueue_indirect_dma source(%arg13 : memref<64x128xf32, #tpu.memory_space<vmem>>) target(%dma_start3A_152 : memref<10112x128xf32, #tpu.memory_space<vmem_shared>>) offsets(%dma_start3A_149 : memref<64xi32, #tpu.memory_space<vmem>>) semaphore(%run_scoped3A_146 : memref<!tpu.dma_semaphore, #tpu.memory_space<semaphore_mem>>) {add = true}
      %dma_wait3A_153 = arith.constant 0 : i32
      %dma_wait3A_154 = tpu.memref_slice %arg9[%run_scoped3A_144, %dma_wait3A_153] : memref<40x64xi32, #tpu.memory_space<vmem>> -> memref<1x64xi32, #tpu.memory_space<vmem>>
      %dma_wait3A_155 = tpu.memref_squeeze %dma_wait3A_154 : memref<1x64xi32, #tpu.memory_space<vmem>> -> memref<64xi32, #tpu.memory_space<vmem>>
      %dma_wait3A_156 = arith.constant 0 : i32
      %dma_wait3A_157 = arith.constant 0 : i32
      %dma_wait3A_158 = tpu.memref_slice %arg18[%dma_wait3A_156, %dma_wait3A_157] : memref<10112x128xf32, #tpu.memory_space<vmem_shared>> -> memref<10112x128xf32, #tpu.memory_space<vmem_shared>>
      tpu.wait_indirect_dma semaphore(%run_scoped3A_146 : memref<!tpu.dma_semaphore, #tpu.memory_space<semaphore_mem>>) src(%arg13 : memref<64x128xf32, #tpu.memory_space<vmem>>) dst(%dma_wait3A_158 : memref<10112x128xf32, #tpu.memory_space<vmem_shared>>)
      tpu.yield
    }) : () -> ()
    %barrier3A_145 = arith.constant 0 : index
    tpu.barrier barrier_id(%barrier3A_145)
    "tpu.region"() ({
      %run_scoped3A_146 = tpu.sem_alloc : memref<!tpu.dma_semaphore, #tpu.memory_space<semaphore_mem>>
      %dma_start3A_147 = arith.constant 0 : i32
      %dma_start3A_148 = arith.constant 0 : i32
      %dma_start3A_149 = tpu.memref_slice %arg7[%arg0, %dma_start3A_147, %dma_start3A_148] : memref<2x10112x128xf32, #tpu.memory_space<hbm>> -> memref<1x10112x128xf32, #tpu.memory_space<hbm>>
      %dma_start3A_150 = tpu.memref_squeeze %dma_start3A_149 : memref<1x10112x128xf32, #tpu.memory_space<hbm>> -> memref<10112x128xf32, #tpu.memory_space<hbm>>
      %dma_start3A_151 = arith.constant 0 : i32
      %dma_start3A_152 = tpu.memref_slice %dma_start3A_150[%mul3A_2, %dma_start3A_151] : memref<10112x128xf32, #tpu.memory_space<hbm>> -> memref<632x128xf32, #tpu.memory_space<hbm>>
      %dma_start3A_153 = arith.constant 0 : i32
      %dma_start3A_154 = tpu.memref_slice %arg18[%mul3A_2, %dma_start3A_153] : memref<10112x128xf32, #tpu.memory_space<vmem_shared>> -> memref<632x128xf32, #tpu.memory_space<vmem_shared>>
      tpu.enqueue_dma source(%dma_start3A_154 : memref<632x128xf32, #tpu.memory_space<vmem_shared>>) target(%dma_start3A_152 : memref<632x128xf32, #tpu.memory_space<hbm>>) target_semaphore(%run_scoped3A_146 : memref<!tpu.dma_semaphore, #tpu.memory_space<semaphore_mem>>)
      %dma_wait3A_155 = arith.constant 0 : i32
      %dma_wait3A_156 = arith.constant 0 : i32
      %dma_wait3A_157 = tpu.memref_slice %arg7[%arg0, %dma_wait3A_155, %dma_wait3A_156] : memref<2x10112x128xf32, #tpu.memory_space<hbm>> -> memref<1x10112x128xf32, #tpu.memory_space<hbm>>
      %dma_wait3A_158 = tpu.memref_squeeze %dma_wait3A_157 : memref<1x10112x128xf32, #tpu.memory_space<hbm>> -> memref<10112x128xf32, #tpu.memory_space<hbm>>
      %dma_wait3A_159 = arith.constant 0 : i32
      %dma_wait3A_160 = tpu.memref_slice %dma_wait3A_158[%mul3A_2, %dma_wait3A_159] : memref<10112x128xf32, #tpu.memory_space<hbm>> -> memref<632x128xf32, #tpu.memory_space<hbm>>
      %dma_wait3A_161 = arith.constant 0 : i32
      %dma_wait3A_162 = tpu.memref_slice %arg18[%mul3A_2, %dma_wait3A_161] : memref<10112x128xf32, #tpu.memory_space<vmem_shared>> -> memref<632x128xf32, #tpu.memory_space<vmem_shared>>
      tpu.wait_dma2 semaphore(%run_scoped3A_146 : memref<!tpu.dma_semaphore, #tpu.memory_space<semaphore_mem>>) src(%dma_wait3A_162 : memref<632x128xf32, #tpu.memory_space<vmem_shared>>) dst(%dma_wait3A_160 : memref<632x128xf32, #tpu.memory_space<hbm>>)
      tpu.yield
    }) : () -> ()
    return
  }
}

#map = affine_map<(d0, d1) -> (0, 0, 0, 0)>
#map1 = affine_map<(d0, d1) -> (0, 0)>
#map2 = affine_map<(d0, d1) -> (0, 0, 0)>
module attributes {stable_mosaic.version = 14 : i64} {
  func.func @cnt_kernel(%arg0: i32, %arg1: i32, %arg2: memref<32x2x40x64xi32, #tpu.memory_space<hbm>>, %arg3: memref<10112x128xf32, #tpu.memory_space<hbm>>, %arg4: memref<2x10112x128xf32, #tpu.memory_space<hbm>>, %arg5: memref<40x64xi32, #tpu.memory_space<vmem>>, %arg6: memref<64x128xf32, #tpu.memory_space<vmem>>, %arg7: memref<10112x128xf32, #tpu.memory_space<vmem_shared>>) attributes {dimension_semantics = [#tpu.dimension_semantics<core_parallel>, #tpu.dimension_semantics<subcore_parallel>], iteration_bounds = array<i64: 2, 16>, scalar_prefetch = 0 : i64, scratch_operands = 3 : i64, tpu.core_type = #tpu.core_type<sc_vector_subcore>, window_params = [{transform_indices = #map}, {transform_indices = #map1}, {transform_indices = #map2}]} {
    %mul3A = arith.constant 2 : i32
    %mul3A_0 = arith.muli %arg1, %mul3A : i32
    %add3A = arith.addi %mul3A_0, %arg0 : i32
    %mul3A_1 = arith.constant 632 : i32
    %mul3A_2 = arith.muli %arg1, %mul3A_1 : i32
    %broadcast_in_dim3A = arith.constant 1.000000e+00 : f32
    %broadcast_in_dim3A_3 = vector.broadcast %broadcast_in_dim3A : f32 to vector<16xf32>
    %scan3A = arith.constant 0 : i32
    %scan3A_4 = arith.constant 64 : i32
    %scan3A_5 = arith.addi %scan3A, %scan3A_4 : i32
    %scan3A_6 = arith.constant 1 : i32
    scf.for %scan3A_20 = %scan3A to %scan3A_5 step %scan3A_6  : i32 {
      %mul3A_21 = arith.constant 1 : i32
      %mul3A_22 = arith.muli %scan3A_20, %mul3A_21 : i32
      %add3A_23 = arith.constant 0 : i32
      %add3A_24 = arith.addi %add3A_23, %mul3A_22 : i32
      %swap3A = arith.index_cast %add3A_24 : i32 to index
      %swap3A_25 = arith.constant 0 : index
      %swap3A_26 = tpu.vector_load %arg6[%swap3A, %swap3A_25] {strides = array<i32>} : memref<64x128xf32, #tpu.memory_space<vmem>>, vector<1x16xf32>,
      %swap3A_27 = vector.shape_cast %swap3A_26 : vector<1x16xf32> to vector<16xf32>
      %swap3A_28 = vector.shape_cast %broadcast_in_dim3A_3 : vector<16xf32> to vector<1x16xf32>
      tpu.vector_store %arg6[%swap3A, %swap3A_25], %swap3A_28 {strides = array<i32>} : memref<64x128xf32, #tpu.memory_space<vmem>>, vector<1x16xf32>,
      %swap3A_29 = arith.index_cast %add3A_24 : i32 to index
      %swap3A_30 = arith.constant 16 : index
      %swap3A_31 = tpu.vector_load %arg6[%swap3A_29, %swap3A_30] {strides = array<i32>} : memref<64x128xf32, #tpu.memory_space<vmem>>, vector<1x16xf32>,
      %swap3A_32 = vector.shape_cast %swap3A_31 : vector<1x16xf32> to vector<16xf32>
      %swap3A_33 = vector.shape_cast %broadcast_in_dim3A_3 : vector<16xf32> to vector<1x16xf32>
      tpu.vector_store %arg6[%swap3A_29, %swap3A_30], %swap3A_33 {strides = array<i32>} : memref<64x128xf32, #tpu.memory_space<vmem>>, vector<1x16xf32>,
      %swap3A_34 = arith.index_cast %add3A_24 : i32 to index
      %swap3A_35 = arith.constant 32 : index
      %swap3A_36 = tpu.vector_load %arg6[%swap3A_34, %swap3A_35] {strides = array<i32>} : memref<64x128xf32, #tpu.memory_space<vmem>>, vector<1x16xf32>,
      %swap3A_37 = vector.shape_cast %swap3A_36 : vector<1x16xf32> to vector<16xf32>
      %swap3A_38 = vector.shape_cast %broadcast_in_dim3A_3 : vector<16xf32> to vector<1x16xf32>
      tpu.vector_store %arg6[%swap3A_34, %swap3A_35], %swap3A_38 {strides = array<i32>} : memref<64x128xf32, #tpu.memory_space<vmem>>, vector<1x16xf32>,
      %swap3A_39 = arith.index_cast %add3A_24 : i32 to index
      %swap3A_40 = arith.constant 48 : index
      %swap3A_41 = tpu.vector_load %arg6[%swap3A_39, %swap3A_40] {strides = array<i32>} : memref<64x128xf32, #tpu.memory_space<vmem>>, vector<1x16xf32>,
      %swap3A_42 = vector.shape_cast %swap3A_41 : vector<1x16xf32> to vector<16xf32>
      %swap3A_43 = vector.shape_cast %broadcast_in_dim3A_3 : vector<16xf32> to vector<1x16xf32>
      tpu.vector_store %arg6[%swap3A_39, %swap3A_40], %swap3A_43 {strides = array<i32>} : memref<64x128xf32, #tpu.memory_space<vmem>>, vector<1x16xf32>,
      %swap3A_44 = arith.index_cast %add3A_24 : i32 to index
      %swap3A_45 = arith.constant 64 : index
      %swap3A_46 = tpu.vector_load %arg6[%swap3A_44, %swap3A_45] {strides = array<i32>} : memref<64x128xf32, #tpu.memory_space<vmem>>, vector<1x16xf32>,
      %swap3A_47 = vector.shape_cast %swap3A_46 : vector<1x16xf32> to vector<16xf32>
      %swap3A_48 = vector.shape_cast %broadcast_in_dim3A_3 : vector<16xf32> to vector<1x16xf32>
      tpu.vector_store %arg6[%swap3A_44, %swap3A_45], %swap3A_48 {strides = array<i32>} : memref<64x128xf32, #tpu.memory_space<vmem>>, vector<1x16xf32>,
      %swap3A_49 = arith.index_cast %add3A_24 : i32 to index
      %swap3A_50 = arith.constant 80 : index
      %swap3A_51 = tpu.vector_load %arg6[%swap3A_49, %swap3A_50] {strides = array<i32>} : memref<64x128xf32, #tpu.memory_space<vmem>>, vector<1x16xf32>,
      %swap3A_52 = vector.shape_cast %swap3A_51 : vector<1x16xf32> to vector<16xf32>
      %swap3A_53 = vector.shape_cast %broadcast_in_dim3A_3 : vector<16xf32> to vector<1x16xf32>
      tpu.vector_store %arg6[%swap3A_49, %swap3A_50], %swap3A_53 {strides = array<i32>} : memref<64x128xf32, #tpu.memory_space<vmem>>, vector<1x16xf32>,
      %swap3A_54 = arith.index_cast %add3A_24 : i32 to index
      %swap3A_55 = arith.constant 96 : index
      %swap3A_56 = tpu.vector_load %arg6[%swap3A_54, %swap3A_55] {strides = array<i32>} : memref<64x128xf32, #tpu.memory_space<vmem>>, vector<1x16xf32>,
      %swap3A_57 = vector.shape_cast %swap3A_56 : vector<1x16xf32> to vector<16xf32>
      %swap3A_58 = vector.shape_cast %broadcast_in_dim3A_3 : vector<16xf32> to vector<1x16xf32>
      tpu.vector_store %arg6[%swap3A_54, %swap3A_55], %swap3A_58 {strides = array<i32>} : memref<64x128xf32, #tpu.memory_space<vmem>>, vector<1x16xf32>,
      %swap3A_59 = arith.index_cast %add3A_24 : i32 to index
      %swap3A_60 = arith.constant 112 : index
      %swap3A_61 = tpu.vector_load %arg6[%swap3A_59, %swap3A_60] {strides = array<i32>} : memref<64x128xf32, #tpu.memory_space<vmem>>, vector<1x16xf32>,
      %swap3A_62 = vector.shape_cast %swap3A_61 : vector<1x16xf32> to vector<16xf32>
      %swap3A_63 = vector.shape_cast %broadcast_in_dim3A_3 : vector<16xf32> to vector<1x16xf32>
      tpu.vector_store %arg6[%swap3A_59, %swap3A_60], %swap3A_63 {strides = array<i32>} : memref<64x128xf32, #tpu.memory_space<vmem>>, vector<1x16xf32>,
    }
    %scan3A_7 = arith.constant 64 : i32
    "tpu.region"() ({
      %run_scoped3A_20 = tpu.sem_alloc : memref<!tpu.dma_semaphore, #tpu.memory_space<semaphore_mem>>
      %dma_start3A = arith.constant 0 : i32
      %dma_start3A_21 = tpu.memref_slice %arg7[%mul3A_2, %dma_start3A] : memref<10112x128xf32, #tpu.memory_space<vmem_shared>> -> memref<632x128xf32, #tpu.memory_space<vmem_shared>>
      %dma_start3A_22 = arith.constant 0 : i32
      %dma_start3A_23 = tpu.memref_slice %arg3[%mul3A_2, %dma_start3A_22] : memref<10112x128xf32, #tpu.memory_space<hbm>> -> memref<632x128xf32, #tpu.memory_space<hbm>>
      tpu.enqueue_dma source(%dma_start3A_23 : memref<632x128xf32, #tpu.memory_space<hbm>>) target(%dma_start3A_21 : memref<632x128xf32, #tpu.memory_space<vmem_shared>>) target_semaphore(%run_scoped3A_20 : memref<!tpu.dma_semaphore, #tpu.memory_space<semaphore_mem>>)
      %dma_wait3A = arith.constant 0 : i32
      %dma_wait3A_24 = tpu.memref_slice %arg7[%mul3A_2, %dma_wait3A] : memref<10112x128xf32, #tpu.memory_space<vmem_shared>> -> memref<632x128xf32, #tpu.memory_space<vmem_shared>>
      %dma_wait3A_25 = arith.constant 0 : i32
      %dma_wait3A_26 = tpu.memref_slice %arg3[%mul3A_2, %dma_wait3A_25] : memref<10112x128xf32, #tpu.memory_space<hbm>> -> memref<632x128xf32, #tpu.memory_space<hbm>>
      tpu.wait_dma2 semaphore(%run_scoped3A_20 : memref<!tpu.dma_semaphore, #tpu.memory_space<semaphore_mem>>) src(%dma_wait3A_26 : memref<632x128xf32, #tpu.memory_space<hbm>>) dst(%dma_wait3A_24 : memref<632x128xf32, #tpu.memory_space<vmem_shared>>)
      tpu.yield
    }) : () -> ()
    %barrier3A = arith.constant 0 : index
    tpu.barrier barrier_id(%barrier3A)
    %run_scoped3A = arith.constant 0 : i32
    "tpu.region"() ({
      %run_scoped3A_20 = tpu.sem_alloc : memref<!tpu.dma_semaphore, #tpu.memory_space<semaphore_mem>>
      %dma_start3A = arith.constant 0 : i32
      %dma_start3A_21 = arith.constant 0 : i32
      %dma_start3A_22 = arith.constant 0 : i32
      %dma_start3A_23 = tpu.memref_slice %arg2[%add3A, %dma_start3A, %dma_start3A_21, %dma_start3A_22] : memref<32x2x40x64xi32, #tpu.memory_space<hbm>> -> memref<1x2x40x64xi32, #tpu.memory_space<hbm>>
      %dma_start3A_24 = tpu.memref_squeeze %dma_start3A_23 : memref<1x2x40x64xi32, #tpu.memory_space<hbm>> -> memref<2x40x64xi32, #tpu.memory_space<hbm>>
      %dma_start3A_25 = arith.constant 0 : i32
      %dma_start3A_26 = arith.constant 0 : i32
      %dma_start3A_27 = tpu.memref_slice %dma_start3A_24[%run_scoped3A, %dma_start3A_25, %dma_start3A_26] : memref<2x40x64xi32, #tpu.memory_space<hbm>> -> memref<1x40x64xi32, #tpu.memory_space<hbm>>
      %dma_start3A_28 = tpu.memref_squeeze %dma_start3A_27 : memref<1x40x64xi32, #tpu.memory_space<hbm>> -> memref<40x64xi32, #tpu.memory_space<hbm>>
      %dma_start3A_29 = arith.constant 0 : i32
      %dma_start3A_30 = arith.constant 0 : i32
      %dma_start3A_31 = arith.constant 0 : i32
      %dma_start3A_32 = tpu.memref_slice %arg2[%add3A, %dma_start3A_29, %dma_start3A_30, %dma_start3A_31] : memref<32x2x40x64xi32, #tpu.memory_space<hbm>> -> memref<1x2x40x64xi32, #tpu.memory_space<hbm>>
      %dma_start3A_33 = tpu.memref_squeeze %dma_start3A_32 : memref<1x2x40x64xi32, #tpu.memory_space<hbm>> -> memref<2x40x64xi32, #tpu.memory_space<hbm>>
      %dma_start3A_34 = arith.constant 0 : i32
      %dma_start3A_35 = arith.constant 0 : i32
      %dma_start3A_36 = tpu.memref_slice %dma_start3A_33[%run_scoped3A, %dma_start3A_34, %dma_start3A_35] : memref<2x40x64xi32, #tpu.memory_space<hbm>> -> memref<1x40x64xi32, #tpu.memory_space<hbm>>
      %dma_start3A_37 = tpu.memref_squeeze %dma_start3A_36 : memref<1x40x64xi32, #tpu.memory_space<hbm>> -> memref<40x64xi32, #tpu.memory_space<hbm>>
      tpu.enqueue_dma source(%dma_start3A_37 : memref<40x64xi32, #tpu.memory_space<hbm>>) target(%arg5 : memref<40x64xi32, #tpu.memory_space<vmem>>) target_semaphore(%run_scoped3A_20 : memref<!tpu.dma_semaphore, #tpu.memory_space<semaphore_mem>>)
      %dma_wait3A = arith.constant 0 : i32
      %dma_wait3A_38 = arith.constant 0 : i32
      %dma_wait3A_39 = arith.constant 0 : i32
      %dma_wait3A_40 = tpu.memref_slice %arg2[%add3A, %dma_wait3A, %dma_wait3A_38, %dma_wait3A_39] : memref<32x2x40x64xi32, #tpu.memory_space<hbm>> -> memref<1x2x40x64xi32, #tpu.memory_space<hbm>>
      %dma_wait3A_41 = tpu.memref_squeeze %dma_wait3A_40 : memref<1x2x40x64xi32, #tpu.memory_space<hbm>> -> memref<2x40x64xi32, #tpu.memory_space<hbm>>
      %dma_wait3A_42 = arith.constant 0 : i32
      %dma_wait3A_43 = arith.constant 0 : i32
      %dma_wait3A_44 = tpu.memref_slice %dma_wait3A_41[%run_scoped3A, %dma_wait3A_42, %dma_wait3A_43] : memref<2x40x64xi32, #tpu.memory_space<hbm>> -> memref<1x40x64xi32, #tpu.memory_space<hbm>>
      %dma_wait3A_45 = tpu.memref_squeeze %dma_wait3A_44 : memref<1x40x64xi32, #tpu.memory_space<hbm>> -> memref<40x64xi32, #tpu.memory_space<hbm>>
      %dma_wait3A_46 = arith.constant 0 : i32
      %dma_wait3A_47 = arith.constant 0 : i32
      %dma_wait3A_48 = arith.constant 0 : i32
      %dma_wait3A_49 = tpu.memref_slice %arg2[%add3A, %dma_wait3A_46, %dma_wait3A_47, %dma_wait3A_48] : memref<32x2x40x64xi32, #tpu.memory_space<hbm>> -> memref<1x2x40x64xi32, #tpu.memory_space<hbm>>
      %dma_wait3A_50 = tpu.memref_squeeze %dma_wait3A_49 : memref<1x2x40x64xi32, #tpu.memory_space<hbm>> -> memref<2x40x64xi32, #tpu.memory_space<hbm>>
      %dma_wait3A_51 = arith.constant 0 : i32
      %dma_wait3A_52 = arith.constant 0 : i32
      %dma_wait3A_53 = tpu.memref_slice %dma_wait3A_50[%run_scoped3A, %dma_wait3A_51, %dma_wait3A_52] : memref<2x40x64xi32, #tpu.memory_space<hbm>> -> memref<1x40x64xi32, #tpu.memory_space<hbm>>
      %dma_wait3A_54 = tpu.memref_squeeze %dma_wait3A_53 : memref<1x40x64xi32, #tpu.memory_space<hbm>> -> memref<40x64xi32, #tpu.memory_space<hbm>>
      tpu.wait_dma2 semaphore(%run_scoped3A_20 : memref<!tpu.dma_semaphore, #tpu.memory_space<semaphore_mem>>) src(%dma_wait3A_54 : memref<40x64xi32, #tpu.memory_space<hbm>>) dst(%arg5 : memref<40x64xi32, #tpu.memory_space<vmem>>)
      tpu.yield
    }) : () -> ()
    %scan3A_8 = arith.constant 0 : i32
    %scan3A_9 = arith.constant 40 : i32
    %scan3A_10 = arith.addi %scan3A_8, %scan3A_9 : i32
    %scan3A_11 = arith.constant 1 : i32
    scf.for %scan3A_20 = %scan3A_8 to %scan3A_10 step %scan3A_11  : i32 {
      %mul3A_21 = arith.constant 1 : i32
      %mul3A_22 = arith.muli %scan3A_20, %mul3A_21 : i32
      %add3A_23 = arith.constant 0 : i32
      %add3A_24 = arith.addi %add3A_23, %mul3A_22 : i32
      "tpu.region"() ({
        %run_scoped3A_25 = tpu.sem_alloc : memref<!tpu.dma_semaphore, #tpu.memory_space<semaphore_mem>>
        %dma_start3A = arith.constant 0 : i32
        %dma_start3A_26 = tpu.memref_slice %arg5[%add3A_24, %dma_start3A] : memref<40x64xi32, #tpu.memory_space<vmem>> -> memref<1x64xi32, #tpu.memory_space<vmem>>
        %dma_start3A_27 = tpu.memref_squeeze %dma_start3A_26 : memref<1x64xi32, #tpu.memory_space<vmem>> -> memref<64xi32, #tpu.memory_space<vmem>>
        %dma_start3A_28 = arith.constant 0 : i32
        %dma_start3A_29 = arith.constant 0 : i32
        %dma_start3A_30 = tpu.memref_slice %arg7[%dma_start3A_28, %dma_start3A_29] : memref<10112x128xf32, #tpu.memory_space<vmem_shared>> -> memref<10112x128xf32, #tpu.memory_space<vmem_shared>>
        tpu.enqueue_indirect_dma source(%arg6 : memref<64x128xf32, #tpu.memory_space<vmem>>) target(%dma_start3A_30 : memref<10112x128xf32, #tpu.memory_space<vmem_shared>>) offsets(%dma_start3A_27 : memref<64xi32, #tpu.memory_space<vmem>>) semaphore(%run_scoped3A_25 : memref<!tpu.dma_semaphore, #tpu.memory_space<semaphore_mem>>) {add = true}
        %dma_wait3A = arith.constant 0 : i32
        %dma_wait3A_31 = tpu.memref_slice %arg5[%add3A_24, %dma_wait3A] : memref<40x64xi32, #tpu.memory_space<vmem>> -> memref<1x64xi32, #tpu.memory_space<vmem>>
        %dma_wait3A_32 = tpu.memref_squeeze %dma_wait3A_31 : memref<1x64xi32, #tpu.memory_space<vmem>> -> memref<64xi32, #tpu.memory_space<vmem>>
        %dma_wait3A_33 = arith.constant 0 : i32
        %dma_wait3A_34 = arith.constant 0 : i32
        %dma_wait3A_35 = tpu.memref_slice %arg7[%dma_wait3A_33, %dma_wait3A_34] : memref<10112x128xf32, #tpu.memory_space<vmem_shared>> -> memref<10112x128xf32, #tpu.memory_space<vmem_shared>>
        tpu.wait_indirect_dma semaphore(%run_scoped3A_25 : memref<!tpu.dma_semaphore, #tpu.memory_space<semaphore_mem>>) src(%arg6 : memref<64x128xf32, #tpu.memory_space<vmem>>) dst(%dma_wait3A_35 : memref<10112x128xf32, #tpu.memory_space<vmem_shared>>)
        tpu.yield
      }) : () -> ()
    }
    %scan3A_12 = arith.constant 40 : i32
    %run_scoped3A_13 = arith.constant 1 : i32
    "tpu.region"() ({
      %run_scoped3A_20 = tpu.sem_alloc : memref<!tpu.dma_semaphore, #tpu.memory_space<semaphore_mem>>
      %dma_start3A = arith.constant 0 : i32
      %dma_start3A_21 = arith.constant 0 : i32
      %dma_start3A_22 = arith.constant 0 : i32
      %dma_start3A_23 = tpu.memref_slice %arg2[%add3A, %dma_start3A, %dma_start3A_21, %dma_start3A_22] : memref<32x2x40x64xi32, #tpu.memory_space<hbm>> -> memref<1x2x40x64xi32, #tpu.memory_space<hbm>>
      %dma_start3A_24 = tpu.memref_squeeze %dma_start3A_23 : memref<1x2x40x64xi32, #tpu.memory_space<hbm>> -> memref<2x40x64xi32, #tpu.memory_space<hbm>>
      %dma_start3A_25 = arith.constant 0 : i32
      %dma_start3A_26 = arith.constant 0 : i32
      %dma_start3A_27 = tpu.memref_slice %dma_start3A_24[%run_scoped3A_13, %dma_start3A_25, %dma_start3A_26] : memref<2x40x64xi32, #tpu.memory_space<hbm>> -> memref<1x40x64xi32, #tpu.memory_space<hbm>>
      %dma_start3A_28 = tpu.memref_squeeze %dma_start3A_27 : memref<1x40x64xi32, #tpu.memory_space<hbm>> -> memref<40x64xi32, #tpu.memory_space<hbm>>
      %dma_start3A_29 = arith.constant 0 : i32
      %dma_start3A_30 = arith.constant 0 : i32
      %dma_start3A_31 = arith.constant 0 : i32
      %dma_start3A_32 = tpu.memref_slice %arg2[%add3A, %dma_start3A_29, %dma_start3A_30, %dma_start3A_31] : memref<32x2x40x64xi32, #tpu.memory_space<hbm>> -> memref<1x2x40x64xi32, #tpu.memory_space<hbm>>
      %dma_start3A_33 = tpu.memref_squeeze %dma_start3A_32 : memref<1x2x40x64xi32, #tpu.memory_space<hbm>> -> memref<2x40x64xi32, #tpu.memory_space<hbm>>
      %dma_start3A_34 = arith.constant 0 : i32
      %dma_start3A_35 = arith.constant 0 : i32
      %dma_start3A_36 = tpu.memref_slice %dma_start3A_33[%run_scoped3A_13, %dma_start3A_34, %dma_start3A_35] : memref<2x40x64xi32, #tpu.memory_space<hbm>> -> memref<1x40x64xi32, #tpu.memory_space<hbm>>
      %dma_start3A_37 = tpu.memref_squeeze %dma_start3A_36 : memref<1x40x64xi32, #tpu.memory_space<hbm>> -> memref<40x64xi32, #tpu.memory_space<hbm>>
      tpu.enqueue_dma source(%dma_start3A_37 : memref<40x64xi32, #tpu.memory_space<hbm>>) target(%arg5 : memref<40x64xi32, #tpu.memory_space<vmem>>) target_semaphore(%run_scoped3A_20 : memref<!tpu.dma_semaphore, #tpu.memory_space<semaphore_mem>>)
      %dma_wait3A = arith.constant 0 : i32
      %dma_wait3A_38 = arith.constant 0 : i32
      %dma_wait3A_39 = arith.constant 0 : i32
      %dma_wait3A_40 = tpu.memref_slice %arg2[%add3A, %dma_wait3A, %dma_wait3A_38, %dma_wait3A_39] : memref<32x2x40x64xi32, #tpu.memory_space<hbm>> -> memref<1x2x40x64xi32, #tpu.memory_space<hbm>>
      %dma_wait3A_41 = tpu.memref_squeeze %dma_wait3A_40 : memref<1x2x40x64xi32, #tpu.memory_space<hbm>> -> memref<2x40x64xi32, #tpu.memory_space<hbm>>
      %dma_wait3A_42 = arith.constant 0 : i32
      %dma_wait3A_43 = arith.constant 0 : i32
      %dma_wait3A_44 = tpu.memref_slice %dma_wait3A_41[%run_scoped3A_13, %dma_wait3A_42, %dma_wait3A_43] : memref<2x40x64xi32, #tpu.memory_space<hbm>> -> memref<1x40x64xi32, #tpu.memory_space<hbm>>
      %dma_wait3A_45 = tpu.memref_squeeze %dma_wait3A_44 : memref<1x40x64xi32, #tpu.memory_space<hbm>> -> memref<40x64xi32, #tpu.memory_space<hbm>>
      %dma_wait3A_46 = arith.constant 0 : i32
      %dma_wait3A_47 = arith.constant 0 : i32
      %dma_wait3A_48 = arith.constant 0 : i32
      %dma_wait3A_49 = tpu.memref_slice %arg2[%add3A, %dma_wait3A_46, %dma_wait3A_47, %dma_wait3A_48] : memref<32x2x40x64xi32, #tpu.memory_space<hbm>> -> memref<1x2x40x64xi32, #tpu.memory_space<hbm>>
      %dma_wait3A_50 = tpu.memref_squeeze %dma_wait3A_49 : memref<1x2x40x64xi32, #tpu.memory_space<hbm>> -> memref<2x40x64xi32, #tpu.memory_space<hbm>>
      %dma_wait3A_51 = arith.constant 0 : i32
      %dma_wait3A_52 = arith.constant 0 : i32
      %dma_wait3A_53 = tpu.memref_slice %dma_wait3A_50[%run_scoped3A_13, %dma_wait3A_51, %dma_wait3A_52] : memref<2x40x64xi32, #tpu.memory_space<hbm>> -> memref<1x40x64xi32, #tpu.memory_space<hbm>>
      %dma_wait3A_54 = tpu.memref_squeeze %dma_wait3A_53 : memref<1x40x64xi32, #tpu.memory_space<hbm>> -> memref<40x64xi32, #tpu.memory_space<hbm>>
      tpu.wait_dma2 semaphore(%run_scoped3A_20 : memref<!tpu.dma_semaphore, #tpu.memory_space<semaphore_mem>>) src(%dma_wait3A_54 : memref<40x64xi32, #tpu.memory_space<hbm>>) dst(%arg5 : memref<40x64xi32, #tpu.memory_space<vmem>>)
      tpu.yield
    }) : () -> ()
    %scan3A_14 = arith.constant 0 : i32
    %scan3A_15 = arith.constant 40 : i32
    %scan3A_16 = arith.addi %scan3A_14, %scan3A_15 : i32
    %scan3A_17 = arith.constant 1 : i32
    scf.for %scan3A_20 = %scan3A_14 to %scan3A_16 step %scan3A_17  : i32 {
      %mul3A_21 = arith.constant 1 : i32
      %mul3A_22 = arith.muli %scan3A_20, %mul3A_21 : i32
      %add3A_23 = arith.constant 0 : i32
      %add3A_24 = arith.addi %add3A_23, %mul3A_22 : i32
      "tpu.region"() ({
        %run_scoped3A_25 = tpu.sem_alloc : memref<!tpu.dma_semaphore, #tpu.memory_space<semaphore_mem>>
        %dma_start3A = arith.constant 0 : i32
        %dma_start3A_26 = tpu.memref_slice %arg5[%add3A_24, %dma_start3A] : memref<40x64xi32, #tpu.memory_space<vmem>> -> memref<1x64xi32, #tpu.memory_space<vmem>>
        %dma_start3A_27 = tpu.memref_squeeze %dma_start3A_26 : memref<1x64xi32, #tpu.memory_space<vmem>> -> memref<64xi32, #tpu.memory_space<vmem>>
        %dma_start3A_28 = arith.constant 0 : i32
        %dma_start3A_29 = arith.constant 0 : i32
        %dma_start3A_30 = tpu.memref_slice %arg7[%dma_start3A_28, %dma_start3A_29] : memref<10112x128xf32, #tpu.memory_space<vmem_shared>> -> memref<10112x128xf32, #tpu.memory_space<vmem_shared>>
        tpu.enqueue_indirect_dma source(%arg6 : memref<64x128xf32, #tpu.memory_space<vmem>>) target(%dma_start3A_30 : memref<10112x128xf32, #tpu.memory_space<vmem_shared>>) offsets(%dma_start3A_27 : memref<64xi32, #tpu.memory_space<vmem>>) semaphore(%run_scoped3A_25 : memref<!tpu.dma_semaphore, #tpu.memory_space<semaphore_mem>>) {add = true}
        %dma_wait3A = arith.constant 0 : i32
        %dma_wait3A_31 = tpu.memref_slice %arg5[%add3A_24, %dma_wait3A] : memref<40x64xi32, #tpu.memory_space<vmem>> -> memref<1x64xi32, #tpu.memory_space<vmem>>
        %dma_wait3A_32 = tpu.memref_squeeze %dma_wait3A_31 : memref<1x64xi32, #tpu.memory_space<vmem>> -> memref<64xi32, #tpu.memory_space<vmem>>
        %dma_wait3A_33 = arith.constant 0 : i32
        %dma_wait3A_34 = arith.constant 0 : i32
        %dma_wait3A_35 = tpu.memref_slice %arg7[%dma_wait3A_33, %dma_wait3A_34] : memref<10112x128xf32, #tpu.memory_space<vmem_shared>> -> memref<10112x128xf32, #tpu.memory_space<vmem_shared>>
        tpu.wait_indirect_dma semaphore(%run_scoped3A_25 : memref<!tpu.dma_semaphore, #tpu.memory_space<semaphore_mem>>) src(%arg6 : memref<64x128xf32, #tpu.memory_space<vmem>>) dst(%dma_wait3A_35 : memref<10112x128xf32, #tpu.memory_space<vmem_shared>>)
        tpu.yield
      }) : () -> ()
    }
    %scan3A_18 = arith.constant 40 : i32
    %barrier3A_19 = arith.constant 0 : index
    tpu.barrier barrier_id(%barrier3A_19)
    "tpu.region"() ({
      %run_scoped3A_20 = tpu.sem_alloc : memref<!tpu.dma_semaphore, #tpu.memory_space<semaphore_mem>>
      %dma_start3A = arith.constant 0 : i32
      %dma_start3A_21 = arith.constant 0 : i32
      %dma_start3A_22 = tpu.memref_slice %arg4[%arg0, %dma_start3A, %dma_start3A_21] : memref<2x10112x128xf32, #tpu.memory_space<hbm>> -> memref<1x10112x128xf32, #tpu.memory_space<hbm>>
      %dma_start3A_23 = tpu.memref_squeeze %dma_start3A_22 : memref<1x10112x128xf32, #tpu.memory_space<hbm>> -> memref<10112x128xf32, #tpu.memory_space<hbm>>
      %dma_start3A_24 = arith.constant 0 : i32
      %dma_start3A_25 = tpu.memref_slice %dma_start3A_23[%mul3A_2, %dma_start3A_24] : memref<10112x128xf32, #tpu.memory_space<hbm>> -> memref<632x128xf32, #tpu.memory_space<hbm>>
      %dma_start3A_26 = arith.constant 0 : i32
      %dma_start3A_27 = tpu.memref_slice %arg7[%mul3A_2, %dma_start3A_26] : memref<10112x128xf32, #tpu.memory_space<vmem_shared>> -> memref<632x128xf32, #tpu.memory_space<vmem_shared>>
      tpu.enqueue_dma source(%dma_start3A_27 : memref<632x128xf32, #tpu.memory_space<vmem_shared>>) target(%dma_start3A_25 : memref<632x128xf32, #tpu.memory_space<hbm>>) target_semaphore(%run_scoped3A_20 : memref<!tpu.dma_semaphore, #tpu.memory_space<semaphore_mem>>)
      %dma_wait3A = arith.constant 0 : i32
      %dma_wait3A_28 = arith.constant 0 : i32
      %dma_wait3A_29 = tpu.memref_slice %arg4[%arg0, %dma_wait3A, %dma_wait3A_28] : memref<2x10112x128xf32, #tpu.memory_space<hbm>> -> memref<1x10112x128xf32, #tpu.memory_space<hbm>>
      %dma_wait3A_30 = tpu.memref_squeeze %dma_wait3A_29 : memref<1x10112x128xf32, #tpu.memory_space<hbm>> -> memref<10112x128xf32, #tpu.memory_space<hbm>>
      %dma_wait3A_31 = arith.constant 0 : i32
      %dma_wait3A_32 = tpu.memref_slice %dma_wait3A_30[%mul3A_2, %dma_wait3A_31] : memref<10112x128xf32, #tpu.memory_space<hbm>> -> memref<632x128xf32, #tpu.memory_space<hbm>>
      %dma_wait3A_33 = arith.constant 0 : i32
      %dma_wait3A_34 = tpu.memref_slice %arg7[%mul3A_2, %dma_wait3A_33] : memref<10112x128xf32, #tpu.memory_space<vmem_shared>> -> memref<632x128xf32, #tpu.memory_space<vmem_shared>>
      tpu.wait_dma2 semaphore(%run_scoped3A_20 : memref<!tpu.dma_semaphore, #tpu.memory_space<semaphore_mem>>) src(%dma_wait3A_34 : memref<632x128xf32, #tpu.memory_space<vmem_shared>>) dst(%dma_wait3A_32 : memref<632x128xf32, #tpu.memory_space<hbm>>)
      tpu.yield
    }) : () -> ()
    return
  }
}

module attributes {stable_mosaic.version = 14 : i64} {
  func.func @_nodes_body(%arg0: i32, %arg1: memref<1000x128xf32, #tpu.memory_space<vmem>>, %arg2: memref<1000x4xf32, #tpu.memory_space<vmem>>, %arg3: memref<4x128x256xf32, #tpu.memory_space<vmem>>, %arg4: memref<1000x128xf32, #tpu.memory_space<vmem>>, %arg5: memref<1000x128xf32, #tpu.memory_space<vmem>>) attributes {dimension_semantics = [#tpu.dimension_semantics<arbitrary>], iteration_bounds = array<i64: 10>, scalar_prefetch = 0 : i64, scratch_operands = 0 : i64, tpu.core_type = #tpu.core_type<tc>, window_params = [{transform_indices = @transform_0, window_bounds = array<i64: 1000, 128>}, {transform_indices = @transform_1, window_bounds = array<i64: 1000, 4>}, {pipeline_mode = #tpu.pipeline_mode<synchronous>, transform_indices = @transform_2, window_bounds = array<i64: 4, 128, 256>}, {transform_indices = @transform_3, window_bounds = array<i64: 1000, 128>}, {transform_indices = @transform_4, window_bounds = array<i64: 1000, 128>}]} {
    %get3A = arith.constant 0 : index
    %get3A_0 = arith.constant 0 : index
    %get3A_1 = vector.load %arg1[%get3A, %get3A_0] : memref<1000x128xf32, #tpu.memory_space<vmem>>, vector<1000x128xf32>
    %get3A_2 = arith.constant 0 : index
    %get3A_3 = arith.constant 0 : index
    %get3A_4 = vector.load %arg2[%get3A_2, %get3A_3] : memref<1000x4xf32, #tpu.memory_space<vmem>>, vector<1000x4xf32>
    %get3A_5 = arith.constant 0 : index
    %get3A_6 = arith.constant 0 : index
    %get3A_7 = arith.constant 0 : index
    %get3A_8 = vector.load %arg3[%get3A_5, %get3A_6, %get3A_7] : memref<4x128x256xf32, #tpu.memory_space<vmem>>, vector<1x128x256xf32>
    %get3A_9 = vector.shape_cast %get3A_8 : vector<1x128x256xf32> to vector<128x256xf32>
    %dot_general3A = arith.constant dense<0.000000e+00> : vector<1000x256xf32>
    %dot_general3A_10 = tpu.matmul %get3A_1, %get3A_9, %dot_general3A {dimension_numbers = #tpu.dot_dimension_numbers<[1], [0], [0], [1], [0, 0, 1, 1], [], []>, transpose_lhs_hint = false} : vector<1000x128xf32>, vector<128x256xf32>, vector<1000x256xf32> -> vector<1000x256xf32>
    %slice3A = vector.extract_strided_slice %get3A_4 {offsets = [0, 0], sizes = [1000, 1], strides = [1, 1]} : vector<1000x4xf32> to vector<1000x1xf32>
    %mul3A = vector.broadcast %slice3A : vector<1000x1xf32> to vector<1000x256xf32>
    %mul3A_11 = arith.mulf %dot_general3A_10, %mul3A : vector<1000x256xf32>
    %get3A_12 = arith.constant 1 : index
    %get3A_13 = arith.constant 0 : index
    %get3A_14 = arith.constant 0 : index
    %get3A_15 = vector.load %arg3[%get3A_12, %get3A_13, %get3A_14] : memref<4x128x256xf32, #tpu.memory_space<vmem>>, vector<1x128x256xf32>
    %get3A_16 = vector.shape_cast %get3A_15 : vector<1x128x256xf32> to vector<128x256xf32>
    %dot_general3A_17 = arith.constant dense<0.000000e+00> : vector<1000x256xf32>
    %dot_general3A_18 = tpu.matmul %get3A_1, %get3A_16, %dot_general3A_17 {dimension_numbers = #tpu.dot_dimension_numbers<[1], [0], [0], [1], [0, 0, 1, 1], [], []>, transpose_lhs_hint = false} : vector<1000x128xf32>, vector<128x256xf32>, vector<1000x256xf32> -> vector<1000x256xf32>
    %slice3A_19 = vector.extract_strided_slice %get3A_4 {offsets = [0, 1], sizes = [1000, 1], strides = [1, 1]} : vector<1000x4xf32> to vector<1000x1xf32>
    %mul3A_20 = vector.broadcast %slice3A_19 : vector<1000x1xf32> to vector<1000x256xf32>
    %mul3A_21 = arith.mulf %dot_general3A_18, %mul3A_20 : vector<1000x256xf32>
    %add3A = arith.addf %mul3A_11, %mul3A_21 : vector<1000x256xf32>
    %get3A_22 = arith.constant 2 : index
    %get3A_23 = arith.constant 0 : index
    %get3A_24 = arith.constant 0 : index
    %get3A_25 = vector.load %arg3[%get3A_22, %get3A_23, %get3A_24] : memref<4x128x256xf32, #tpu.memory_space<vmem>>, vector<1x128x256xf32>
    %get3A_26 = vector.shape_cast %get3A_25 : vector<1x128x256xf32> to vector<128x256xf32>
    %dot_general3A_27 = arith.constant dense<0.000000e+00> : vector<1000x256xf32>
    %dot_general3A_28 = tpu.matmul %get3A_1, %get3A_26, %dot_general3A_27 {dimension_numbers = #tpu.dot_dimension_numbers<[1], [0], [0], [1], [0, 0, 1, 1], [], []>, transpose_lhs_hint = false} : vector<1000x128xf32>, vector<128x256xf32>, vector<1000x256xf32> -> vector<1000x256xf32>
    %slice3A_29 = vector.extract_strided_slice %get3A_4 {offsets = [0, 2], sizes = [1000, 1], strides = [1, 1]} : vector<1000x4xf32> to vector<1000x1xf32>
    %mul3A_30 = vector.broadcast %slice3A_29 : vector<1000x1xf32> to vector<1000x256xf32>
    %mul3A_31 = arith.mulf %dot_general3A_28, %mul3A_30 : vector<1000x256xf32>
    %add3A_32 = arith.addf %add3A, %mul3A_31 : vector<1000x256xf32>
    %get3A_33 = arith.constant 3 : index
    %get3A_34 = arith.constant 0 : index
    %get3A_35 = arith.constant 0 : index
    %get3A_36 = vector.load %arg3[%get3A_33, %get3A_34, %get3A_35] : memref<4x128x256xf32, #tpu.memory_space<vmem>>, vector<1x128x256xf32>
    %get3A_37 = vector.shape_cast %get3A_36 : vector<1x128x256xf32> to vector<128x256xf32>
    %dot_general3A_38 = arith.constant dense<0.000000e+00> : vector<1000x256xf32>
    %dot_general3A_39 = tpu.matmul %get3A_1, %get3A_37, %dot_general3A_38 {dimension_numbers = #tpu.dot_dimension_numbers<[1], [0], [0], [1], [0, 0, 1, 1], [], []>, transpose_lhs_hint = false} : vector<1000x128xf32>, vector<128x256xf32>, vector<1000x256xf32> -> vector<1000x256xf32>
    %slice3A_40 = vector.extract_strided_slice %get3A_4 {offsets = [0, 3], sizes = [1000, 1], strides = [1, 1]} : vector<1000x4xf32> to vector<1000x1xf32>
    %mul3A_41 = vector.broadcast %slice3A_40 : vector<1000x1xf32> to vector<1000x256xf32>
    %mul3A_42 = arith.mulf %dot_general3A_39, %mul3A_41 : vector<1000x256xf32>
    %add3A_43 = arith.addf %add3A_32, %mul3A_42 : vector<1000x256xf32>
    %mul3A_44 = arith.constant 0.0441941731 : f32
    %mul3A_45 = vector.broadcast %mul3A_44 : f32 to vector<1000x256xf32>
    %mul3A_46 = arith.mulf %add3A_43, %mul3A_45 : vector<1000x256xf32>
    %slice3A_47 = vector.extract_strided_slice %mul3A_46 {offsets = [0, 0], sizes = [1000, 128], strides = [1, 1]} : vector<1000x256xf32> to vector<1000x128xf32>
    %swap3A = arith.constant 0 : index
    %swap3A_48 = arith.constant 0 : index
    %swap3A_49 = vector.load %arg4[%swap3A, %swap3A_48] : memref<1000x128xf32, #tpu.memory_space<vmem>>, vector<1000x128xf32>
    tpu.vector_store %arg4[%swap3A, %swap3A_48], %slice3A_47 {strides = array<i32>} : memref<1000x128xf32, #tpu.memory_space<vmem>>, vector<1000x128xf32>,
    %slice3A_50 = vector.extract_strided_slice %mul3A_46 {offsets = [0, 128], sizes = [1000, 128], strides = [1, 1]} : vector<1000x256xf32> to vector<1000x128xf32>
    %swap3A_51 = arith.constant 0 : index
    %swap3A_52 = arith.constant 0 : index
    %swap3A_53 = vector.load %arg5[%swap3A_51, %swap3A_52] : memref<1000x128xf32, #tpu.memory_space<vmem>>, vector<1000x128xf32>
    tpu.vector_store %arg5[%swap3A_51, %swap3A_52], %slice3A_50 {strides = array<i32>} : memref<1000x128xf32, #tpu.memory_space<vmem>>, vector<1000x128xf32>,
    return
  }
  func.func @transform_0(%arg0: i32) -> (i32, i32) {
    %c0_i32 = arith.constant 0 : i32
    %c0_i32_0 = arith.constant 0 : i32
    return %arg0, %c0_i32 : i32, i32
  }
  func.func @transform_1(%arg0: i32) -> (i32, i32) {
    %c0_i32 = arith.constant 0 : i32
    %c0_i32_0 = arith.constant 0 : i32
    return %arg0, %c0_i32 : i32, i32
  }
  func.func @transform_2(%arg0: i32) -> (i32, i32, i32) {
    %c0_i32 = arith.constant 0 : i32
    %c0_i32_0 = arith.constant 0 : i32
    %c0_i32_1 = arith.constant 0 : i32
    %c0_i32_2 = arith.constant 0 : i32
    return %c0_i32, %c0_i32_0, %c0_i32_1 : i32, i32, i32
  }
  func.func @transform_3(%arg0: i32) -> (i32, i32) {
    %c0_i32 = arith.constant 0 : i32
    %c0_i32_0 = arith.constant 0 : i32
    return %arg0, %c0_i32 : i32, i32
  }
  func.func @transform_4(%arg0: i32) -> (i32, i32) {
    %c0_i32 = arith.constant 0 : i32
    %c0_i32_0 = arith.constant 0 : i32
    return %arg0, %c0_i32 : i32, i32
  }
}

module attributes {stable_mosaic.version = 14 : i64} {
  func.func @_edges_body(%arg0: i32, %arg1: memref<512x16xf32, #tpu.memory_space<vmem>>, %arg2: memref<512x4xf32, #tpu.memory_space<vmem>>, %arg3: memref<16x64xf32, #tpu.memory_space<vmem>>, %arg4: memref<4x64x128xf32, #tpu.memory_space<vmem>>, %arg5: memref<512x128xf32, #tpu.memory_space<vmem>>) attributes {dimension_semantics = [#tpu.dimension_semantics<arbitrary>], iteration_bounds = array<i64: 320>, scalar_prefetch = 0 : i64, scratch_operands = 0 : i64, tpu.core_type = #tpu.core_type<tc>, window_params = [{transform_indices = @transform_0, window_bounds = array<i64: 512, 16>}, {transform_indices = @transform_1, window_bounds = array<i64: 512, 4>}, {pipeline_mode = #tpu.pipeline_mode<synchronous>, transform_indices = @transform_2, window_bounds = array<i64: 16, 64>}, {pipeline_mode = #tpu.pipeline_mode<synchronous>, transform_indices = @transform_3, window_bounds = array<i64: 4, 64, 128>}, {transform_indices = @transform_4, window_bounds = array<i64: 512, 128>}]} {
    %get3A = arith.constant 0 : index
    %get3A_0 = arith.constant 0 : index
    %get3A_1 = vector.load %arg1[%get3A, %get3A_0] : memref<512x16xf32, #tpu.memory_space<vmem>>, vector<512x16xf32>
    %get3A_2 = arith.constant 0 : index
    %get3A_3 = arith.constant 0 : index
    %get3A_4 = vector.load %arg3[%get3A_2, %get3A_3] : memref<16x64xf32, #tpu.memory_space<vmem>>, vector<16x64xf32>
    %dot_general3A = arith.constant dense<0.000000e+00> : vector<512x64xf32>
    %dot_general3A_5 = tpu.matmul %get3A_1, %get3A_4, %dot_general3A {dimension_numbers = #tpu.dot_dimension_numbers<[1], [0], [0], [1], [0, 0, 1, 1], [], []>, transpose_lhs_hint = false} : vector<512x16xf32>, vector<16x64xf32>, vector<512x64xf32> -> vector<512x64xf32>
    %mul3A = arith.constant 2.500000e-01 : f32
    %mul3A_6 = vector.broadcast %mul3A : f32 to vector<512x64xf32>
    %mul3A_7 = arith.mulf %dot_general3A_5, %mul3A_6 : vector<512x64xf32>
    %logistic3A = arith.negf %mul3A_7 : vector<512x64xf32>
    %logistic3A_8 = math.exp %logistic3A : vector<512x64xf32>
    %logistic3A_9 = arith.constant 1.000000e+00 : f32
    %logistic3A_10 = vector.broadcast %logistic3A_9 : f32 to vector<512x64xf32>
    %logistic3A_11 = arith.addf %logistic3A_10, %logistic3A_8 : vector<512x64xf32>
    %logistic3A_12 = arith.divf %logistic3A_10, %logistic3A_11 : vector<512x64xf32>
    %mul3A_13 = arith.mulf %mul3A_7, %logistic3A_12 : vector<512x64xf32>
    %get3A_14 = arith.constant 0 : index
    %get3A_15 = arith.constant 0 : index
    %get3A_16 = vector.load %arg2[%get3A_14, %get3A_15] : memref<512x4xf32, #tpu.memory_space<vmem>>, vector<512x4xf32>
    %get3A_17 = arith.constant 0 : index
    %get3A_18 = arith.constant 0 : index
    %get3A_19 = arith.constant 0 : index
    %get3A_20 = vector.load %arg4[%get3A_17, %get3A_18, %get3A_19] : memref<4x64x128xf32, #tpu.memory_space<vmem>>, vector<1x64x128xf32>
    %get3A_21 = vector.shape_cast %get3A_20 : vector<1x64x128xf32> to vector<64x128xf32>
    %dot_general3A_22 = arith.constant dense<0.000000e+00> : vector<512x128xf32>
    %dot_general3A_23 = tpu.matmul %mul3A_13, %get3A_21, %dot_general3A_22 {dimension_numbers = #tpu.dot_dimension_numbers<[1], [0], [0], [1], [0, 0, 1, 1], [], []>, transpose_lhs_hint = false} : vector<512x64xf32>, vector<64x128xf32>, vector<512x128xf32> -> vector<512x128xf32>
    %slice3A = vector.extract_strided_slice %get3A_16 {offsets = [0, 0], sizes = [512, 1], strides = [1, 1]} : vector<512x4xf32> to vector<512x1xf32>
    %mul3A_24 = vector.broadcast %slice3A : vector<512x1xf32> to vector<512x128xf32>
    %mul3A_25 = arith.mulf %dot_general3A_23, %mul3A_24 : vector<512x128xf32>
    %get3A_26 = arith.constant 1 : index
    %get3A_27 = arith.constant 0 : index
    %get3A_28 = arith.constant 0 : index
    %get3A_29 = vector.load %arg4[%get3A_26, %get3A_27, %get3A_28] : memref<4x64x128xf32, #tpu.memory_space<vmem>>, vector<1x64x128xf32>
    %get3A_30 = vector.shape_cast %get3A_29 : vector<1x64x128xf32> to vector<64x128xf32>
    %dot_general3A_31 = arith.constant dense<0.000000e+00> : vector<512x128xf32>
    %dot_general3A_32 = tpu.matmul %mul3A_13, %get3A_30, %dot_general3A_31 {dimension_numbers = #tpu.dot_dimension_numbers<[1], [0], [0], [1], [0, 0, 1, 1], [], []>, transpose_lhs_hint = false} : vector<512x64xf32>, vector<64x128xf32>, vector<512x128xf32> -> vector<512x128xf32>
    %slice3A_33 = vector.extract_strided_slice %get3A_16 {offsets = [0, 1], sizes = [512, 1], strides = [1, 1]} : vector<512x4xf32> to vector<512x1xf32>
    %mul3A_34 = vector.broadcast %slice3A_33 : vector<512x1xf32> to vector<512x128xf32>
    %mul3A_35 = arith.mulf %dot_general3A_32, %mul3A_34 : vector<512x128xf32>
    %add3A = arith.addf %mul3A_25, %mul3A_35 : vector<512x128xf32>
    %get3A_36 = arith.constant 2 : index
    %get3A_37 = arith.constant 0 : index
    %get3A_38 = arith.constant 0 : index
    %get3A_39 = vector.load %arg4[%get3A_36, %get3A_37, %get3A_38] : memref<4x64x128xf32, #tpu.memory_space<vmem>>, vector<1x64x128xf32>
    %get3A_40 = vector.shape_cast %get3A_39 : vector<1x64x128xf32> to vector<64x128xf32>
    %dot_general3A_41 = arith.constant dense<0.000000e+00> : vector<512x128xf32>
    %dot_general3A_42 = tpu.matmul %mul3A_13, %get3A_40, %dot_general3A_41 {dimension_numbers = #tpu.dot_dimension_numbers<[1], [0], [0], [1], [0, 0, 1, 1], [], []>, transpose_lhs_hint = false} : vector<512x64xf32>, vector<64x128xf32>, vector<512x128xf32> -> vector<512x128xf32>
    %slice3A_43 = vector.extract_strided_slice %get3A_16 {offsets = [0, 2], sizes = [512, 1], strides = [1, 1]} : vector<512x4xf32> to vector<512x1xf32>
    %mul3A_44 = vector.broadcast %slice3A_43 : vector<512x1xf32> to vector<512x128xf32>
    %mul3A_45 = arith.mulf %dot_general3A_42, %mul3A_44 : vector<512x128xf32>
    %add3A_46 = arith.addf %add3A, %mul3A_45 : vector<512x128xf32>
    %get3A_47 = arith.constant 3 : index
    %get3A_48 = arith.constant 0 : index
    %get3A_49 = arith.constant 0 : index
    %get3A_50 = vector.load %arg4[%get3A_47, %get3A_48, %get3A_49] : memref<4x64x128xf32, #tpu.memory_space<vmem>>, vector<1x64x128xf32>
    %get3A_51 = vector.shape_cast %get3A_50 : vector<1x64x128xf32> to vector<64x128xf32>
    %dot_general3A_52 = arith.constant dense<0.000000e+00> : vector<512x128xf32>
    %dot_general3A_53 = tpu.matmul %mul3A_13, %get3A_51, %dot_general3A_52 {dimension_numbers = #tpu.dot_dimension_numbers<[1], [0], [0], [1], [0, 0, 1, 1], [], []>, transpose_lhs_hint = false} : vector<512x64xf32>, vector<64x128xf32>, vector<512x128xf32> -> vector<512x128xf32>
    %slice3A_54 = vector.extract_strided_slice %get3A_16 {offsets = [0, 3], sizes = [512, 1], strides = [1, 1]} : vector<512x4xf32> to vector<512x1xf32>
    %mul3A_55 = vector.broadcast %slice3A_54 : vector<512x1xf32> to vector<512x128xf32>
    %mul3A_56 = arith.mulf %dot_general3A_53, %mul3A_55 : vector<512x128xf32>
    %add3A_57 = arith.addf %add3A_46, %mul3A_56 : vector<512x128xf32>
    %mul3A_58 = arith.constant 6.250000e-02 : f32
    %mul3A_59 = vector.broadcast %mul3A_58 : f32 to vector<512x128xf32>
    %mul3A_60 = arith.mulf %add3A_57, %mul3A_59 : vector<512x128xf32>
    %swap3A = arith.constant 0 : index
    %swap3A_61 = arith.constant 0 : index
    %swap3A_62 = vector.load %arg5[%swap3A, %swap3A_61] : memref<512x128xf32, #tpu.memory_space<vmem>>, vector<512x128xf32>
    tpu.vector_store %arg5[%swap3A, %swap3A_61], %mul3A_60 {strides = array<i32>} : memref<512x128xf32, #tpu.memory_space<vmem>>, vector<512x128xf32>,
    return
  }
  func.func @transform_0(%arg0: i32) -> (i32, i32) {
    %c0_i32 = arith.constant 0 : i32
    %c0_i32_0 = arith.constant 0 : i32
    return %arg0, %c0_i32 : i32, i32
  }
  func.func @transform_1(%arg0: i32) -> (i32, i32) {
    %c0_i32 = arith.constant 0 : i32
    %c0_i32_0 = arith.constant 0 : i32
    return %arg0, %c0_i32 : i32, i32
  }
  func.func @transform_2(%arg0: i32) -> (i32, i32) {
    %c0_i32 = arith.constant 0 : i32
    %c0_i32_0 = arith.constant 0 : i32
    %c0_i32_1 = arith.constant 0 : i32
    return %c0_i32, %c0_i32_0 : i32, i32
  }
  func.func @transform_3(%arg0: i32) -> (i32, i32, i32) {
    %c0_i32 = arith.constant 0 : i32
    %c0_i32_0 = arith.constant 0 : i32
    %c0_i32_1 = arith.constant 0 : i32
    %c0_i32_2 = arith.constant 0 : i32
    return %c0_i32, %c0_i32_0, %c0_i32_1 : i32, i32, i32
  }
  func.func @transform_4(%arg0: i32) -> (i32, i32) {
    %c0_i32 = arith.constant 0 : i32
    %c0_i32_0 = arith.constant 0 : i32
    return %arg0, %c0_i32 : i32, i32
  }
}

module attributes {stable_mosaic.version = 14 : i64} {
  func.func @_combine_body(%arg0: i32, %arg1: memref<2x1000x128xf32, #tpu.memory_space<vmem>>, %arg2: memref<2x1000x128xf32, #tpu.memory_space<vmem>>, %arg3: memref<1000x128xf32, #tpu.memory_space<vmem>>, %arg4: memref<1000x4xf32, #tpu.memory_space<vmem>>, %arg5: memref<4x128x128xf32, #tpu.memory_space<vmem>>, %arg6: memref<4x128xf32, #tpu.memory_space<vmem>>, %arg7: memref<1000x128xf32, #tpu.memory_space<vmem>>) attributes {dimension_semantics = [#tpu.dimension_semantics<arbitrary>], iteration_bounds = array<i64: 10>, scalar_prefetch = 0 : i64, scratch_operands = 0 : i64, tpu.core_type = #tpu.core_type<tc>, window_params = [{transform_indices = @transform_0, window_bounds = array<i64: 2, 1000, 128>}, {transform_indices = @transform_1, window_bounds = array<i64: 2, 1000, 128>}, {transform_indices = @transform_2, window_bounds = array<i64: 1000, 128>}, {transform_indices = @transform_3, window_bounds = array<i64: 1000, 4>}, {pipeline_mode = #tpu.pipeline_mode<synchronous>, transform_indices = @transform_4, window_bounds = array<i64: 4, 128, 128>}, {pipeline_mode = #tpu.pipeline_mode<synchronous>, transform_indices = @transform_5, window_bounds = array<i64: 4, 128>}, {transform_indices = @transform_6, window_bounds = array<i64: 1000, 128>}]} {
    %get3A = arith.constant 0 : index
    %get3A_0 = arith.constant 0 : index
    %get3A_1 = arith.constant 0 : index
    %get3A_2 = vector.load %arg1[%get3A, %get3A_0, %get3A_1] : memref<2x1000x128xf32, #tpu.memory_space<vmem>>, vector<1x1000x128xf32>
    %get3A_3 = vector.shape_cast %get3A_2 : vector<1x1000x128xf32> to vector<1000x128xf32>
    %get3A_4 = arith.constant 1 : index
    %get3A_5 = arith.constant 0 : index
    %get3A_6 = arith.constant 0 : index
    %get3A_7 = vector.load %arg1[%get3A_4, %get3A_5, %get3A_6] : memref<2x1000x128xf32, #tpu.memory_space<vmem>>, vector<1x1000x128xf32>
    %get3A_8 = vector.shape_cast %get3A_7 : vector<1x1000x128xf32> to vector<1000x128xf32>
    %add3A = arith.addf %get3A_3, %get3A_8 : vector<1000x128xf32>
    %get3A_9 = arith.constant 0 : index
    %get3A_10 = arith.constant 0 : index
    %get3A_11 = arith.constant 0 : index
    %get3A_12 = vector.load %arg2[%get3A_9, %get3A_10, %get3A_11] : memref<2x1000x128xf32, #tpu.memory_space<vmem>>, vector<1x1000x128xf32>
    %get3A_13 = vector.shape_cast %get3A_12 : vector<1x1000x128xf32> to vector<1000x128xf32>
    %get3A_14 = arith.constant 1 : index
    %get3A_15 = arith.constant 0 : index
    %get3A_16 = arith.constant 0 : index
    %get3A_17 = vector.load %arg2[%get3A_14, %get3A_15, %get3A_16] : memref<2x1000x128xf32, #tpu.memory_space<vmem>>, vector<1x1000x128xf32>
    %get3A_18 = vector.shape_cast %get3A_17 : vector<1x1000x128xf32> to vector<1000x128xf32>
    %add3A_19 = arith.addf %get3A_13, %get3A_18 : vector<1000x128xf32>
    %slice3A = vector.extract_strided_slice %add3A_19 {offsets = [0, 0], sizes = [1000, 1], strides = [1, 1]} : vector<1000x128xf32> to vector<1000x1xf32>
    %max3A = arith.constant 1.000000e+00 : f32
    %max3A_20 = vector.broadcast %max3A : f32 to vector<1000x1xf32>
    %max3A_21 = arith.maximumf %slice3A, %max3A_20 : vector<1000x1xf32>
    %div3A = vector.broadcast %max3A_21 : vector<1000x1xf32> to vector<1000x128xf32>
    %div3A_22 = arith.divf %add3A, %div3A : vector<1000x128xf32>
    %get3A_23 = arith.constant 0 : index
    %get3A_24 = arith.constant 0 : index
    %get3A_25 = vector.load %arg4[%get3A_23, %get3A_24] : memref<1000x4xf32, #tpu.memory_space<vmem>>, vector<1000x4xf32>
    %get3A_26 = arith.constant 0 : index
    %get3A_27 = arith.constant 0 : index
    %get3A_28 = vector.load %arg6[%get3A_26, %get3A_27] : memref<4x128xf32, #tpu.memory_space<vmem>>, vector<4x128xf32>
    %get3A_29 = arith.constant 0 : index
    %get3A_30 = arith.constant 0 : index
    %get3A_31 = arith.constant 0 : index
    %get3A_32 = vector.load %arg5[%get3A_29, %get3A_30, %get3A_31] : memref<4x128x128xf32, #tpu.memory_space<vmem>>, vector<1x128x128xf32>
    %get3A_33 = vector.shape_cast %get3A_32 : vector<1x128x128xf32> to vector<128x128xf32>
    %dot_general3A = arith.constant dense<0.000000e+00> : vector<1000x128xf32>
    %dot_general3A_34 = tpu.matmul %div3A_22, %get3A_33, %dot_general3A {dimension_numbers = #tpu.dot_dimension_numbers<[1], [0], [0], [1], [0, 0, 1, 1], [], []>, transpose_lhs_hint = false} : vector<1000x128xf32>, vector<128x128xf32>, vector<1000x128xf32> -> vector<1000x128xf32>
    %slice3A_35 = vector.extract_strided_slice %get3A_25 {offsets = [0, 0], sizes = [1000, 1], strides = [1, 1]} : vector<1000x4xf32> to vector<1000x1xf32>
    %mul3A = vector.broadcast %slice3A_35 : vector<1000x1xf32> to vector<1000x128xf32>
    %mul3A_36 = arith.mulf %dot_general3A_34, %mul3A : vector<1000x128xf32>
    %slice3A_37 = vector.extract_strided_slice %get3A_28 {offsets = [0, 0], sizes = [1, 128], strides = [1, 1]} : vector<4x128xf32> to vector<1x128xf32>
    %mul3A_38 = vector.broadcast %slice3A_37 : vector<1x128xf32> to vector<1000x128xf32>
    %mul3A_39 = arith.mulf %div3A_22, %mul3A_38 : vector<1000x128xf32>
    %reduce_sum3A = arith.constant dense<0.000000e+00> : vector<1000xf32>
    %reduce_sum3A_40 = vector.multi_reduction <add>, %mul3A_39, %reduce_sum3A [1] : vector<1000x128xf32> to vector<1000xf32>
    %broadcast_in_dim3A = vector.shape_cast %reduce_sum3A_40 : vector<1000xf32> to vector<1000x1xf32>
    %slice3A_41 = vector.extract_strided_slice %get3A_25 {offsets = [0, 0], sizes = [1000, 1], strides = [1, 1]} : vector<1000x4xf32> to vector<1000x1xf32>
    %mul3A_42 = arith.mulf %broadcast_in_dim3A, %slice3A_41 : vector<1000x1xf32>
    %get3A_43 = arith.constant 1 : index
    %get3A_44 = arith.constant 0 : index
    %get3A_45 = arith.constant 0 : index
    %get3A_46 = vector.load %arg5[%get3A_43, %get3A_44, %get3A_45] : memref<4x128x128xf32, #tpu.memory_space<vmem>>, vector<1x128x128xf32>
    %get3A_47 = vector.shape_cast %get3A_46 : vector<1x128x128xf32> to vector<128x128xf32>
    %dot_general3A_48 = arith.constant dense<0.000000e+00> : vector<1000x128xf32>
    %dot_general3A_49 = tpu.matmul %div3A_22, %get3A_47, %dot_general3A_48 {dimension_numbers = #tpu.dot_dimension_numbers<[1], [0], [0], [1], [0, 0, 1, 1], [], []>, transpose_lhs_hint = false} : vector<1000x128xf32>, vector<128x128xf32>, vector<1000x128xf32> -> vector<1000x128xf32>
    %slice3A_50 = vector.extract_strided_slice %get3A_25 {offsets = [0, 1], sizes = [1000, 1], strides = [1, 1]} : vector<1000x4xf32> to vector<1000x1xf32>
    %mul3A_51 = vector.broadcast %slice3A_50 : vector<1000x1xf32> to vector<1000x128xf32>
    %mul3A_52 = arith.mulf %dot_general3A_49, %mul3A_51 : vector<1000x128xf32>
    %add3A_53 = arith.addf %mul3A_36, %mul3A_52 : vector<1000x128xf32>
    %slice3A_54 = vector.extract_strided_slice %get3A_28 {offsets = [1, 0], sizes = [1, 128], strides = [1, 1]} : vector<4x128xf32> to vector<1x128xf32>
    %mul3A_55 = vector.broadcast %slice3A_54 : vector<1x128xf32> to vector<1000x128xf32>
    %mul3A_56 = arith.mulf %div3A_22, %mul3A_55 : vector<1000x128xf32>
    %reduce_sum3A_57 = arith.constant dense<0.000000e+00> : vector<1000xf32>
    %reduce_sum3A_58 = vector.multi_reduction <add>, %mul3A_56, %reduce_sum3A_57 [1] : vector<1000x128xf32> to vector<1000xf32>
    %broadcast_in_dim3A_59 = vector.shape_cast %reduce_sum3A_58 : vector<1000xf32> to vector<1000x1xf32>
    %slice3A_60 = vector.extract_strided_slice %get3A_25 {offsets = [0, 1], sizes = [1000, 1], strides = [1, 1]} : vector<1000x4xf32> to vector<1000x1xf32>
    %mul3A_61 = arith.mulf %broadcast_in_dim3A_59, %slice3A_60 : vector<1000x1xf32>
    %add3A_62 = arith.addf %mul3A_42, %mul3A_61 : vector<1000x1xf32>
    %get3A_63 = arith.constant 2 : index
    %get3A_64 = arith.constant 0 : index
    %get3A_65 = arith.constant 0 : index
    %get3A_66 = vector.load %arg5[%get3A_63, %get3A_64, %get3A_65] : memref<4x128x128xf32, #tpu.memory_space<vmem>>, vector<1x128x128xf32>
    %get3A_67 = vector.shape_cast %get3A_66 : vector<1x128x128xf32> to vector<128x128xf32>
    %dot_general3A_68 = arith.constant dense<0.000000e+00> : vector<1000x128xf32>
    %dot_general3A_69 = tpu.matmul %div3A_22, %get3A_67, %dot_general3A_68 {dimension_numbers = #tpu.dot_dimension_numbers<[1], [0], [0], [1], [0, 0, 1, 1], [], []>, transpose_lhs_hint = false} : vector<1000x128xf32>, vector<128x128xf32>, vector<1000x128xf32> -> vector<1000x128xf32>
    %slice3A_70 = vector.extract_strided_slice %get3A_25 {offsets = [0, 2], sizes = [1000, 1], strides = [1, 1]} : vector<1000x4xf32> to vector<1000x1xf32>
    %mul3A_71 = vector.broadcast %slice3A_70 : vector<1000x1xf32> to vector<1000x128xf32>
    %mul3A_72 = arith.mulf %dot_general3A_69, %mul3A_71 : vector<1000x128xf32>
    %add3A_73 = arith.addf %add3A_53, %mul3A_72 : vector<1000x128xf32>
    %slice3A_74 = vector.extract_strided_slice %get3A_28 {offsets = [2, 0], sizes = [1, 128], strides = [1, 1]} : vector<4x128xf32> to vector<1x128xf32>
    %mul3A_75 = vector.broadcast %slice3A_74 : vector<1x128xf32> to vector<1000x128xf32>
    %mul3A_76 = arith.mulf %div3A_22, %mul3A_75 : vector<1000x128xf32>
    %reduce_sum3A_77 = arith.constant dense<0.000000e+00> : vector<1000xf32>
    %reduce_sum3A_78 = vector.multi_reduction <add>, %mul3A_76, %reduce_sum3A_77 [1] : vector<1000x128xf32> to vector<1000xf32>
    %broadcast_in_dim3A_79 = vector.shape_cast %reduce_sum3A_78 : vector<1000xf32> to vector<1000x1xf32>
    %slice3A_80 = vector.extract_strided_slice %get3A_25 {offsets = [0, 2], sizes = [1000, 1], strides = [1, 1]} : vector<1000x4xf32> to vector<1000x1xf32>
    %mul3A_81 = arith.mulf %broadcast_in_dim3A_79, %slice3A_80 : vector<1000x1xf32>
    %add3A_82 = arith.addf %add3A_62, %mul3A_81 : vector<1000x1xf32>
    %get3A_83 = arith.constant 3 : index
    %get3A_84 = arith.constant 0 : index
    %get3A_85 = arith.constant 0 : index
    %get3A_86 = vector.load %arg5[%get3A_83, %get3A_84, %get3A_85] : memref<4x128x128xf32, #tpu.memory_space<vmem>>, vector<1x128x128xf32>
    %get3A_87 = vector.shape_cast %get3A_86 : vector<1x128x128xf32> to vector<128x128xf32>
    %dot_general3A_88 = arith.constant dense<0.000000e+00> : vector<1000x128xf32>
    %dot_general3A_89 = tpu.matmul %div3A_22, %get3A_87, %dot_general3A_88 {dimension_numbers = #tpu.dot_dimension_numbers<[1], [0], [0], [1], [0, 0, 1, 1], [], []>, transpose_lhs_hint = false} : vector<1000x128xf32>, vector<128x128xf32>, vector<1000x128xf32> -> vector<1000x128xf32>
    %slice3A_90 = vector.extract_strided_slice %get3A_25 {offsets = [0, 3], sizes = [1000, 1], strides = [1, 1]} : vector<1000x4xf32> to vector<1000x1xf32>
    %mul3A_91 = vector.broadcast %slice3A_90 : vector<1000x1xf32> to vector<1000x128xf32>
    %mul3A_92 = arith.mulf %dot_general3A_89, %mul3A_91 : vector<1000x128xf32>
    %add3A_93 = arith.addf %add3A_73, %mul3A_92 : vector<1000x128xf32>
    %slice3A_94 = vector.extract_strided_slice %get3A_28 {offsets = [3, 0], sizes = [1, 128], strides = [1, 1]} : vector<4x128xf32> to vector<1x128xf32>
    %mul3A_95 = vector.broadcast %slice3A_94 : vector<1x128xf32> to vector<1000x128xf32>
    %mul3A_96 = arith.mulf %div3A_22, %mul3A_95 : vector<1000x128xf32>
    %reduce_sum3A_97 = arith.constant dense<0.000000e+00> : vector<1000xf32>
    %reduce_sum3A_98 = vector.multi_reduction <add>, %mul3A_96, %reduce_sum3A_97 [1] : vector<1000x128xf32> to vector<1000xf32>
    %broadcast_in_dim3A_99 = vector.shape_cast %reduce_sum3A_98 : vector<1000xf32> to vector<1000x1xf32>
    %slice3A_100 = vector.extract_strided_slice %get3A_25 {offsets = [0, 3], sizes = [1000, 1], strides = [1, 1]} : vector<1000x4xf32> to vector<1000x1xf32>
    %mul3A_101 = arith.mulf %broadcast_in_dim3A_99, %slice3A_100 : vector<1000x1xf32>
    %add3A_102 = arith.addf %add3A_82, %mul3A_101 : vector<1000x1xf32>
    %get3A_103 = arith.constant 0 : index
    %get3A_104 = arith.constant 0 : index
    %get3A_105 = vector.load %arg3[%get3A_103, %get3A_104] : memref<1000x128xf32, #tpu.memory_space<vmem>>, vector<1000x128xf32>
    %mul3A_106 = arith.constant 0.0441941731 : f32
    %mul3A_107 = vector.broadcast %mul3A_106 : f32 to vector<1000x1xf32>
    %mul3A_108 = arith.mulf %add3A_102, %mul3A_107 : vector<1000x1xf32>
    %mul3A_109 = arith.constant 0.0441941731 : f32
    %mul3A_110 = vector.broadcast %mul3A_109 : f32 to vector<1000x128xf32>
    %mul3A_111 = arith.mulf %add3A_93, %mul3A_110 : vector<1000x128xf32>
    %mul3A_112 = vector.broadcast %mul3A_108 : vector<1000x1xf32> to vector<1000x128xf32>
    %mul3A_113 = arith.mulf %mul3A_112, %mul3A_111 : vector<1000x128xf32>
    %add3A_114 = arith.addf %get3A_105, %mul3A_113 : vector<1000x128xf32>
    %swap3A = arith.constant 0 : index
    %swap3A_115 = arith.constant 0 : index
    %swap3A_116 = vector.load %arg7[%swap3A, %swap3A_115] : memref<1000x128xf32, #tpu.memory_space<vmem>>, vector<1000x128xf32>
    tpu.vector_store %arg7[%swap3A, %swap3A_115], %add3A_114 {strides = array<i32>} : memref<1000x128xf32, #tpu.memory_space<vmem>>, vector<1000x128xf32>,
    return
  }
  func.func @transform_0(%arg0: i32) -> (i32, i32, i32) {
    %c0_i32 = arith.constant 0 : i32
    %c0_i32_0 = arith.constant 0 : i32
    %c0_i32_1 = arith.constant 0 : i32
    return %c0_i32, %arg0, %c0_i32_0 : i32, i32, i32
  }
  func.func @transform_1(%arg0: i32) -> (i32, i32, i32) {
    %c0_i32 = arith.constant 0 : i32
    %c0_i32_0 = arith.constant 0 : i32
    %c0_i32_1 = arith.constant 0 : i32
    return %c0_i32, %arg0, %c0_i32_0 : i32, i32, i32
  }
  func.func @transform_2(%arg0: i32) -> (i32, i32) {
    %c0_i32 = arith.constant 0 : i32
    %c0_i32_0 = arith.constant 0 : i32
    return %arg0, %c0_i32 : i32, i32
  }
  func.func @transform_3(%arg0: i32) -> (i32, i32) {
    %c0_i32 = arith.constant 0 : i32
    %c0_i32_0 = arith.constant 0 : i32
    return %arg0, %c0_i32 : i32, i32
  }
  func.func @transform_4(%arg0: i32) -> (i32, i32, i32) {
    %c0_i32 = arith.constant 0 : i32
    %c0_i32_0 = arith.constant 0 : i32
    %c0_i32_1 = arith.constant 0 : i32
    %c0_i32_2 = arith.constant 0 : i32
    return %c0_i32, %c0_i32_0, %c0_i32_1 : i32, i32, i32
  }
  func.func @transform_5(%arg0: i32) -> (i32, i32) {
    %c0_i32 = arith.constant 0 : i32
    %c0_i32_0 = arith.constant 0 : i32
    %c0_i32_1 = arith.constant 0 : i32
    return %c0_i32, %c0_i32_0 : i32, i32
  }
  func.func @transform_6(%arg0: i32) -> (i32, i32) {
    %c0_i32 = arith.constant 0 : i32
    %c0_i32_0 = arith.constant 0 : i32
    return %arg0, %c0_i32 : i32, i32
  }
}

</mosaic_0001>

<sc_bundles>
// kernel: kernel.10.cloned.1.call-start
scs
__scs_entry_jumppad:
0x0: {  	(pc) =	sbr.rel $0x88, $3  }
0x1: {  	(tag) =	ssettag $0x0;
	lr =	simm.s32 $0x1  }
0x2: {  	[smem:$0x3F96] =	sst lr;
	_ =	strace $0xD0000000  }
0x3: {  	_ = 	snop  }
0x4: {  	_ = 	snop  }
0x5: {  	_ = 	snop  }
0x6: {  	_ = 	snop  }
0x7: {  	_ = 	snop  }
__scs_overlays_trampoline_lowered:
0x8: {  	[smem:$0x3FA5] =	sst s0  }
0x9: {  	[smem:$0x3FA6] =	sst s1  }
0xa: {  	[smem:$0x3FA7] =	sst s2  }
0xb: {  	[smem:$0x3FA8] =	sst s3  }
0xc: {  	[smem:$0x3FA9] =	sst s4  }
0xd: {  	[smem:$0x3FAA] =	sst s5  }
0xe: {  	[smem:$0x3FAB] =	sst s6  }
0xf: {  	[smem:$0x3FAC] =	sst s7  }
0x10: {  	[smem:$0x3FAD] =	sst s8  }
0x11: {  	[smem:$0x3FAE] =	sst s9;
	s0 =	simm.s32 @!p0 $0x0  }
0x12: {  	s1 =	sld [smem:$0x3F94];
	s0 =	simm.s32 @p0 $0x1  }
0x13: {  	[smem:$0x3FAF] =	sst s0;
	s0 =	simm.s32 @!p1 $0x0  }
0x14: {  	s2 =	sld [smem:$0x3F93];
	s0 =	simm.s32 @p1 $0x1  }
0x15: {  	[smem:$0x3FB0] =	sst s0;
	s0 =	simm.s32 @!p2 $0x0  }
0x16: {  	s3 =	sld [smem:$0x3FDB];
	s0 =	simm.s32 @p2 $0x1  }
0x17: {  	s4 =	simm.s32 $0x1BF5;
	[smem:$0x3FB2] =	sst s0  }
0x18: {  	s0 =	sld [smem:$0x3F95];
	_ =	swait.ge [sflag:s4], $0x0  }
0x19: {  	s7 =	sld [smem:$0x3F96]  }
0x1a: {  	s8 =	sadd.s32 $0xFFFFE003, lr  }
0x1b: {  	s9 =	sadd.s32 $0xFFFFFEF7, lr;
	s5 =	simm.s32 $0xFFFFFFFF;
	p2 =	slt.u32 s8, $0xFFFFF086  }
0x1c: {  	p1 =	slt.u32 s9, $0xF7A;
	s5 =	simm.s32 @!p2 $0x0  }
0x1d: {  	s5 =	simm.s32 @p1 $0x1;
	p0 =	seq.s32 s7, s2  }
0x1e: {  	s7 =	smul.u32 @!p0 $0xF7A, s2;
	p2 =	seq.s32 @!p0 s5, $0x0  }
0x1f: {  	s9 =	smul.u32 $0xF7A, s1;
	s8 =	simm.s32 @!p0 $0x1BF5;
	p2 =	por !p2, p0  }
0x20: {  	[sflag:s8] =	ssyncset.s32 @!p0 $0xFFFFF086;
	s6 =	sadd.s32 @!p0 s3, s7;
	s7 =	simm.s32 @!p0 $0x108  }
0x21: {  	s3 =	sadd.s32 s3, s9;
	s6 =	sadd.s32 @!p0 $0x88, s6;
	s7 =	simm.s32 @p2 $0x1082  }
0x22: {  	[simem:s7], [sflag:s8] =	dma.local @!p0 [hbm:s6], $0xF7A  }
0x23: {  	s9 =	sor.u32 $0xD0000000, s2;
	s6 =	simm.s32 $0x108;
	_ =	swait.ge @!p0 [sflag:s8], $0x0  }
0x24: {  	s3 =	sadd.s32 $0x88, s3;
	s6 =	simm.s32 @!p1 $0x1082;
	[sflag:s4] =	ssyncset.s32 $0xFFFFF086  }
0x25: {  	[simem:s6], [sflag:s4] =	dma.local [hbm:s3], $0xF7A  }
0x26: {  	[smem:$0x3F96] =	sst s1;
	(tag) =	ssettag s2;
	_ =	strace s9  }
0x27: {  	s1 =	sld [smem:$0x3FA6]  }
0x28: {  	s2 =	sld [smem:$0x3FA7]  }
0x29: {  	s4 =	sld [smem:$0x3FA9]  }
0x2a: {  	p0 =	seq.s32 s5, $0x0;
	s5 =	sld [smem:$0x3FAA]  }
0x2b: {  	s6 =	sld [smem:$0x3FAB]  }
0x2c: {  	s7 =	sld [smem:$0x3FAC]  }
0x2d: {  	s3 =	simm.s32 $0x108;
	s8 =	sld [smem:$0x3FAD]  }
0x2e: {  	s3 =	simm.s32 @!p0 $0x1082;
	s9 =	sld [smem:$0x3FAE]  }
0x2f: {  	lr =	sadd.s32 s0, s3;
	s0 =	sld [smem:$0x3FA5]  }
0x30: {  	s3 =	sld [smem:$0x3FA8]  }
0x31: {  	[smem:$0x3FB1] =	sst s10  }
0x32: {  	s10 =	sld [smem:$0x3FAF];
	_ =	sdelay $0x3  }
0x33: {  	p0 =	seq.s32 s10, $0x1;
	s10 =	sld [smem:$0x3FB1];
	_ =	sdelay $0x3  }
0x34: {  	[smem:$0x3FB1] =	sst s10  }
0x35: {  	s10 =	sld [smem:$0x3FB0];
	_ =	sdelay $0x3  }
0x36: {  	p1 =	seq.s32 s10, $0x1;
	s10 =	sld [smem:$0x3FB1];
	_ =	sdelay $0x3  }
0x37: {  	[smem:$0x3FB1] =	sst s10  }
0x38: {  	s10 =	sld [smem:$0x3FB2]  }
0x39: {  	_ = 	snop;
	(pc) =	sbr.ind lr, $3  }
0x3a: {  	_ = 	snop  }
0x3b: {  	_ = 	snop  }
0x3c: {  	p2 =	seq.s32 s10, $0x1;
	s10 =	sld [smem:$0x3FB1]  }
0x3d: {  	_ =	shalt  }
0x3e: {  	_ =	shalt  }
0x3f: {  	_ =	shalt  }
0x40: {  	_ =	shalt  }
0x41: {  	_ =	shalt  }
0x42: {  	_ =	shalt  }
0x43: {  	_ =	shalt  }
0x44: {  	_ =	shalt  }
0x45: {  	_ =	shalt  }
0x46: {  	_ =	shalt  }
0x47: {  	_ =	shalt  }
0x48: {  	_ =	shalt  }
0x49: {  	_ =	shalt  }
0x4a: {  	_ =	shalt  }
0x4b: {  	_ =	shalt  }
0x4c: {  	_ =	shalt  }
0x4d: {  	_ =	shalt  }
0x4e: {  	_ =	shalt  }
0x4f: {  	_ =	shalt  }
0x50: {  	_ =	shalt  }
0x51: {  	_ =	shalt  }
0x52: {  	_ =	shalt  }
0x53: {  	_ =	shalt  }
0x54: {  	_ =	shalt  }
0x55: {  	_ =	shalt  }
0x56: {  	_ =	shalt  }
0x57: {  	_ =	shalt  }
0x58: {  	_ =	shalt  }
0x59: {  	_ =	shalt  }
0x5a: {  	_ =	shalt  }
0x5b: {  	_ =	shalt  }
0x5c: {  	_ =	shalt  }
0x5d: {  	_ =	shalt  }
0x5e: {  	_ =	shalt  }
0x5f: {  	_ =	shalt  }
0x60: {  	_ =	shalt  }
0x61: {  	_ =	shalt  }
0x62: {  	_ =	shalt  }
0x63: {  	_ =	shalt  }
0x64: {  	_ =	shalt  }
0x65: {  	_ =	shalt  }
0x66: {  	_ =	shalt  }
0x67: {  	_ =	shalt  }
0x68: {  	_ =	shalt  }
0x69: {  	_ =	shalt  }
0x6a: {  	_ =	shalt  }
0x6b: {  	_ =	shalt  }
0x6c: {  	_ =	shalt  }
0x6d: {  	_ =	shalt  }
0x6e: {  	_ =	shalt  }
0x6f: {  	_ =	shalt  }
0x70: {  	_ =	shalt  }
0x71: {  	_ =	shalt  }
0x72: {  	_ =	shalt  }
0x73: {  	_ =	shalt  }
0x74: {  	_ =	shalt  }
0x75: {  	_ =	shalt  }
0x76: {  	_ =	shalt  }
0x77: {  	_ =	shalt  }
0x78: {  	_ =	shalt  }
0x79: {  	_ =	shalt  }
0x7a: {  	_ =	shalt  }
0x7b: {  	_ =	shalt  }
0x7c: {  	_ =	shalt  }
0x7d: {  	_ =	shalt  }
0x7e: {  	_ =	shalt  }
0x7f: {  	_ =	shalt  }
0x80: {  	_ =	shalt  }
0x81: {  	_ =	shalt  }
0x82: {  	_ =	shalt  }
0x83: {  	_ =	shalt  }
0x84: {  	_ =	shalt  }
0x85: {  	_ =	shalt  }
0x86: {  	_ =	shalt  }
0x87: {  	_ =	shalt  }
.Lfunc_end0:
.L_simem_size_0:
called_computation.1_lowered:
.L_overlay_start_0:
0x88: {  	s2 =	sld [smem:$0x3FD9]  }
0x89: {  	s3 =	sld [smem:$0x3FFE];
	_ =	sdelay $0x1  }
0x8a: {  	s1 =	srdreg.scid  }
0x8b: {  	s0 =	sand.u32 $0x1, s1  }
0x8c: {  	s17 =	sshll.u32 s0, $0xA;
	s2 =	sadd.s32 s3, s2  }
0x8d: {  	s2 =	sadd.s32 s2, s17  }
0x8e: {  	[smem:$0x3FBD] =	sst s2  }
0x8f: {  	_ = 	snop  }
0x90: {  	s2 =	sld [smem:$0x3FD0];
	(tm) =	ssettm $0x1  }
0x91: {  	s18 =	sld [smem:$0x3FFB];
	_ =	sdelay $0x3  }
0x92: {  	_ =	strace s18  }
0x93: {  	s3 =	sld [smem:$0x3FFC];
	_ =	sdelay $0x3  }
0x94: {  	_ =	strace s3  }
0x95: {  	s3 =	sld [smem:$0x3FFD];
	_ =	sdelay $0x3  }
0x96: {  	_ =	strace s3  }
0x97: {  	_ =	strace $0x8FFFFFFF  }
0x98: {  	s19 =	sld [smem:$0x3FDB];
	_ =	sdelay $0x1  }
0x99: {  	s4 =	simm.s32 $_scs_section_size  }
0x9a: {  	s5 =	simm.s32 $_size__tile_overlayer_lowered;
	s6 =	simm.s32 $_tile_overlayer_lowered  }
0x9b: {  	s22 =	simm.s32 $0x1BFF;
	s21 =	sshll.u32 s6, $0x1;
	s3 =	sadd.s32 s4, s19  }
0x9c: {  	s7 =	simm.s32 $0x0;
	s20 =	sshll.u32 s5, $0x1;
	s5 =	sadd.s32 s21, s3  }
0x9d: {  	[timem:s7], [sflag:s22] =	dma.local [hbm:s5], s20  }
0x9e: {  	_ =	swait.ge [sflag:s22], s20  }
0x9f: {  	s4 =	ssub.s32 $0x0, s20;
	[sflag:s22] =	ssyncset.done $0x0  }
0xa0: {  	[sflag:s22] =	ssyncadd.s32 s4;
	_ =	sdelay $0x1  }
0xa1: {  	s23 =	simm.s32 $0x1B8B  }
0xa2: {  	_ =	swait.ge [sflag:s23], $0x1  }
0xa3: {  	[sflag:s23] =	ssyncset.done $0x0  }
0xa4: {  	s25 =	simm.s32 $0x1B8E;
	s24 =	sld [smem:$0x3FFE];
	[sflag:s23] =	ssyncadd.s32 $0xFFFFFFFF  }
0xa5: {  	s26 =	simm.s32 $execute0_lowered;
	[smem:$0x3FD2] =	sst s25  }
0xa6: {  	s5 =	sshll.u32 s26, $0x1;
	_ =	strace $0x80000046;
	[dreg:$0x1] =	wrdreg $0xFFFFFFFF  }
0xa7: {  	s28 =	simm.s32 $_size_execute0_lowered;
	s3 =	sadd.s32 s3, s5;
	[dreg:$0x0] =	wrdreg $0x0  }
0xa8: {  	s5 =	sshll.u32 s28, $0x1;
	[dreg:$0x2] =	wrdreg s3  }
0xa9: {  	[dreg:$0x3] =	wrdreg s5  }
0xaa: {  	[dreg:$0x4] =	wrdreg $0xC0  }
0xab: {  	_ =	task [dreg:s7], $0x5FFFF  }
0xac: {  	[dreg:$0x1] =	wrdreg $0xFFFFFFFF  }
0xad: {  	[dreg:$0x0] =	wrdreg $0x60  }
0xae: {  	[dreg:$0x2] =	wrdreg s2  }
0xaf: {  	[dreg:$0x3] =	wrdreg s24  }
0xb0: {  	[dreg:$0x4] =	wrdreg $0xA8000  }
0xb1: {  	[dreg:$0x5] =	wrdreg $0xA  }
0xb2: {  	_ =	task.clear_ibuf [dreg:s7], $0x6FFFF;
	_ =	strace $0x90000046  }
0xb3: {  	s29 =	simm.s32 $0xA;
	_ =	strace $0x80000048  }
0xb4: {  	_ =	swait.ge [sflag:s29], $0x1  }
0xb5: {  	[sflag:s29] =	ssyncadd.s32 $0xFFFFFFFF  }
0xb6: {  	_ =	strace $0x90000048  }
0xb7: {  	_ =	sfence  }
0xb8: {  	s30 =	sld [smem:$0x0];
	_ =	sdelay $0x2  }
0xb9: {  	s31 =	sshll.u32 s1, $0xD;
	s1 =	sshrl.u32 s1, $0x2  }
0xba: {  	s3 =	sand.u32 $0x4000, s31;
	s1 =	sadd.s32 s1, s30  }
0xbb: {  	s0 =	sor.u32 s3, s0;
	s1 =	sshll.u32 s1, $0x11  }
0xbc: {  	s0 =	sor.u32 s1, s0  }
0xbd: {  	s0 =	sadd.s32 $0x8F2B, s0  }
0xbe: {  	[sflag:s0] =	ssyncadd.remote.s32 $0x1  }
0xbf: {  	_ =	sfence.sel $0xFFFF  }
0xc0: {  	[dreg:$0x0] =	wrdreg $0xFFFFFFFF;
	(pc) =	sbr.abs _section_cstart, $3  }
0xc1: {  	[dreg:$0x1] =	wrdreg $0xFFFFFFFF  }
0xc2: {  	_ =	task.clear_ibuf [dreg:s7], $0x2FFFF;
	_ =	strace $0x9FFFFFFF  }
0xc3: {  	(tm) =	ssettm $0x7FFFFFFF  }
tec
execute0_lowered:
.L_overlay_start_1:
0x0: {  	(tag) =	ssettag $0x1  }
0x1: {  	s1 =	rddreg [dreg:$0x0]  }
0x2: {  	s0 =	rddreg [dreg:$0x1]  }
0x3: {  	s2 =	srdreg.scid;
	s13 =	stileid.u32  }
0x4: {  	s3 =	rddreg [dreg:$0x2];
	s4 =	simm.s32 $0x0;
	s17 =	simm.s32 $0x5  }
0x5: {  	s19 =	simm.s32 $0x2800;
	s28 =	simm.s32 $0x3;
	s29 =	simm.s32 $0x2  }
0x6: {  	s30 =	simm.s32 $0x4;
	s31 =	simm.s32 $0x2700;
	s2 =	sand.u32 $0x1, s2  }
0x7: {  	s5 =	sshll.u32 s13, $0x1;
	[smem:$0x7FF] =	sst s4;
	s12 =	smul.u32 $0x2780, s13  }
0x8: {  	s11 =	smul.u32 $0x4F000, s13;
	s22 =	sshll.u32 s13, $0x6;
	s6 =	sor.u32 s2, s5  }
0x9: {  	_ =	strace $0x80000047;
	s5 =	sadd.s32 $0x65800, s0;
	s8 =	smul.u32 $0x27800, s2  }
0xa: {  	s2 =	ssub.s32 $0x2, s2;
	s7 =	smul.u32 $0x500, s6;
	s9 =	sadd.s32 s12, s0  }
0xb: {  	s10 =	sshrl.u32 s2, $0x1;
	s20 =	smul.u32 $0x14000, s6;
	s21 =	sshrl.u32 s11, $0x2  }
0xc: {  	s6 =	smul.u32 $0xA0000, s6;
	s2 =	ssub.s32 s2, s10;
	s14 =	sadd.s32 s21, s3  }
0xd: {  	s23 =	sadd.s32 $0x2E5800, s9;
	s21 =	simm.s32 $0x6800;
	s7 =	sadd.s32 s7, s0  }
0xe: {  	s0 =	sadd.s32 s8, s0;
	[dreg:$0x4] =	wrdreg s23;
	s8 =	sor.u32 $0x1C05, s22  }
0xf: {  	s10 =	sadd.s32 s5, s20;
	s24 =	sshrl.u32 s6, $0x3;
	s2 =	smax.u32 s2, $0x1  }
0x10: {  	s16 =	sshrl.u32 s14, $0x3;
	s20 =	simm.s32 $0x40;
	s22 =	simm.s32 $0x4800  }
0x11: {  	s9 =	sadd.s32 $0x2A600, s7;
	s11 =	sadd.s32 $0x34600, s7;
	s25 =	sadd.s32 $0x400, s10  }
0x12: {  	s26 =	sadd.s32 s5, s24;
	s13 =	sadd.s32 $0xA000, s10;
	[dreg:$0x7] =	wrdreg s2  }
0x13: {  	s0 =	sadd.s32 $0x30D000, s0;
	s2 =	simm.s32 $0x2780;
	[dreg:$0x5] =	wrdreg s25  }
0x14: {  	s7 =	sadd.s32 $0xA400, s26;
	s24 =	sadd.s32 s12, s0;
	s25 =	simm.s32 $0x8800  }
0x15: {  	s26 =	simm.s32 $0x1;
	s0 =	simm.s32 $0x0;
	[dreg:$0x6] =	wrdreg s7  }
.LBB2_1:
0x16: {  	s7 =	rddreg [dreg:$0x4]  }
0x17: {  	[spmem:s16], [sflag:s8] =	dma.local [hbm:s7], $0x2780  }
0x18: {  	_ =	swait.ge [sflag:s17], $0x2780  }
0x19: {  	[sflag:s17] =	ssyncset.done $0x0  }
0x1a: {  	[sflag:s17] =	ssyncadd.s32 $0xFFFFD880  }
0x1b: {  	[bflag:$0x0] =	sbarrier.arrive $0xFFFF  }
0x1c: {  	[tilespmem:s4], [sflag:$0x5] =	stream.linear.gather [hbm4b:s9+s4], $0x1400, $0x38;
	[tilespmem:$0x1E400] =	vst v63  }
0x1d: {  	_ =	swait.ge [sflag:s17], $0x1400  }
0x1e: {  	[sflag:s17] =	ssyncset.done $0x0  }
0x1f: {  	s15 =	simm.s32 $0x1400;
	[sflag:s17] =	ssyncadd.s32 $0xFFFFEC00  }
0x20: {  	[tilespmem:s15], [sflag:$0x5] =	stream.linear.gather [hbm4b:s11+s4], $0x1400, $0x38;
	[tilespmem:$0x1E400] =	vst v63  }
0x21: {  	_ =	swait.ge [sflag:s17], $0x1400  }
0x22: {  	[sflag:s17] =	ssyncset.done $0x0  }
0x23: {  	[sflag:s17] =	ssyncadd.s32 $0xFFFFEC00  }
0x24: {  	[tilespmem:s19], [sflag:$0x1] =	stream.linear.gather [hbm4b:s10+s4], $0x2000, $0x38;
	[tilespmem:$0x1E400] =	vst v63  }
0x25: {  	_ = 	snop  }
0x26: {  	[tilespmem:s21], [sflag:$0x3] =	stream.indirect.gather [hbm4b:s1+s20], $0x80, s4, s20, $0xb8;
	[tilespmem:$0x1E400] =	vst v63  }
0x27: {  	s18 =	rddreg [dreg:$0x5]  }
0x28: {  	[tilespmem:s22], [sflag:$0x2] =	stream.linear.gather [hbm4b:s18+s4], $0x2000, $0x38;
	[tilespmem:$0x1E400] =	vst v63  }
0x29: {  	s23 =	simm.s32 $0x80;
	s18 =	simm.s32 $0x0  }
0x2a: {  	[tilespmem:s25], [sflag:$0x4] =	stream.indirect.gather [hbm4b:s1+s20], $0x80, s23, s20, $0xb8;
	[tilespmem:$0x1E400] =	vst v63  }
.LBB2_2:
0x2b: {  	_ =	swait.ge [sflag:s26], $0x2000  }
0x2c: {  	[sflag:s26] =	ssyncset.done $0x0  }
0x2d: {  	[sflag:s26] =	ssyncadd.s32 $0xFFFFE000  }
0x2e: {  	_ =	swait.ge [sflag:s28], $0x2000  }
0x2f: {  	[sflag:s28] =	ssyncset.done $0x0  }
0x30: {  	s7 =	simm.s32 $0x0;
	[sflag:s28] =	ssyncadd.s32 $0xFFFFE000  }
0x31: {  	v7 =	vld [tilespmem:s7+$0x2800]  }
0x32: {  	v11 =	vld [tilespmem:s7+$0x2810]  }
0x33: {  	v5 =	vld [tilespmem:s7+$0x2820]  }
0x34: {  	v4 =	vld [tilespmem:s7+$0x2830]  }
0x35: {  	v3 =	vld [tilespmem:s7+$0x2840]  }
0x36: {  	v2 =	vld [tilespmem:s7+$0x2850]  }
0x37: {  	v1 =	vld [tilespmem:s7+$0x2860]  }
0x38: {  	v0 =	vld [tilespmem:s7+$0x2870]  }
0x39: {  	v12 =	vld [tilespmem:s7+$0x6800]  }
0x3a: {  	v13 =	vld [tilespmem:s7+$0x6810]  }
0x3b: {  	v10 =	vld [tilespmem:s7+$0x6820]  }
0x3c: {  	v9 =	vld [tilespmem:s7+$0x6830]  }
0x3d: {  	v8 =	vld [tilespmem:s7+$0x6840]  }
0x3e: {  	v6 =	vld [tilespmem:s7+$0x6850];
	v12 =	vmul.f32 v7, v12  }
0x3f: {  	s12 =	simm.s32 $0x200;
	v11 =	vmul.f32 v11, v13;
	v7 =	vld [tilespmem:s7+$0x6860]  }
.LBB2_3:
0x40: {  	s14 =	sshra.s32 s12, $0x2;
	p0 =	sne.s32 s12, $0x7E00;
	[tilespmem:s7+$0x6800] =	vst v12;
	v5 =	vmul.f32 v5, v10;
	v10 =	vld [tilespmem:s7+$0x6870]  }
0x41: {  	v12 =	vld [tilespmem:s14+$0x2800];
	[tilespmem:s7+$0x6810] =	vst v11;
	v4 =	vmul.f32 v4, v9  }
0x42: {  	v11 =	vld [tilespmem:s14+$0x2810];
	[tilespmem:s7+$0x6820] =	vst v5;
	v3 =	vmul.f32 v3, v8  }
0x43: {  	v5 =	vld [tilespmem:s14+$0x2820];
	[tilespmem:s7+$0x6830] =	vst v4;
	v2 =	vmul.f32 v2, v6  }
0x44: {  	v4 =	vld [tilespmem:s14+$0x2830];
	[tilespmem:s7+$0x6840] =	vst v3;
	v1 =	vmul.f32 v1, v7  }
0x45: {  	v3 =	vld [tilespmem:s14+$0x2840];
	[tilespmem:s7+$0x6850] =	vst v2;
	v0 =	vmul.f32 v0, v10  }
0x46: {  	v2 =	vld [tilespmem:s14+$0x2850];
	[tilespmem:s7+$0x6860] =	vst v1  }
0x47: {  	v1 =	vld [tilespmem:s14+$0x2860];
	[tilespmem:s7+$0x6870] =	vst v0;
	s7 =	smov.u32 s14  }
0x48: {  	v0 =	vld [tilespmem:s7+$0x2870]  }
0x49: {  	v6 =	vld [tilespmem:s7+$0x6800]  }
0x4a: {  	v7 =	vld [tilespmem:s7+$0x6810]  }
.Ltmp0:
0x4b: {  	v10 =	vld [tilespmem:s7+$0x6820];
	(pc) =	sbr.rel @p0 .LBB2_3-.Ltmp0, $4  }
0x4c: {  	v9 =	vld [tilespmem:s7+$0x6830]  }
0x4d: {  	v8 =	vld [tilespmem:s7+$0x6840]  }
0x4e: {  	v12 =	vmul.f32 v12, v6;
	v6 =	vld [tilespmem:s7+$0x6850]  }
0x4f: {  	s12 =	sadd.s32 $0x200, s12;
	v11 =	vmul.f32 v11, v7;
	v7 =	vld [tilespmem:s7+$0x6860]  }
0x50: {  	[tilespmem:s7+$0x6800] =	vst v12;
	v5 =	vmul.f32 v5, v10;
	v10 =	vld [tilespmem:s7+$0x6870]  }
0x51: {  	[tilespmem:s7+$0x6810] =	vst v11;
	v4 =	vmul.f32 v4, v9  }
0x52: {  	[tilespmem:s7+$0x6820] =	vst v5;
	v3 =	vmul.f32 v3, v8  }
0x53: {  	[tilespmem:s7+$0x6830] =	vst v4;
	v2 =	vmul.f32 v2, v6  }
0x54: {  	[tilespmem:s7+$0x6840] =	vst v3;
	v1 =	vmul.f32 v1, v7  }
0x55: {  	s12 =	sshll.u32 s18, $0x8;
	[tilespmem:s7+$0x6850] =	vst v2;
	v0 =	vmul.f32 v0, v10  }
0x56: {  	s23 =	sand.u32 $0x3FFFFF00, s12;
	[tilespmem:s7+$0x6860] =	vst v1  }
0x57: {  	s12 =	sadd.s32 $0x1400, s23;
	[tilespmem:s7+$0x6870] =	vst v0;
	s7 =	sshll.u32 s18, $0x1  }
0x58: {  	[spmem:s3] =	stream.indirect.scatter.add.f32 [tilespmem:s21], [sflag:$0x5], $0x80, s12, s20, $0xb8;
	[tilespmem:$0x1E400] =	vst v63  }
0x59: {  	s12 =	sadd.s32 $0x2, s7  }
0x5a: {  	s14 =	sshll.u32 s12, $0xD  }
0x5b: {  	_ =	swait.ge [sflag:s17], $0x2000;
	s14 =	sadd.s32 s6, s14  }
0x5c: {  	s15 =	simm.s32 $0x0;
	[sflag:s17] =	ssyncset.done $0x0;
	s14 =	sshrl.u32 s14, $0x3  }
0x5d: {  	s12 =	sshll.u32 s12, $0x7;
	[sflag:s17] =	ssyncadd.s32 $0xFFFFE000;
	s14 =	sadd.s32 s5, s14  }
0x5e: {  	[tilespmem:s19], [sflag:$0x1] =	stream.linear.gather [hbm4b:s14+s15], $0x2000, $0x38;
	[tilespmem:$0x1E400] =	vst v63  }
0x5f: {  	s12 =	sand.u32 $0x3FFFFF00, s12  }
0x60: {  	[tilespmem:s21], [sflag:$0x3] =	stream.indirect.gather [hbm4b:s1+s20], $0x80, s12, s20, $0xb8;
	[tilespmem:$0x1E400] =	vst v63  }
0x61: {  	_ =	swait.ge [sflag:s29], $0x2000  }
0x62: {  	[sflag:s29] =	ssyncset.done $0x0  }
0x63: {  	[sflag:s29] =	ssyncadd.s32 $0xFFFFE000  }
0x64: {  	_ =	swait.ge [sflag:s30], $0x2000  }
0x65: {  	[sflag:s30] =	ssyncset.done $0x0  }
0x66: {  	s12 =	simm.s32 $0x0;
	[sflag:s30] =	ssyncadd.s32 $0xFFFFE000  }
0x67: {  	v7 =	vld [tilespmem:s12+$0x4800]  }
0x68: {  	v11 =	vld [tilespmem:s12+$0x4810]  }
0x69: {  	v5 =	vld [tilespmem:s12+$0x4820]  }
0x6a: {  	v4 =	vld [tilespmem:s12+$0x4830]  }
0x6b: {  	v3 =	vld [tilespmem:s12+$0x4840]  }
0x6c: {  	v2 =	vld [tilespmem:s12+$0x4850]  }
0x6d: {  	v1 =	vld [tilespmem:s12+$0x4860]  }
0x6e: {  	v0 =	vld [tilespmem:s12+$0x4870]  }
0x6f: {  	v12 =	vld [tilespmem:s12+$0x8800]  }
0x70: {  	v13 =	vld [tilespmem:s12+$0x8810]  }
0x71: {  	v10 =	vld [tilespmem:s12+$0x8820]  }
0x72: {  	v9 =	vld [tilespmem:s12+$0x8830]  }
0x73: {  	v8 =	vld [tilespmem:s12+$0x8840]  }
0x74: {  	v6 =	vld [tilespmem:s12+$0x8850];
	v12 =	vmul.f32 v7, v12  }
0x75: {  	s14 =	simm.s32 $0x200;
	v11 =	vmul.f32 v11, v13;
	v7 =	vld [tilespmem:s12+$0x8860]  }
.LBB2_5:
0x76: {  	s15 =	sshra.s32 s14, $0x2;
	p0 =	sne.s32 s14, $0x7E00;
	[tilespmem:s12+$0x8800] =	vst v12;
	v5 =	vmul.f32 v5, v10;
	v10 =	vld [tilespmem:s12+$0x8870]  }
0x77: {  	v12 =	vld [tilespmem:s15+$0x4800];
	[tilespmem:s12+$0x8810] =	vst v11;
	v4 =	vmul.f32 v4, v9  }
0x78: {  	v11 =	vld [tilespmem:s15+$0x4810];
	[tilespmem:s12+$0x8820] =	vst v5;
	v3 =	vmul.f32 v3, v8  }
0x79: {  	v5 =	vld [tilespmem:s15+$0x4820];
	[tilespmem:s12+$0x8830] =	vst v4;
	v2 =	vmul.f32 v2, v6  }
0x7a: {  	v4 =	vld [tilespmem:s15+$0x4830];
	[tilespmem:s12+$0x8840] =	vst v3;
	v1 =	vmul.f32 v1, v7  }
0x7b: {  	v3 =	vld [tilespmem:s15+$0x4840];
	[tilespmem:s12+$0x8850] =	vst v2;
	v0 =	vmul.f32 v0, v10  }
0x7c: {  	v2 =	vld [tilespmem:s15+$0x4850];
	[tilespmem:s12+$0x8860] =	vst v1  }
0x7d: {  	v1 =	vld [tilespmem:s15+$0x4860];
	[tilespmem:s12+$0x8870] =	vst v0;
	s12 =	smov.u32 s15  }
0x7e: {  	v0 =	vld [tilespmem:s12+$0x4870]  }
0x7f: {  	v6 =	vld [tilespmem:s12+$0x8800]  }
0x80: {  	v7 =	vld [tilespmem:s12+$0x8810]  }
.Ltmp1:
0x81: {  	v10 =	vld [tilespmem:s12+$0x8820];
	(pc) =	sbr.rel @p0 .LBB2_5-.Ltmp1, $4  }
0x82: {  	v9 =	vld [tilespmem:s12+$0x8830]  }
0x83: {  	v8 =	vld [tilespmem:s12+$0x8840]  }
0x84: {  	v12 =	vmul.f32 v12, v6;
	v6 =	vld [tilespmem:s12+$0x8850]  }
0x85: {  	s14 =	sadd.s32 $0x200, s14;
	v11 =	vmul.f32 v11, v7;
	v7 =	vld [tilespmem:s12+$0x8860]  }
0x86: {  	[tilespmem:s12+$0x8800] =	vst v12;
	v5 =	vmul.f32 v5, v10;
	v63 =	vld [tilespmem:s12+$0x8870]  }
0x87: {  	[tilespmem:s12+$0x8810] =	vst v11;
	v4 =	vmul.f32 v4, v9  }
0x88: {  	[tilespmem:s12+$0x8820] =	vst v5;
	v3 =	vmul.f32 v3, v8  }
0x89: {  	[tilespmem:s12+$0x8830] =	vst v4;
	v2 =	vmul.f32 v2, v6  }
0x8a: {  	[tilespmem:s12+$0x8840] =	vst v3;
	v1 =	vmul.f32 v1, v7  }
0x8b: {  	[tilespmem:s12+$0x8850] =	vst v2;
	v0 =	vmul.f32 v0, v63  }
0x8c: {  	s7 =	sadd.s32 $0x3, s7;
	[tilespmem:s12+$0x8860] =	vst v1  }
0x8d: {  	s15 =	sadd.s32 $0x1480, s23;
	s18 =	sadd.s32 $0x1, s18;
	s23 =	sshll.u32 s7, $0xD;
	[tilespmem:s12+$0x8870] =	vst v0  }
0x8e: {  	[spmem:s3] =	stream.indirect.scatter.add.f32 [tilespmem:s25], [sflag:$0x5], $0x80, s15, s20, $0xb8;
	[tilespmem:$0x1E400] =	vst v63  }
0x8f: {  	p0 =	sne.s32 s18, $0x13;
	s12 =	sadd.s32 s6, s23;
	_ =	swait.ge [sflag:s17], $0x2000  }
.Ltmp2:
0x90: {  	s12 =	sshrl.u32 s12, $0x3;
	[sflag:s17] =	ssyncset.done $0x0;
	(pc) =	sbr.rel @p0 .LBB2_2-.Ltmp2, $4  }
0x91: {  	s7 =	sshll.u32 s7, $0x7;
	s12 =	sadd.s32 s5, s12;
	[sflag:s17] =	ssyncadd.s32 $0xFFFFE000  }
0x92: {  	[tilespmem:s22], [sflag:$0x2] =	stream.linear.gather [hbm4b:s12+s4], $0x2000, $0x38;
	[tilespmem:$0x1E400] =	vst v63  }
0x93: {  	s7 =	sand.u32 $0x3FFFFF80, s7  }
0x94: {  	[tilespmem:s25], [sflag:$0x4] =	stream.indirect.gather [hbm4b:s1+s20], $0x80, s7, s20, $0xb8;
	[tilespmem:$0x1E400] =	vst v63  }
0x95: {  	_ =	swait.ge [sflag:s26], $0x2000  }
0x96: {  	[sflag:s26] =	ssyncset.done $0x0  }
0x97: {  	[sflag:s26] =	ssyncadd.s32 $0xFFFFE000  }
0x98: {  	_ =	swait.ge [sflag:s28], $0x2000  }
0x99: {  	[sflag:s28] =	ssyncset.done $0x0  }
0x9a: {  	s7 =	simm.s32 $0x0;
	[sflag:s28] =	ssyncadd.s32 $0xFFFFE000  }
0x9b: {  	v7 =	vld [tilespmem:s7+$0x2800]  }
0x9c: {  	v11 =	vld [tilespmem:s7+$0x2810]  }
0x9d: {  	v5 =	vld [tilespmem:s7+$0x2820]  }
0x9e: {  	v4 =	vld [tilespmem:s7+$0x2830]  }
0x9f: {  	v3 =	vld [tilespmem:s7+$0x2840]  }
0xa0: {  	v2 =	vld [tilespmem:s7+$0x2850]  }
0xa1: {  	v1 =	vld [tilespmem:s7+$0x2860]  }
0xa2: {  	v0 =	vld [tilespmem:s7+$0x2870]  }
0xa3: {  	v12 =	vld [tilespmem:s7+$0x6800]  }
0xa4: {  	v13 =	vld [tilespmem:s7+$0x6810]  }
0xa5: {  	v10 =	vld [tilespmem:s7+$0x6820]  }
0xa6: {  	v9 =	vld [tilespmem:s7+$0x6830]  }
0xa7: {  	v8 =	vld [tilespmem:s7+$0x6840]  }
0xa8: {  	v6 =	vld [tilespmem:s7+$0x6850];
	v12 =	vmul.f32 v7, v12  }
0xa9: {  	s12 =	simm.s32 $0x200;
	v11 =	vmul.f32 v11, v13;
	v7 =	vld [tilespmem:s7+$0x6860]  }
.LBB2_8:
0xaa: {  	s14 =	sshra.s32 s12, $0x2;
	p0 =	sne.s32 s12, $0x7E00;
	[tilespmem:s7+$0x6800] =	vst v12;
	v5 =	vmul.f32 v5, v10;
	v10 =	vld [tilespmem:s7+$0x6870]  }
0xab: {  	v12 =	vld [tilespmem:s14+$0x2800];
	[tilespmem:s7+$0x6810] =	vst v11;
	v4 =	vmul.f32 v4, v9  }
0xac: {  	v11 =	vld [tilespmem:s14+$0x2810];
	[tilespmem:s7+$0x6820] =	vst v5;
	v3 =	vmul.f32 v3, v8  }
0xad: {  	v5 =	vld [tilespmem:s14+$0x2820];
	[tilespmem:s7+$0x6830] =	vst v4;
	v2 =	vmul.f32 v2, v6  }
0xae: {  	v4 =	vld [tilespmem:s14+$0x2830];
	[tilespmem:s7+$0x6840] =	vst v3;
	v1 =	vmul.f32 v1, v7  }
0xaf: {  	v3 =	vld [tilespmem:s14+$0x2840];
	[tilespmem:s7+$0x6850] =	vst v2;
	v0 =	vmul.f32 v0, v10  }
0xb0: {  	v2 =	vld [tilespmem:s14+$0x2850];
	[tilespmem:s7+$0x6860] =	vst v1  }
0xb1: {  	v1 =	vld [tilespmem:s14+$0x2860];
	[tilespmem:s7+$0x6870] =	vst v0;
	s7 =	smov.u32 s14  }
0xb2: {  	v0 =	vld [tilespmem:s7+$0x2870]  }
0xb3: {  	v6 =	vld [tilespmem:s7+$0x6800]  }
0xb4: {  	v7 =	vld [tilespmem:s7+$0x6810]  }
.Ltmp3:
0xb5: {  	v10 =	vld [tilespmem:s7+$0x6820];
	(pc) =	sbr.rel @p0 .LBB2_8-.Ltmp3, $4  }
0xb6: {  	v9 =	vld [tilespmem:s7+$0x6830]  }
0xb7: {  	v8 =	vld [tilespmem:s7+$0x6840]  }
0xb8: {  	v12 =	vmul.f32 v12, v6;
	v6 =	vld [tilespmem:s7+$0x6850]  }
0xb9: {  	s12 =	sadd.s32 $0x200, s12;
	v11 =	vmul.f32 v11, v7;
	v7 =	vld [tilespmem:s7+$0x6860]  }
0xba: {  	[tilespmem:s7+$0x6800] =	vst v12;
	v5 =	vmul.f32 v5, v10;
	v10 =	vld [tilespmem:s7+$0x6870]  }
0xbb: {  	[tilespmem:s7+$0x6810] =	vst v11;
	v4 =	vmul.f32 v4, v9  }
0xbc: {  	[tilespmem:s7+$0x6820] =	vst v5;
	v3 =	vmul.f32 v3, v8  }
0xbd: {  	[tilespmem:s7+$0x6830] =	vst v4;
	v2 =	vmul.f32 v2, v6  }
0xbe: {  	[tilespmem:s7+$0x6840] =	vst v3;
	v1 =	vmul.f32 v1, v7  }
0xbf: {  	[tilespmem:s7+$0x6850] =	vst v2;
	v0 =	vmul.f32 v0, v10  }
0xc0: {  	[tilespmem:s7+$0x6860] =	vst v1  }
0xc1: {  	[tilespmem:s7+$0x6870] =	vst v0  }
0xc2: {  	[spmem:s3] =	stream.indirect.scatter.add.f32 [tilespmem:s21], [sflag:$0x5], $0x80, s31, s20, $0xb8;
	[tilespmem:$0x1E400] =	vst v63  }
0xc3: {  	_ =	swait.ge [sflag:s17], $0x2000  }
0xc4: {  	[sflag:s17] =	ssyncset.done $0x0  }
0xc5: {  	[sflag:s17] =	ssyncadd.s32 $0xFFFFE000  }
0xc6: {  	_ =	swait.ge [sflag:s29], $0x2000  }
0xc7: {  	[sflag:s29] =	ssyncset.done $0x0  }
0xc8: {  	[sflag:s29] =	ssyncadd.s32 $0xFFFFE000  }
0xc9: {  	_ =	swait.ge [sflag:s30], $0x2000  }
0xca: {  	[sflag:s30] =	ssyncset.done $0x0  }
0xcb: {  	s7 =	simm.s32 $0x0;
	[sflag:s30] =	ssyncadd.s32 $0xFFFFE000  }
0xcc: {  	v7 =	vld [tilespmem:s7+$0x4800]  }
0xcd: {  	v11 =	vld [tilespmem:s7+$0x4810]  }
0xce: {  	v5 =	vld [tilespmem:s7+$0x4820]  }
0xcf: {  	v4 =	vld [tilespmem:s7+$0x4830]  }
0xd0: {  	v3 =	vld [tilespmem:s7+$0x4840]  }
0xd1: {  	v2 =	vld [tilespmem:s7+$0x4850]  }
0xd2: {  	v1 =	vld [tilespmem:s7+$0x4860]  }
0xd3: {  	v0 =	vld [tilespmem:s7+$0x4870]  }
0xd4: {  	v12 =	vld [tilespmem:s7+$0x8800]  }
0xd5: {  	v13 =	vld [tilespmem:s7+$0x8810]  }
0xd6: {  	v10 =	vld [tilespmem:s7+$0x8820]  }
0xd7: {  	v9 =	vld [tilespmem:s7+$0x8830]  }
0xd8: {  	v8 =	vld [tilespmem:s7+$0x8840]  }
0xd9: {  	v6 =	vld [tilespmem:s7+$0x8850];
	v12 =	vmul.f32 v7, v12  }
0xda: {  	s12 =	simm.s32 $0x200;
	v11 =	vmul.f32 v11, v13;
	v7 =	vld [tilespmem:s7+$0x8860]  }
.LBB2_10:
0xdb: {  	s14 =	sshra.s32 s12, $0x2;
	p0 =	sne.s32 s12, $0x7E00;
	[tilespmem:s7+$0x8800] =	vst v12;
	v5 =	vmul.f32 v5, v10;
	v10 =	vld [tilespmem:s7+$0x8870]  }
0xdc: {  	v12 =	vld [tilespmem:s14+$0x4800];
	[tilespmem:s7+$0x8810] =	vst v11;
	v4 =	vmul.f32 v4, v9  }
0xdd: {  	v11 =	vld [tilespmem:s14+$0x4810];
	[tilespmem:s7+$0x8820] =	vst v5;
	v3 =	vmul.f32 v3, v8  }
0xde: {  	v5 =	vld [tilespmem:s14+$0x4820];
	[tilespmem:s7+$0x8830] =	vst v4;
	v2 =	vmul.f32 v2, v6  }
0xdf: {  	v4 =	vld [tilespmem:s14+$0x4830];
	[tilespmem:s7+$0x8840] =	vst v3;
	v1 =	vmul.f32 v1, v7  }
0xe0: {  	v3 =	vld [tilespmem:s14+$0x4840];
	[tilespmem:s7+$0x8850] =	vst v2;
	v0 =	vmul.f32 v0, v10  }
0xe1: {  	v2 =	vld [tilespmem:s14+$0x4850];
	[tilespmem:s7+$0x8860] =	vst v1  }
0xe2: {  	v1 =	vld [tilespmem:s14+$0x4860];
	[tilespmem:s7+$0x8870] =	vst v0;
	s7 =	smov.u32 s14  }
0xe3: {  	v0 =	vld [tilespmem:s7+$0x4870]  }
0xe4: {  	v6 =	vld [tilespmem:s7+$0x8800]  }
0xe5: {  	v7 =	vld [tilespmem:s7+$0x8810]  }
.Ltmp4:
0xe6: {  	v10 =	vld [tilespmem:s7+$0x8820];
	(pc) =	sbr.rel @p0 .LBB2_10-.Ltmp4, $4  }
0xe7: {  	v9 =	vld [tilespmem:s7+$0x8830]  }
0xe8: {  	v8 =	vld [tilespmem:s7+$0x8840]  }
0xe9: {  	v12 =	vmul.f32 v12, v6;
	v6 =	vld [tilespmem:s7+$0x8850]  }
0xea: {  	s12 =	sadd.s32 $0x200, s12;
	v11 =	vmul.f32 v11, v7;
	v7 =	vld [tilespmem:s7+$0x8860]  }
0xeb: {  	[tilespmem:s7+$0x8800] =	vst v12;
	v5 =	vmul.f32 v5, v10;
	v63 =	vld [tilespmem:s7+$0x8870]  }
0xec: {  	[tilespmem:s7+$0x8810] =	vst v11;
	v4 =	vmul.f32 v4, v9  }
0xed: {  	[tilespmem:s7+$0x8820] =	vst v5;
	v3 =	vmul.f32 v3, v8  }
0xee: {  	[tilespmem:s7+$0x8830] =	vst v4;
	v2 =	vmul.f32 v2, v6  }
0xef: {  	[tilespmem:s7+$0x8840] =	vst v3;
	v1 =	vmul.f32 v1, v7  }
0xf0: {  	[tilespmem:s7+$0x8850] =	vst v2;
	v0 =	vmul.f32 v0, v63  }
0xf1: {  	[tilespmem:s7+$0x8860] =	vst v1  }
0xf2: {  	[tilespmem:s7+$0x8870] =	vst v0  }
0xf3: {  	[spmem:s3] =	stream.indirect.scatter.add.f32 [tilespmem:s25], [sflag:$0x5], $0x80, s2, s20, $0xb8;
	[tilespmem:$0x1E400] =	vst v63  }
0xf4: {  	_ =	swait.ge [sflag:s17], $0x2000  }
0xf5: {  	[sflag:s17] =	ssyncset.done $0x0  }
0xf6: {  	s12 =	sadd.s32 $0x280, s9;
	s18 =	simm.s32 $0x0;
	[sflag:s17] =	ssyncadd.s32 $0xFFFFE000  }
0xf7: {  	[tilespmem:s18], [sflag:$0x5] =	stream.linear.gather [hbm4b:s12+s18], $0x1400, $0x38;
	[tilespmem:$0x1E400] =	vst v63  }
0xf8: {  	_ =	swait.ge [sflag:s17], $0x1400  }
0xf9: {  	[sflag:s17] =	ssyncset.done $0x0  }
0xfa: {  	s14 =	sadd.s32 $0x280, s11;
	s12 =	simm.s32 $0x1400;
	[sflag:s17] =	ssyncadd.s32 $0xFFFFEC00  }
0xfb: {  	[tilespmem:s12], [sflag:$0x5] =	stream.linear.gather [hbm4b:s14+s18], $0x1400, $0x38;
	[tilespmem:$0x1E400] =	vst v63  }
0xfc: {  	_ =	swait.ge [sflag:s17], $0x1400  }
0xfd: {  	[sflag:s17] =	ssyncset.done $0x0  }
0xfe: {  	[sflag:s17] =	ssyncadd.s32 $0xFFFFEC00  }
0xff: {  	[tilespmem:s19], [sflag:$0x1] =	stream.linear.gather [hbm4b:s13+s18], $0x2000, $0x38;
	[tilespmem:$0x1E400] =	vst v63  }
0x100: {  	_ = 	snop  }
0x101: {  	[tilespmem:s21], [sflag:$0x3] =	stream.indirect.gather [hbm4b:s1+s20], $0x80, s18, s20, $0xb8;
	[tilespmem:$0x1E400] =	vst v63  }
0x102: {  	s15 =	rddreg [dreg:$0x6]  }
0x103: {  	[tilespmem:s22], [sflag:$0x2] =	stream.linear.gather [hbm4b:s15+s18], $0x2000, $0x38;
	[tilespmem:$0x1E400] =	vst v63  }
0x104: {  	s23 =	simm.s32 $0x80  }
0x105: {  	[tilespmem:s25], [sflag:$0x4] =	stream.indirect.gather [hbm4b:s1+s20], $0x80, s23, s20, $0xb8;
	[tilespmem:$0x1E400] =	vst v63  }
.LBB2_12:
0x106: {  	_ =	swait.ge [sflag:s26], $0x2000  }
0x107: {  	[sflag:s26] =	ssyncset.done $0x0  }
0x108: {  	[sflag:s26] =	ssyncadd.s32 $0xFFFFE000  }
0x109: {  	_ =	swait.ge [sflag:s28], $0x2000  }
0x10a: {  	[sflag:s28] =	ssyncset.done $0x0  }
0x10b: {  	s7 =	simm.s32 $0x0;
	[sflag:s28] =	ssyncadd.s32 $0xFFFFE000  }
0x10c: {  	v7 =	vld [tilespmem:s7+$0x2800]  }
0x10d: {  	v11 =	vld [tilespmem:s7+$0x2810]  }
0x10e: {  	v5 =	vld [tilespmem:s7+$0x2820]  }
0x10f: {  	v4 =	vld [tilespmem:s7+$0x2830]  }
0x110: {  	v3 =	vld [tilespmem:s7+$0x2840]  }
0x111: {  	v2 =	vld [tilespmem:s7+$0x2850]  }
0x112: {  	v1 =	vld [tilespmem:s7+$0x2860]  }
0x113: {  	v0 =	vld [tilespmem:s7+$0x2870]  }
0x114: {  	v12 =	vld [tilespmem:s7+$0x6800]  }
0x115: {  	v13 =	vld [tilespmem:s7+$0x6810]  }
0x116: {  	v10 =	vld [tilespmem:s7+$0x6820]  }
0x117: {  	v9 =	vld [tilespmem:s7+$0x6830]  }
0x118: {  	v8 =	vld [tilespmem:s7+$0x6840]  }
0x119: {  	v6 =	vld [tilespmem:s7+$0x6850];
	v12 =	vmul.f32 v7, v12  }
0x11a: {  	s12 =	simm.s32 $0x200;
	v11 =	vmul.f32 v11, v13;
	v7 =	vld [tilespmem:s7+$0x6860]  }
.LBB2_13:
0x11b: {  	s14 =	sshra.s32 s12, $0x2;
	p0 =	sne.s32 s12, $0x7E00;
	[tilespmem:s7+$0x6800] =	vst v12;
	v5 =	vmul.f32 v5, v10;
	v10 =	vld [tilespmem:s7+$0x6870]  }
0x11c: {  	v12 =	vld [tilespmem:s14+$0x2800];
	[tilespmem:s7+$0x6810] =	vst v11;
	v4 =	vmul.f32 v4, v9  }
0x11d: {  	v11 =	vld [tilespmem:s14+$0x2810];
	[tilespmem:s7+$0x6820] =	vst v5;
	v3 =	vmul.f32 v3, v8  }
0x11e: {  	v5 =	vld [tilespmem:s14+$0x2820];
	[tilespmem:s7+$0x6830] =	vst v4;
	v2 =	vmul.f32 v2, v6  }
0x11f: {  	v4 =	vld [tilespmem:s14+$0x2830];
	[tilespmem:s7+$0x6840] =	vst v3;
	v1 =	vmul.f32 v1, v7  }
0x120: {  	v3 =	vld [tilespmem:s14+$0x2840];
	[tilespmem:s7+$0x6850] =	vst v2;
	v0 =	vmul.f32 v0, v10  }
0x121: {  	v2 =	vld [tilespmem:s14+$0x2850];
	[tilespmem:s7+$0x6860] =	vst v1  }
0x122: {  	v1 =	vld [tilespmem:s14+$0x2860];
	[tilespmem:s7+$0x6870] =	vst v0;
	s7 =	smov.u32 s14  }
0x123: {  	v0 =	vld [tilespmem:s7+$0x2870]  }
0x124: {  	v6 =	vld [tilespmem:s7+$0x6800]  }
0x125: {  	v7 =	vld [tilespmem:s7+$0x6810]  }
.Ltmp5:
0x126: {  	v10 =	vld [tilespmem:s7+$0x6820];
	(pc) =	sbr.rel @p0 .LBB2_13-.Ltmp5, $4  }
0x127: {  	v9 =	vld [tilespmem:s7+$0x6830]  }
0x128: {  	v8 =	vld [tilespmem:s7+$0x6840]  }
0x129: {  	v12 =	vmul.f32 v12, v6;
	v6 =	vld [tilespmem:s7+$0x6850]  }
0x12a: {  	s12 =	sadd.s32 $0x200, s12;
	v11 =	vmul.f32 v11, v7;
	v7 =	vld [tilespmem:s7+$0x6860]  }
0x12b: {  	[tilespmem:s7+$0x6800] =	vst v12;
	v5 =	vmul.f32 v5, v10;
	v10 =	vld [tilespmem:s7+$0x6870]  }
0x12c: {  	[tilespmem:s7+$0x6810] =	vst v11;
	v4 =	vmul.f32 v4, v9  }
0x12d: {  	[tilespmem:s7+$0x6820] =	vst v5;
	v3 =	vmul.f32 v3, v8  }
0x12e: {  	[tilespmem:s7+$0x6830] =	vst v4;
	v2 =	vmul.f32 v2, v6  }
0x12f: {  	[tilespmem:s7+$0x6840] =	vst v3;
	v1 =	vmul.f32 v1, v7  }
0x130: {  	s12 =	sshll.u32 s18, $0x8;
	[tilespmem:s7+$0x6850] =	vst v2;
	v0 =	vmul.f32 v0, v10  }
0x131: {  	s23 =	sand.u32 $0x3FFFFF00, s12;
	[tilespmem:s7+$0x6860] =	vst v1  }
0x132: {  	s12 =	sadd.s32 $0x1400, s23;
	[tilespmem:s7+$0x6870] =	vst v0;
	s7 =	sshll.u32 s18, $0x1  }
0x133: {  	[spmem:s3] =	stream.indirect.scatter.add.f32 [tilespmem:s21], [sflag:$0x5], $0x80, s12, s20, $0xb8;
	[tilespmem:$0x1E400] =	vst v63  }
0x134: {  	s12 =	sadd.s32 $0x2, s7;
	_ =	swait.ge [sflag:s17], $0x2000  }
0x135: {  	s15 =	simm.s32 $0x0;
	s14 =	sshll.u32 s12, $0xA;
	[sflag:s17] =	ssyncset.done $0x0  }
0x136: {  	s12 =	sshll.u32 s12, $0x7;
	s14 =	sadd.s32 s14, s13;
	[sflag:s17] =	ssyncadd.s32 $0xFFFFE000  }
0x137: {  	[tilespmem:s19], [sflag:$0x1] =	stream.linear.gather [hbm4b:s14+s15], $0x2000, $0x38;
	[tilespmem:$0x1E400] =	vst v63  }
0x138: {  	s12 =	sand.u32 $0x3FFFFF00, s12  }
0x139: {  	[tilespmem:s21], [sflag:$0x3] =	stream.indirect.gather [hbm4b:s1+s20], $0x80, s12, s20, $0xb8;
	[tilespmem:$0x1E400] =	vst v63  }
0x13a: {  	_ =	swait.ge [sflag:s29], $0x2000  }
0x13b: {  	[sflag:s29] =	ssyncset.done $0x0  }
0x13c: {  	[sflag:s29] =	ssyncadd.s32 $0xFFFFE000  }
0x13d: {  	_ =	swait.ge [sflag:s30], $0x2000  }
0x13e: {  	[sflag:s30] =	ssyncset.done $0x0  }
0x13f: {  	s12 =	simm.s32 $0x0;
	[sflag:s30] =	ssyncadd.s32 $0xFFFFE000  }
0x140: {  	v7 =	vld [tilespmem:s12+$0x4800]  }
0x141: {  	v11 =	vld [tilespmem:s12+$0x4810]  }
0x142: {  	v5 =	vld [tilespmem:s12+$0x4820]  }
0x143: {  	v4 =	vld [tilespmem:s12+$0x4830]  }
0x144: {  	v3 =	vld [tilespmem:s12+$0x4840]  }
0x145: {  	v2 =	vld [tilespmem:s12+$0x4850]  }
0x146: {  	v1 =	vld [tilespmem:s12+$0x4860]  }
0x147: {  	v0 =	vld [tilespmem:s12+$0x4870]  }
0x148: {  	v12 =	vld [tilespmem:s12+$0x8800]  }
0x149: {  	v13 =	vld [tilespmem:s12+$0x8810]  }
0x14a: {  	v10 =	vld [tilespmem:s12+$0x8820]  }
0x14b: {  	v9 =	vld [tilespmem:s12+$0x8830]  }
0x14c: {  	v8 =	vld [tilespmem:s12+$0x8840]  }
0x14d: {  	v6 =	vld [tilespmem:s12+$0x8850];
	v12 =	vmul.f32 v7, v12  }
0x14e: {  	s14 =	simm.s32 $0x200;
	v11 =	vmul.f32 v11, v13;
	v7 =	vld [tilespmem:s12+$0x8860]  }
.LBB2_15:
0x14f: {  	s15 =	sshra.s32 s14, $0x2;
	p0 =	sne.s32 s14, $0x7E00;
	[tilespmem:s12+$0x8800] =	vst v12;
	v5 =	vmul.f32 v5, v10;
	v10 =	vld [tilespmem:s12+$0x8870]  }
0x150: {  	v12 =	vld [tilespmem:s15+$0x4800];
	[tilespmem:s12+$0x8810] =	vst v11;
	v4 =	vmul.f32 v4, v9  }
0x151: {  	v11 =	vld [tilespmem:s15+$0x4810];
	[tilespmem:s12+$0x8820] =	vst v5;
	v3 =	vmul.f32 v3, v8  }
0x152: {  	v5 =	vld [tilespmem:s15+$0x4820];
	[tilespmem:s12+$0x8830] =	vst v4;
	v2 =	vmul.f32 v2, v6  }
0x153: {  	v4 =	vld [tilespmem:s15+$0x4830];
	[tilespmem:s12+$0x8840] =	vst v3;
	v1 =	vmul.f32 v1, v7  }
0x154: {  	v3 =	vld [tilespmem:s15+$0x4840];
	[tilespmem:s12+$0x8850] =	vst v2;
	v0 =	vmul.f32 v0, v10  }
0x155: {  	v2 =	vld [tilespmem:s15+$0x4850];
	[tilespmem:s12+$0x8860] =	vst v1  }
0x156: {  	v1 =	vld [tilespmem:s15+$0x4860];
	[tilespmem:s12+$0x8870] =	vst v0;
	s12 =	smov.u32 s15  }
0x157: {  	v0 =	vld [tilespmem:s12+$0x4870]  }
0x158: {  	v6 =	vld [tilespmem:s12+$0x8800]  }
0x159: {  	v7 =	vld [tilespmem:s12+$0x8810]  }
.Ltmp6:
0x15a: {  	v10 =	vld [tilespmem:s12+$0x8820];
	(pc) =	sbr.rel @p0 .LBB2_15-.Ltmp6, $4  }
0x15b: {  	v9 =	vld [tilespmem:s12+$0x8830]  }
0x15c: {  	v8 =	vld [tilespmem:s12+$0x8840]  }
0x15d: {  	v12 =	vmul.f32 v12, v6;
	v6 =	vld [tilespmem:s12+$0x8850]  }
0x15e: {  	s14 =	sadd.s32 $0x200, s14;
	v11 =	vmul.f32 v11, v7;
	v7 =	vld [tilespmem:s12+$0x8860]  }
0x15f: {  	[tilespmem:s12+$0x8800] =	vst v12;
	v5 =	vmul.f32 v5, v10;
	v63 =	vld [tilespmem:s12+$0x8870]  }
0x160: {  	[tilespmem:s12+$0x8810] =	vst v11;
	v4 =	vmul.f32 v4, v9  }
0x161: {  	[tilespmem:s12+$0x8820] =	vst v5;
	v3 =	vmul.f32 v3, v8  }
0x162: {  	[tilespmem:s12+$0x8830] =	vst v4;
	v2 =	vmul.f32 v2, v6  }
0x163: {  	[tilespmem:s12+$0x8840] =	vst v3;
	v1 =	vmul.f32 v1, v7  }
0x164: {  	[tilespmem:s12+$0x8850] =	vst v2;
	v0 =	vmul.f32 v0, v63  }
0x165: {  	[tilespmem:s12+$0x8860] =	vst v1  }
0x166: {  	s15 =	sadd.s32 $0x1480, s23;
	s18 =	sadd.s32 $0x1, s18;
	[tilespmem:s12+$0x8870] =	vst v0  }
0x167: {  	[spmem:s3] =	stream.indirect.scatter.add.f32 [tilespmem:s25], [sflag:$0x5], $0x80, s15, s20, $0xb8;
	[tilespmem:$0x1E400] =	vst v63  }
0x168: {  	s7 =	sadd.s32 $0x3, s7;
	p0 =	sne.s32 s18, $0x13;
	_ =	swait.ge [sflag:s17], $0x2000  }
.Ltmp7:
0x169: {  	s23 =	sshll.u32 s7, $0xA;
	[sflag:s17] =	ssyncset.done $0x0;
	(pc) =	sbr.rel @p0 .LBB2_12-.Ltmp7, $4  }
0x16a: {  	s7 =	sshll.u32 s7, $0x7;
	s12 =	sadd.s32 s23, s13;
	[sflag:s17] =	ssyncadd.s32 $0xFFFFE000  }
0x16b: {  	[tilespmem:s22], [sflag:$0x2] =	stream.linear.gather [hbm4b:s12+s4], $0x2000, $0x38;
	[tilespmem:$0x1E400] =	vst v63  }
0x16c: {  	s7 =	sand.u32 $0x3FFFFF80, s7  }
0x16d: {  	[tilespmem:s25], [sflag:$0x4] =	stream.indirect.gather [hbm4b:s1+s20], $0x80, s7, s20, $0xb8;
	[tilespmem:$0x1E400] =	vst v63  }
0x16e: {  	_ =	swait.ge [sflag:s26], $0x2000  }
0x16f: {  	[sflag:s26] =	ssyncset.done $0x0  }
0x170: {  	[sflag:s26] =	ssyncadd.s32 $0xFFFFE000  }
0x171: {  	_ =	swait.ge [sflag:s28], $0x2000  }
0x172: {  	[sflag:s28] =	ssyncset.done $0x0  }
0x173: {  	s7 =	simm.s32 $0x0;
	[sflag:s28] =	ssyncadd.s32 $0xFFFFE000  }
0x174: {  	v7 =	vld [tilespmem:s7+$0x2800]  }
0x175: {  	v11 =	vld [tilespmem:s7+$0x2810]  }
0x176: {  	v5 =	vld [tilespmem:s7+$0x2820]  }
0x177: {  	v4 =	vld [tilespmem:s7+$0x2830]  }
0x178: {  	v3 =	vld [tilespmem:s7+$0x2840]  }
0x179: {  	v2 =	vld [tilespmem:s7+$0x2850]  }
0x17a: {  	v1 =	vld [tilespmem:s7+$0x2860]  }
0x17b: {  	v0 =	vld [tilespmem:s7+$0x2870]  }
0x17c: {  	v12 =	vld [tilespmem:s7+$0x6800]  }
0x17d: {  	v13 =	vld [tilespmem:s7+$0x6810]  }
0x17e: {  	v10 =	vld [tilespmem:s7+$0x6820]  }
0x17f: {  	v9 =	vld [tilespmem:s7+$0x6830]  }
0x180: {  	v8 =	vld [tilespmem:s7+$0x6840]  }
0x181: {  	v6 =	vld [tilespmem:s7+$0x6850];
	v12 =	vmul.f32 v7, v12  }
0x182: {  	s12 =	simm.s32 $0x200;
	v11 =	vmul.f32 v11, v13;
	v7 =	vld [tilespmem:s7+$0x6860]  }
.LBB2_18:
0x183: {  	s14 =	sshra.s32 s12, $0x2;
	p0 =	sne.s32 s12, $0x7E00;
	[tilespmem:s7+$0x6800] =	vst v12;
	v5 =	vmul.f32 v5, v10;
	v10 =	vld [tilespmem:s7+$0x6870]  }
0x184: {  	v12 =	vld [tilespmem:s14+$0x2800];
	[tilespmem:s7+$0x6810] =	vst v11;
	v4 =	vmul.f32 v4, v9  }
0x185: {  	v11 =	vld [tilespmem:s14+$0x2810];
	[tilespmem:s7+$0x6820] =	vst v5;
	v3 =	vmul.f32 v3, v8  }
0x186: {  	v5 =	vld [tilespmem:s14+$0x2820];
	[tilespmem:s7+$0x6830] =	vst v4;
	v2 =	vmul.f32 v2, v6  }
0x187: {  	v4 =	vld [tilespmem:s14+$0x2830];
	[tilespmem:s7+$0x6840] =	vst v3;
	v1 =	vmul.f32 v1, v7  }
0x188: {  	v3 =	vld [tilespmem:s14+$0x2840];
	[tilespmem:s7+$0x6850] =	vst v2;
	v0 =	vmul.f32 v0, v10  }
0x189: {  	v2 =	vld [tilespmem:s14+$0x2850];
	[tilespmem:s7+$0x6860] =	vst v1  }
0x18a: {  	v1 =	vld [tilespmem:s14+$0x2860];
	[tilespmem:s7+$0x6870] =	vst v0;
	s7 =	smov.u32 s14  }
0x18b: {  	v0 =	vld [tilespmem:s7+$0x2870]  }
0x18c: {  	v6 =	vld [tilespmem:s7+$0x6800]  }
0x18d: {  	v7 =	vld [tilespmem:s7+$0x6810]  }
.Ltmp8:
0x18e: {  	v10 =	vld [tilespmem:s7+$0x6820];
	(pc) =	sbr.rel @p0 .LBB2_18-.Ltmp8, $4  }
0x18f: {  	v9 =	vld [tilespmem:s7+$0x6830]  }
0x190: {  	v8 =	vld [tilespmem:s7+$0x6840]  }
0x191: {  	v12 =	vmul.f32 v12, v6;
	v6 =	vld [tilespmem:s7+$0x6850]  }
0x192: {  	s12 =	sadd.s32 $0x200, s12;
	v11 =	vmul.f32 v11, v7;
	v7 =	vld [tilespmem:s7+$0x6860]  }
0x193: {  	[tilespmem:s7+$0x6800] =	vst v12;
	v5 =	vmul.f32 v5, v10;
	v10 =	vld [tilespmem:s7+$0x6870]  }
0x194: {  	[tilespmem:s7+$0x6810] =	vst v11;
	v4 =	vmul.f32 v4, v9  }
0x195: {  	[tilespmem:s7+$0x6820] =	vst v5;
	v3 =	vmul.f32 v3, v8  }
0x196: {  	[tilespmem:s7+$0x6830] =	vst v4;
	v2 =	vmul.f32 v2, v6  }
0x197: {  	[tilespmem:s7+$0x6840] =	vst v3;
	v1 =	vmul.f32 v1, v7  }
0x198: {  	[tilespmem:s7+$0x6850] =	vst v2;
	v0 =	vmul.f32 v0, v10  }
0x199: {  	[tilespmem:s7+$0x6860] =	vst v1  }
0x19a: {  	[tilespmem:s7+$0x6870] =	vst v0  }
0x19b: {  	[spmem:s3] =	stream.indirect.scatter.add.f32 [tilespmem:s21], [sflag:$0x5], $0x80, s31, s20, $0xb8;
	[tilespmem:$0x1E400] =	vst v63  }
0x19c: {  	_ =	swait.ge [sflag:s17], $0x2000  }
0x19d: {  	[sflag:s17] =	ssyncset.done $0x0  }
0x19e: {  	[sflag:s17] =	ssyncadd.s32 $0xFFFFE000  }
0x19f: {  	_ =	swait.ge [sflag:s29], $0x2000  }
0x1a0: {  	[sflag:s29] =	ssyncset.done $0x0  }
0x1a1: {  	[sflag:s29] =	ssyncadd.s32 $0xFFFFE000  }
0x1a2: {  	_ =	swait.ge [sflag:s30], $0x2000  }
0x1a3: {  	[sflag:s30] =	ssyncset.done $0x0  }
0x1a4: {  	s7 =	simm.s32 $0x0;
	[sflag:s30] =	ssyncadd.s32 $0xFFFFE000  }
0x1a5: {  	v7 =	vld [tilespmem:s7+$0x4800]  }
0x1a6: {  	v11 =	vld [tilespmem:s7+$0x4810]  }
0x1a7: {  	v5 =	vld [tilespmem:s7+$0x4820]  }
0x1a8: {  	v4 =	vld [tilespmem:s7+$0x4830]  }
0x1a9: {  	v3 =	vld [tilespmem:s7+$0x4840]  }
0x1aa: {  	v2 =	vld [tilespmem:s7+$0x4850]  }
0x1ab: {  	v1 =	vld [tilespmem:s7+$0x4860]  }
0x1ac: {  	v0 =	vld [tilespmem:s7+$0x4870]  }
0x1ad: {  	v12 =	vld [tilespmem:s7+$0x8800]  }
0x1ae: {  	v13 =	vld [tilespmem:s7+$0x8810]  }
0x1af: {  	v10 =	vld [tilespmem:s7+$0x8820]  }
0x1b0: {  	v9 =	vld [tilespmem:s7+$0x8830]  }
0x1b1: {  	v8 =	vld [tilespmem:s7+$0x8840]  }
0x1b2: {  	v6 =	vld [tilespmem:s7+$0x8850];
	v12 =	vmul.f32 v7, v12  }
0x1b3: {  	s12 =	simm.s32 $0x200;
	v11 =	vmul.f32 v11, v13;
	v7 =	vld [tilespmem:s7+$0x8860]  }
.LBB2_20:
0x1b4: {  	s14 =	sshra.s32 s12, $0x2;
	p0 =	sne.s32 s12, $0x7E00;
	[tilespmem:s7+$0x8800] =	vst v12;
	v5 =	vmul.f32 v5, v10;
	v10 =	vld [tilespmem:s7+$0x8870]  }
0x1b5: {  	v12 =	vld [tilespmem:s14+$0x4800];
	[tilespmem:s7+$0x8810] =	vst v11;
	v4 =	vmul.f32 v4, v9  }
0x1b6: {  	v11 =	vld [tilespmem:s14+$0x4810];
	[tilespmem:s7+$0x8820] =	vst v5;
	v3 =	vmul.f32 v3, v8  }
0x1b7: {  	v5 =	vld [tilespmem:s14+$0x4820];
	[tilespmem:s7+$0x8830] =	vst v4;
	v2 =	vmul.f32 v2, v6  }
0x1b8: {  	v4 =	vld [tilespmem:s14+$0x4830];
	[tilespmem:s7+$0x8840] =	vst v3;
	v1 =	vmul.f32 v1, v7  }
0x1b9: {  	v3 =	vld [tilespmem:s14+$0x4840];
	[tilespmem:s7+$0x8850] =	vst v2;
	v0 =	vmul.f32 v0, v10  }
0x1ba: {  	v2 =	vld [tilespmem:s14+$0x4850];
	[tilespmem:s7+$0x8860] =	vst v1  }
0x1bb: {  	v1 =	vld [tilespmem:s14+$0x4860];
	[tilespmem:s7+$0x8870] =	vst v0;
	s7 =	smov.u32 s14  }
0x1bc: {  	v0 =	vld [tilespmem:s7+$0x4870]  }
0x1bd: {  	v6 =	vld [tilespmem:s7+$0x8800]  }
0x1be: {  	v7 =	vld [tilespmem:s7+$0x8810]  }
.Ltmp9:
0x1bf: {  	v10 =	vld [tilespmem:s7+$0x8820];
	(pc) =	sbr.rel @p0 .LBB2_20-.Ltmp9, $4  }
0x1c0: {  	v9 =	vld [tilespmem:s7+$0x8830]  }
0x1c1: {  	v8 =	vld [tilespmem:s7+$0x8840]  }
0x1c2: {  	v12 =	vmul.f32 v12, v6;
	v6 =	vld [tilespmem:s7+$0x8850]  }
0x1c3: {  	s12 =	sadd.s32 $0x200, s12;
	v11 =	vmul.f32 v11, v7;
	v7 =	vld [tilespmem:s7+$0x8860]  }
0x1c4: {  	[tilespmem:s7+$0x8800] =	vst v12;
	v5 =	vmul.f32 v5, v10;
	v63 =	vld [tilespmem:s7+$0x8870]  }
0x1c5: {  	[tilespmem:s7+$0x8810] =	vst v11;
	v4 =	vmul.f32 v4, v9  }
0x1c6: {  	[tilespmem:s7+$0x8820] =	vst v5;
	v3 =	vmul.f32 v3, v8  }
0x1c7: {  	[tilespmem:s7+$0x8830] =	vst v4;
	v2 =	vmul.f32 v2, v6  }
0x1c8: {  	[tilespmem:s7+$0x8840] =	vst v3;
	v1 =	vmul.f32 v1, v7  }
0x1c9: {  	[tilespmem:s7+$0x8850] =	vst v2;
	v0 =	vmul.f32 v0, v63  }
0x1ca: {  	[tilespmem:s7+$0x8860] =	vst v1  }
0x1cb: {  	[tilespmem:s7+$0x8870] =	vst v0  }
0x1cc: {  	[spmem:s3] =	stream.indirect.scatter.add.f32 [tilespmem:s25], [sflag:$0x5], $0x80, s2, s20, $0xb8;
	[tilespmem:$0x1E400] =	vst v63  }
0x1cd: {  	_ =	swait.ge [sflag:s17], $0x2000  }
0x1ce: {  	[sflag:s17] =	ssyncset.done $0x0  }
0x1cf: {  	[sflag:s17] =	ssyncadd.s32 $0xFFFFE000  }
0x1d0: {  	[bflag:$0x0] =	sbarrier.arrive $0xFFFF  }
0x1d1: {  	[hbm:s24], [sflag:s8] =	dma.local [spmem:s16], $0x2780  }
0x1d2: {  	_ =	swait.ge [sflag:s17], $0x2780  }
0x1d3: {  	s0 =	sadd.s32 $0x1, s0;
	s23 =	rddreg [dreg:$0x7]  }
0x1d4: {  	p0 =	sne.s32 s0, s23  }
.Ltmp10:
0x1d5: {  	_ = 	snop;
	(pc) =	sbr.rel @p0 .LBB2_1-.Ltmp10, $3  }
0x1d6: {  	_ =	sdelay $0x1  }
0x1d7: {  	[sflag:s17] =	ssyncset.done $0x0  }
0x1d8: {  	[sflag:s17] =	ssyncadd.s32 $0xFFFFD880  }
0x1d9: {  	_ =	sfence.sel $0x180000  }
0x1da: {  	[bflag:$0x0] =	sbarrier.arrive $0xFFFF  }
0x1db: {  	_ =	strace $0x90000047  }
0x1dc: {  	s0 =	stileid.u32;
	[bflag:$0x2] =	sbarrier.arrive $0xFFFF  }
0x1dd: {  	p0 =	sne.s32 s0, $0x0;
	s0 =	rddreg [dreg:$0x3]  }
0x1de: {  	s0 =	sadd.s32 @!p0 $0x100000, s0  }
0x1df: {  	[sflag:s0] =	ssyncadd.tile.s32 @!p0 $0x1;
	_ =	shalt  }
.Lfunc_end2:
_tile_overlayer_lowered:
.L_overlay_start_2:
0x1e0: {  	(tag) =	ssettag $0x2  }
0x1e1: {  	s0 =	rddreg [dreg:$0x0];
	s2 =	stileid.u32  }
0x1e2: {  	s1 =	rddreg [dreg:$0x1];
	p0 =	sne.s32 s2, $0x0  }
0x1e3: {  	s3 =	rddreg [dreg:$0x2];
	[bflag:$0x3] =	sbarrier.arrive $0xFFFF;
	s2 =	simm.s32 @!p0 $0x1C05  }
0x1e4: {  	[timem:s3], [sflag:s2] =	dma.local @!p0 [hbm:s0], s1  }
0x1e5: {  	s0 =	simm.s32 @!p0 $0x5  }
0x1e6: {  	_ =	swait.ge @!p0 [sflag:s0], s1  }
0x1e7: {  	s1 =	ssub.s32 @!p0 $0x0, s1;
	[sflag:s0] =	ssyncset.done @!p0 $0x0  }
0x1e8: {  	[sflag:s0] =	ssyncadd.s32 @!p0 s1  }
0x1e9: {  	[bflag:$0x3] =	sbarrier.arrive $0xFFFF  }
0x1ea: {  	_ =	shalt  }

// kernel: kernel.7.cloned.1.call-start
scs
__scs_entry_jumppad:
0x0: {  	(pc) =	sbr.rel $0x88, $3  }
0x1: {  	(tag) =	ssettag $0x0;
	lr =	simm.s32 $0x1  }
0x2: {  	[smem:$0x3F96] =	sst lr;
	_ =	strace $0xD0000000  }
0x3: {  	_ = 	snop  }
0x4: {  	_ = 	snop  }
0x5: {  	_ = 	snop  }
0x6: {  	_ = 	snop  }
0x7: {  	_ = 	snop  }
__scs_overlays_trampoline_lowered:
0x8: {  	[smem:$0x3FA5] =	sst s0  }
0x9: {  	[smem:$0x3FA6] =	sst s1  }
0xa: {  	[smem:$0x3FA7] =	sst s2  }
0xb: {  	[smem:$0x3FA8] =	sst s3  }
0xc: {  	[smem:$0x3FA9] =	sst s4  }
0xd: {  	[smem:$0x3FAA] =	sst s5  }
0xe: {  	[smem:$0x3FAB] =	sst s6  }
0xf: {  	[smem:$0x3FAC] =	sst s7  }
0x10: {  	[smem:$0x3FAD] =	sst s8  }
0x11: {  	[smem:$0x3FAE] =	sst s9;
	s0 =	simm.s32 @!p0 $0x0  }
0x12: {  	s1 =	sld [smem:$0x3F94];
	s0 =	simm.s32 @p0 $0x1  }
0x13: {  	[smem:$0x3FAF] =	sst s0;
	s0 =	simm.s32 @!p1 $0x0  }
0x14: {  	s2 =	sld [smem:$0x3F93];
	s0 =	simm.s32 @p1 $0x1  }
0x15: {  	[smem:$0x3FB0] =	sst s0;
	s0 =	simm.s32 @!p2 $0x0  }
0x16: {  	s3 =	sld [smem:$0x3FDB];
	s0 =	simm.s32 @p2 $0x1  }
0x17: {  	s4 =	simm.s32 $0x1BF5;
	[smem:$0x3FB2] =	sst s0  }
0x18: {  	s0 =	sld [smem:$0x3F95];
	_ =	swait.ge [sflag:s4], $0x0  }
0x19: {  	s7 =	sld [smem:$0x3F96]  }
0x1a: {  	s8 =	sadd.s32 $0xFFFFE003, lr  }
0x1b: {  	s9 =	sadd.s32 $0xFFFFFEF7, lr;
	s5 =	simm.s32 $0xFFFFFFFF;
	p2 =	slt.u32 s8, $0xFFFFF086  }
0x1c: {  	p1 =	slt.u32 s9, $0xF7A;
	s5 =	simm.s32 @!p2 $0x0  }
0x1d: {  	s5 =	simm.s32 @p1 $0x1;
	p0 =	seq.s32 s7, s2  }
0x1e: {  	s7 =	smul.u32 @!p0 $0xF7A, s2;
	p2 =	seq.s32 @!p0 s5, $0x0  }
0x1f: {  	s9 =	smul.u32 $0xF7A, s1;
	s8 =	simm.s32 @!p0 $0x1BF5;
	p2 =	por !p2, p0  }
0x20: {  	[sflag:s8] =	ssyncset.s32 @!p0 $0xFFFFF086;
	s6 =	sadd.s32 @!p0 s3, s7;
	s7 =	simm.s32 @!p0 $0x108  }
0x21: {  	s3 =	sadd.s32 s3, s9;
	s6 =	sadd.s32 @!p0 $0x88, s6;
	s7 =	simm.s32 @p2 $0x1082  }
0x22: {  	[simem:s7], [sflag:s8] =	dma.local @!p0 [hbm:s6], $0xF7A  }
0x23: {  	s9 =	sor.u32 $0xD0000000, s2;
	s6 =	simm.s32 $0x108;
	_ =	swait.ge @!p0 [sflag:s8], $0x0  }
0x24: {  	s3 =	sadd.s32 $0x88, s3;
	s6 =	simm.s32 @!p1 $0x1082;
	[sflag:s4] =	ssyncset.s32 $0xFFFFF086  }
0x25: {  	[simem:s6], [sflag:s4] =	dma.local [hbm:s3], $0xF7A  }
0x26: {  	[smem:$0x3F96] =	sst s1;
	(tag) =	ssettag s2;
	_ =	strace s9  }
0x27: {  	s1 =	sld [smem:$0x3FA6]  }
0x28: {  	s2 =	sld [smem:$0x3FA7]  }
0x29: {  	s4 =	sld [smem:$0x3FA9]  }
0x2a: {  	p0 =	seq.s32 s5, $0x0;
	s5 =	sld [smem:$0x3FAA]  }
0x2b: {  	s6 =	sld [smem:$0x3FAB]  }
0x2c: {  	s7 =	sld [smem:$0x3FAC]  }
0x2d: {  	s3 =	simm.s32 $0x108;
	s8 =	sld [smem:$0x3FAD]  }
0x2e: {  	s3 =	simm.s32 @!p0 $0x1082;
	s9 =	sld [smem:$0x3FAE]  }
0x2f: {  	lr =	sadd.s32 s0, s3;
	s0 =	sld [smem:$0x3FA5]  }
0x30: {  	s3 =	sld [smem:$0x3FA8]  }
0x31: {  	[smem:$0x3FB1] =	sst s10  }
0x32: {  	s10 =	sld [smem:$0x3FAF];
	_ =	sdelay $0x3  }
0x33: {  	p0 =	seq.s32 s10, $0x1;
	s10 =	sld [smem:$0x3FB1];
	_ =	sdelay $0x3  }
0x34: {  	[smem:$0x3FB1] =	sst s10  }
0x35: {  	s10 =	sld [smem:$0x3FB0];
	_ =	sdelay $0x3  }
0x36: {  	p1 =	seq.s32 s10, $0x1;
	s10 =	sld [smem:$0x3FB1];
	_ =	sdelay $0x3  }
0x37: {  	[smem:$0x3FB1] =	sst s10  }
0x38: {  	s10 =	sld [smem:$0x3FB2]  }
0x39: {  	_ = 	snop;
	(pc) =	sbr.ind lr, $3  }
0x3a: {  	_ = 	snop  }
0x3b: {  	_ = 	snop  }
0x3c: {  	p2 =	seq.s32 s10, $0x1;
	s10 =	sld [smem:$0x3FB1]  }
0x3d: {  	_ =	shalt  }
0x3e: {  	_ =	shalt  }
0x3f: {  	_ =	shalt  }
0x40: {  	_ =	shalt  }
0x41: {  	_ =	shalt  }
0x42: {  	_ =	shalt  }
0x43: {  	_ =	shalt  }
0x44: {  	_ =	shalt  }
0x45: {  	_ =	shalt  }
0x46: {  	_ =	shalt  }
0x47: {  	_ =	shalt  }
0x48: {  	_ =	shalt  }
0x49: {  	_ =	shalt  }
0x4a: {  	_ =	shalt  }
0x4b: {  	_ =	shalt  }
0x4c: {  	_ =	shalt  }
0x4d: {  	_ =	shalt  }
0x4e: {  	_ =	shalt  }
0x4f: {  	_ =	shalt  }
0x50: {  	_ =	shalt  }
0x51: {  	_ =	shalt  }
0x52: {  	_ =	shalt  }
0x53: {  	_ =	shalt  }
0x54: {  	_ =	shalt  }
0x55: {  	_ =	shalt  }
0x56: {  	_ =	shalt  }
0x57: {  	_ =	shalt  }
0x58: {  	_ =	shalt  }
0x59: {  	_ =	shalt  }
0x5a: {  	_ =	shalt  }
0x5b: {  	_ =	shalt  }
0x5c: {  	_ =	shalt  }
0x5d: {  	_ =	shalt  }
0x5e: {  	_ =	shalt  }
0x5f: {  	_ =	shalt  }
0x60: {  	_ =	shalt  }
0x61: {  	_ =	shalt  }
0x62: {  	_ =	shalt  }
0x63: {  	_ =	shalt  }
0x64: {  	_ =	shalt  }
0x65: {  	_ =	shalt  }
0x66: {  	_ =	shalt  }
0x67: {  	_ =	shalt  }
0x68: {  	_ =	shalt  }
0x69: {  	_ =	shalt  }
0x6a: {  	_ =	shalt  }
0x6b: {  	_ =	shalt  }
0x6c: {  	_ =	shalt  }
0x6d: {  	_ =	shalt  }
0x6e: {  	_ =	shalt  }
0x6f: {  	_ =	shalt  }
0x70: {  	_ =	shalt  }
0x71: {  	_ =	shalt  }
0x72: {  	_ =	shalt  }
0x73: {  	_ =	shalt  }
0x74: {  	_ =	shalt  }
0x75: {  	_ =	shalt  }
0x76: {  	_ =	shalt  }
0x77: {  	_ =	shalt  }
0x78: {  	_ =	shalt  }
0x79: {  	_ =	shalt  }
0x7a: {  	_ =	shalt  }
0x7b: {  	_ =	shalt  }
0x7c: {  	_ =	shalt  }
0x7d: {  	_ =	shalt  }
0x7e: {  	_ =	shalt  }
0x7f: {  	_ =	shalt  }
0x80: {  	_ =	shalt  }
0x81: {  	_ =	shalt  }
0x82: {  	_ =	shalt  }
0x83: {  	_ =	shalt  }
0x84: {  	_ =	shalt  }
0x85: {  	_ =	shalt  }
0x86: {  	_ =	shalt  }
0x87: {  	_ =	shalt  }
.Lfunc_end0:
.L_simem_size_0:
called_computation_lowered:
.L_overlay_start_0:
0x88: {  	s2 =	sld [smem:$0x3FD9]  }
0x89: {  	s3 =	sld [smem:$0x3FFE];
	_ =	sdelay $0x1  }
0x8a: {  	s1 =	srdreg.scid  }
0x8b: {  	s0 =	sand.u32 $0x1, s1  }
0x8c: {  	s17 =	sshll.u32 s0, $0xA;
	s2 =	sadd.s32 s3, s2  }
0x8d: {  	s2 =	sadd.s32 s2, s17  }
0x8e: {  	[smem:$0x3FBD] =	sst s2  }
0x8f: {  	_ = 	snop  }
0x90: {  	(tm) =	ssettm $0x1  }
0x91: {  	s18 =	sld [smem:$0x3FFB];
	_ =	sdelay $0x3  }
0x92: {  	_ =	strace s18  }
0x93: {  	s2 =	sld [smem:$0x3FFC];
	_ =	sdelay $0x3  }
0x94: {  	_ =	strace s2  }
0x95: {  	s2 =	sld [smem:$0x3FFD];
	_ =	sdelay $0x3  }
0x96: {  	_ =	strace s2  }
0x97: {  	_ =	strace $0x8FFFFFFF  }
0x98: {  	s19 =	sld [smem:$0x3FDB];
	_ =	sdelay $0x1  }
0x99: {  	s20 =	simm.s32 $_scs_section_size  }
0x9a: {  	s4 =	simm.s32 $_size__tile_overlayer_lowered;
	s5 =	simm.s32 $_tile_overlayer_lowered  }
0x9b: {  	s6 =	simm.s32 $0x1BFF;
	s21 =	sshll.u32 s5, $0x1;
	s3 =	sadd.s32 s20, s19  }
0x9c: {  	s22 =	simm.s32 $0x0;
	s4 =	sshll.u32 s4, $0x1;
	s5 =	sadd.s32 s21, s3  }
0x9d: {  	[timem:s22], [sflag:s6] =	dma.local [hbm:s5], s4  }
0x9e: {  	_ =	swait.ge [sflag:s6], s4  }
0x9f: {  	s4 =	ssub.s32 $0x0, s4;
	[sflag:s6] =	ssyncset.done $0x0  }
0xa0: {  	[sflag:s6] =	ssyncadd.s32 s4;
	_ =	sdelay $0x1  }
0xa1: {  	s23 =	simm.s32 $0x1B8B  }
0xa2: {  	_ =	swait.ge [sflag:s23], $0x1  }
0xa3: {  	[sflag:s23] =	ssyncset.done $0x0  }
0xa4: {  	[sflag:s23] =	ssyncadd.s32 $0xFFFFFFFF  }
0xa5: {  	s4 =	sld [smem:$0x0]  }
0xa6: {  	s5 =	sand.u32 $0xFFFFFFFE, s1  }
0xa7: {  	p0 =	sne.s32 s1, s5  }
0xa8: {  	s5 =	sshll.u32 @p0 s5, $0xE  }
0xa9: {  	s5 =	sadd.s32 @p0 $0x11B8D, s5;
	s6 =	sshll.u32 @p0 s4, $0x11  }
0xaa: {  	s5 =	sor.u32 @p0 s6, s5  }
0xab: {  	[sflag:s5] =	ssyncadd.remote.s32 @p0 $0x1;
	_ =	sdelay $0x1  }
0xac: {  	s5 =	simm.s32 @p0 $0x1B8D  }
0xad: {  	_ =	swait.eq @p0 [sflag:s5], $0x1  }
0xae: {  	[sflag:s5] =	ssyncadd.s32 @p0 $0xFFFFFFFF  }
0xaf: {  	s6 =	sshll.u32 @!p0 s1, $0xE  }
0xb0: {  	s6 =	sor.u32 @!p0 $0x4000, s6;
	s5 =	simm.s32 @!p0 $0x1B8D  }
0xb1: {  	s4 =	sshll.u32 @!p0 s4, $0x11;
	s6 =	sadd.s32 @!p0 $0x11B8D, s6;
	_ =	swait.eq @!p0 [sflag:s5], $0x1  }
0xb2: {  	s4 =	sor.u32 @!p0 s4, s6;
	[sflag:s5] =	ssyncadd.s32 @!p0 $0xFFFFFFFF  }
0xb3: {  	s25 =	simm.s32 $0x1B8E;
	s24 =	sld [smem:$0x3FFE];
	[sflag:s4] =	ssyncadd.remote.s32 @!p0 $0x1  }
0xb4: {  	s26 =	simm.s32 $execute0_lowered;
	[smem:$0x3FD2] =	sst s25  }
0xb5: {  	s5 =	sshll.u32 s26, $0x1;
	_ =	strace $0x80000049;
	[dreg:$0x1] =	wrdreg $0xFFFFFFFF  }
0xb6: {  	s28 =	simm.s32 $_size_execute0_lowered;
	s3 =	sadd.s32 s3, s5;
	[dreg:$0x0] =	wrdreg $0x0  }
0xb7: {  	s5 =	sshll.u32 s28, $0x1;
	[dreg:$0x2] =	wrdreg s3  }
0xb8: {  	[dreg:$0x3] =	wrdreg s5  }
0xb9: {  	[dreg:$0x4] =	wrdreg $0xC0  }
0xba: {  	_ =	task [dreg:s22], $0x5FFFF  }
0xbb: {  	[dreg:$0x1] =	wrdreg $0xFFFFFFFF  }
0xbc: {  	[dreg:$0x0] =	wrdreg $0x60  }
0xbd: {  	[dreg:$0x2] =	wrdreg s24  }
0xbe: {  	[dreg:$0x3] =	wrdreg $0x34000  }
0xbf: {  	[dreg:$0x4] =	wrdreg $0x9  }
0xc0: {  	_ =	task.clear_ibuf [dreg:s22], $0x5FFFF;
	_ =	strace $0x90000049  }
0xc1: {  	s29 =	simm.s32 $0x9;
	_ =	strace $0x8000004B  }
0xc2: {  	_ =	swait.ge [sflag:s29], $0x1  }
0xc3: {  	[sflag:s29] =	ssyncadd.s32 $0xFFFFFFFF  }
0xc4: {  	_ =	strace $0x9000004B  }
0xc5: {  	_ =	sfence  }
0xc6: {  	s30 =	sld [smem:$0x0];
	_ =	sdelay $0x2  }
0xc7: {  	s31 =	sshll.u32 s1, $0xD;
	s1 =	sshrl.u32 s1, $0x2  }
0xc8: {  	s4 =	sand.u32 $0x4000, s31;
	s1 =	sadd.s32 s1, s30  }
0xc9: {  	s0 =	sor.u32 s4, s0;
	s1 =	sshll.u32 s1, $0x11  }
0xca: {  	s0 =	sor.u32 s1, s0  }
0xcb: {  	s0 =	sadd.s32 $0x8F2B, s0  }
0xcc: {  	[sflag:s0] =	ssyncadd.remote.s32 $0x1  }
0xcd: {  	_ =	sfence.sel $0xFFFF  }
0xce: {  	[dreg:$0x0] =	wrdreg $0xFFFFFFFF;
	(pc) =	sbr.abs _section_cstart, $3  }
0xcf: {  	[dreg:$0x1] =	wrdreg $0xFFFFFFFF  }
0xd0: {  	_ =	task.clear_ibuf [dreg:s22], $0x2FFFF;
	_ =	strace $0x9FFFFFFF  }
0xd1: {  	(tm) =	ssettm $0x7FFFFFFF  }
tec
execute0_lowered:
.L_overlay_start_1:
0x0: {  	(tag) =	ssettag $0x1  }
0x1: {  	s1 =	srdreg.scid;
	s4 =	rddreg [dreg:$0x0]  }
0x2: {  	s0 =	stileid.u32;
	s2 =	rddreg [dreg:$0x1];
	s3 =	simm.s32 $0x0  }
0x3: {  	s11 =	simm.s32 $0x1400;
	s5 =	sand.u32 $0x1, s1;
	s1 =	rddreg [dreg:$0x2]  }
0x4: {  	s28 =	sshll.u32 s0, $0x1;
	[smem:$0x7FF] =	sst s3;
	s13 =	smul.u32 $0x2780, s0  }
0x5: {  	s8 =	smul.u32 $0x4F000, s0;
	s31 =	sshll.u32 s0, $0x6;
	s6 =	sor.u32 s5, s28  }
0x6: {  	_ =	strace $0x8000004A;
	s7 =	smul.u32 $0x27800, s5;
	s5 =	ssub.s32 $0x2, s5  }
0x7: {  	s6 =	smul.u32 $0x500, s6;
	s9 =	sadd.s32 s13, s4;
	s29 =	sshrl.u32 s5, $0x1  }
0x8: {  	s30 =	sshrl.u32 s8, $0x2;
	s7 =	sadd.s32 s7, s4;
	s10 =	ssub.s32 s5, s29  }
0x9: {  	s8 =	sadd.s32 s30, s2;
	s5 =	sor.u32 $0x1C01, s31;
	s6 =	sadd.s32 s6, s4  }
0xa: {  	s4 =	sadd.s32 $0x2E5800, s9;
	s14 =	sadd.s32 $0x35C000, s7;
	s7 =	smax.u32 s10, $0x1  }
0xb: {  	s8 =	sshrl.u32 s8, $0x3;
	s9 =	simm.s32 $0x1;
	s6 =	sadd.s32 $0x34600, s6  }
0xc: {  	v0 =	vimm.f32 $1.000000000e+00;
	s10 =	simm.s32 $0x40;
	s13 =	sadd.s32 s13, s14;
	s12 =	sadd.s32 $0x280, s6  }
.LBB2_1:
0xd: {  	s14 =	simm.s32 $0x0;
	s15 =	simm.s32 $0x200  }
.LBB2_2:
0xe: {  	p0 =	sne.s32 s15, $0x7E00;
	[tilespmem:s14+$0x1470] =	vst v0  }
0xf: {  	[tilespmem:s14+$0x1400] =	vst v0  }
0x10: {  	[tilespmem:s14+$0x1410] =	vst v0  }
.Ltmp0:
0x11: {  	[tilespmem:s14+$0x1420] =	vst v0;
	(pc) =	sbr.rel @p0 .LBB2_2-.Ltmp0, $4  }
0x12: {  	[tilespmem:s14+$0x1430] =	vst v0  }
0x13: {  	[tilespmem:s14+$0x1440] =	vst v0  }
0x14: {  	[tilespmem:s14+$0x1450] =	vst v0  }
0x15: {  	[tilespmem:s14+$0x1460] =	vst v0;
	s14 =	sshra.s32 s15, $0x2;
	s15 =	sadd.s32 $0x200, s15  }
0x16: {  	[tilespmem:s14+$0x1470] =	vst v0  }
0x17: {  	[tilespmem:s14+$0x1400] =	vst v0  }
0x18: {  	[tilespmem:s14+$0x1410] =	vst v0  }
0x19: {  	[tilespmem:s14+$0x1420] =	vst v0  }
0x1a: {  	[tilespmem:s14+$0x1430] =	vst v0  }
0x1b: {  	[tilespmem:s14+$0x1440] =	vst v0  }
0x1c: {  	[tilespmem:s14+$0x1450] =	vst v0  }
0x1d: {  	[tilespmem:s14+$0x1460] =	vst v0  }
0x1e: {  	[spmem:s8], [sflag:s5] =	dma.local [hbm:s4], $0x2780  }
0x1f: {  	_ =	swait.ge [sflag:s9], $0x2780  }
0x20: {  	[sflag:s9] =	ssyncset.done $0x0  }
0x21: {  	[sflag:s9] =	ssyncadd.s32 $0xFFFFD880  }
0x22: {  	s30 =	simm.s32 $0x0;
	[bflag:$0x0] =	sbarrier.arrive $0xFFFF  }
0x23: {  	[tilespmem:s30], [sflag:$0x1] =	stream.linear.gather [hbm4b:s6+s30], $0x1400, $0x38;
	[tilespmem:$0x17000] =	vst v63  }
0x24: {  	_ =	swait.ge [sflag:s9], $0x1400  }
0x25: {  	[sflag:s9] =	ssyncset.done $0x0  }
0x26: {  	s31 =	simm.s32 $0x0;
	[sflag:s9] =	ssyncadd.s32 $0xFFFFEC00  }
0x27: {  	[spmem:s2] =	stream.indirect.scatter.add.f32 [tilespmem:s11], [sflag:$0x1], $0x80, s31, s10, $0xb8;
	[tilespmem:$0x17000] =	vst v63  }
0x28: {  	_ =	swait.ge [sflag:s9], $0x2000  }
0x29: {  	s14 =	simm.s32 $0x200;
	[sflag:s9] =	ssyncset.done $0x0  }
.LBB2_4:
0x2a: {  	s15 =	sshra.s32 s14, $0x2;
	[sflag:s9] =	ssyncadd.s32 $0xFFFFE000;
	p0 =	sne.s32 s14, $0x4E00  }
0x2b: {  	[spmem:s2] =	stream.indirect.scatter.add.f32 [tilespmem:s11], [sflag:$0x1], $0x80, s15, s10, $0xb8;
	[tilespmem:$0x17000] =	vst v63  }
.Ltmp1:
0x2c: {  	_ = 	snop;
	(pc) =	sbr.rel @p0 .LBB2_4-.Ltmp1, $4  }
0x2d: {  	_ = 	snop  }
0x2e: {  	s14 =	sadd.s32 $0x200, s14  }
0x2f: {  	_ =	swait.ge [sflag:s9], $0x2000  }
0x30: {  	[sflag:s9] =	ssyncset.done $0x0  }
0x31: {  	[sflag:s9] =	ssyncadd.s32 $0xFFFFE000;
	s14 =	simm.s32 $0x0  }
0x32: {  	[tilespmem:s14], [sflag:$0x1] =	stream.linear.gather [hbm4b:s12+s14], $0x1400, $0x38;
	[tilespmem:$0x17000] =	vst v63  }
0x33: {  	_ =	swait.ge [sflag:s9], $0x1400  }
0x34: {  	[sflag:s9] =	ssyncset.done $0x0  }
0x35: {  	s31 =	simm.s32 $0x0;
	[sflag:s9] =	ssyncadd.s32 $0xFFFFEC00  }
0x36: {  	[spmem:s2] =	stream.indirect.scatter.add.f32 [tilespmem:s11], [sflag:$0x1], $0x80, s31, s10, $0xb8;
	[tilespmem:$0x17000] =	vst v63  }
0x37: {  	_ =	swait.ge [sflag:s9], $0x2000  }
0x38: {  	s14 =	simm.s32 $0x200;
	[sflag:s9] =	ssyncset.done $0x0  }
.LBB2_6:
0x39: {  	s15 =	sshra.s32 s14, $0x2;
	[sflag:s9] =	ssyncadd.s32 $0xFFFFE000;
	p0 =	sne.s32 s14, $0x4E00  }
0x3a: {  	[spmem:s2] =	stream.indirect.scatter.add.f32 [tilespmem:s11], [sflag:$0x1], $0x80, s15, s10, $0xb8;
	[tilespmem:$0x17000] =	vst v63  }
.Ltmp2:
0x3b: {  	_ = 	snop;
	(pc) =	sbr.rel @p0 .LBB2_6-.Ltmp2, $4  }
0x3c: {  	_ = 	snop  }
0x3d: {  	s14 =	sadd.s32 $0x200, s14  }
0x3e: {  	_ =	swait.ge [sflag:s9], $0x2000  }
0x3f: {  	[sflag:s9] =	ssyncset.done $0x0  }
0x40: {  	s3 =	sadd.s32 $0x1, s3  }
0x41: {  	[sflag:s9] =	ssyncadd.s32 $0xFFFFE000;
	p0 =	sne.s32 s3, s7  }
.Ltmp3:
0x42: {  	[bflag:$0x0] =	sbarrier.arrive $0xFFFF;
	(pc) =	sbr.rel @p0 .LBB2_1-.Ltmp3, $4  }
0x43: {  	[hbm:s13], [sflag:s5] =	dma.local [spmem:s8], $0x2780  }
0x44: {  	_ =	swait.ge [sflag:s9], $0x2780  }
0x45: {  	[sflag:s9] =	ssyncset.done $0x0  }
0x46: {  	[sflag:s9] =	ssyncadd.s32 $0xFFFFD880  }
0x47: {  	_ =	sfence.sel $0x180000  }
0x48: {  	[bflag:$0x0] =	sbarrier.arrive $0xFFFF  }
0x49: {  	p0 =	sne.s32 s0, $0x0;
	_ =	strace $0x9000004A  }
0x4a: {  	s0 =	sadd.s32 @!p0 $0x100000, s1;
	[bflag:$0x2] =	sbarrier.arrive $0xFFFF  }
0x4b: {  	[sflag:s0] =	ssyncadd.tile.s32 @!p0 $0x1;
	_ =	shalt  }
.Lfunc_end2:
_tile_overlayer_lowered:
.L_overlay_start_2:
0x4c: {  	(tag) =	ssettag $0x2  }
0x4d: {  	s0 =	rddreg [dreg:$0x0];
	s2 =	stileid.u32  }
0x4e: {  	s1 =	rddreg [dreg:$0x1];
	p0 =	sne.s32 s2, $0x0  }
0x4f: {  	s3 =	rddreg [dreg:$0x2];
	[bflag:$0x3] =	sbarrier.arrive $0xFFFF;
	s2 =	simm.s32 @!p0 $0x1C01  }
0x50: {  	[timem:s3], [sflag:s2] =	dma.local @!p0 [hbm:s0], s1  }
0x51: {  	s0 =	simm.s32 @!p0 $0x1  }
0x52: {  	_ =	swait.ge @!p0 [sflag:s0], s1  }
0x53: {  	s1 =	ssub.s32 @!p0 $0x0, s1;
	[sflag:s0] =	ssyncset.done @!p0 $0x0  }
0x54: {  	[sflag:s0] =	ssyncadd.s32 @!p0 s1  }
0x55: {  	[bflag:$0x3] =	sbarrier.arrive $0xFFFF  }
0x56: {  	_ =	shalt  }

</sc_bundles>
